<compile_context>
chip_gen: v7x
topology: tpu7x:2x2x1
jax: 0.10.2.dev20260603
libtpu: 0.0.44.dev20260713+nightly
codegen_flags: <defaults>
</compile_context>

<pallas_src>
import functools

import jax
import jax.numpy as jnp
from jax import lax
from jax.experimental import pallas as pl
from jax.experimental.pallas import tpu as pltpu
from jax.experimental.pallas import tpu_sc as plsc

N = 10000
E = 320000
NC = 2
NS = 16
NW = NC * NS
RAW = 6
DPAD = 16
CHUNK = 128
CHUNKS_TOTAL = E // CHUNK
K_FULL = CHUNKS_TOTAL // NW
N_EXTRA = CHUNKS_TOTAL - K_FULL * NW
NBUF = 2
NIDX = 4
ZROWS = 80
N_ROWBLK = N // ZROWS


def _scatter_add_sc(h, idx, D):
    mesh = plsc.VectorSubcoreMesh(core_axis_name="c", subcore_axis_name="s")

    @functools.partial(
        pl.kernel,
        out_type=jax.ShapeDtypeStruct((NC, N, D), jnp.float32),
        mesh=mesh,
        scratch_types=[
            [pltpu.VMEM((CHUNK,), jnp.int32) for _ in range(NIDX)],
            [pltpu.VMEM((CHUNK,), jnp.int32) for _ in range(NIDX)],
            [pltpu.VMEM((CHUNK, D), jnp.float32) for _ in range(NBUF)],
            [pltpu.SemaphoreType.DMA for _ in range(NIDX)],
            [pltpu.SemaphoreType.DMA for _ in range(NIDX)],
            [pltpu.SemaphoreType.DMA for _ in range(NBUF)],
            [pltpu.SemaphoreType.DMA for _ in range(NBUF)],
            pltpu.VMEM((ZROWS, D), jnp.float32),
            pltpu.VMEM_SHARED((N, D), jnp.float32),
        ],
        compiler_params=pltpu.CompilerParams(use_tc_tiling_on_sc=False),
    )
    def k(h_hbm, idx_hbm, out_hbm, srcs, dsts, rows, s_sems, d_sems, gsems,
          ssems, zero_v, acc):
        c = lax.axis_index("c")
        s = lax.axis_index("s")
        wid = c * NS + s

        zvec = jnp.zeros((16,), jnp.float32)

        @pl.loop(0, ZROWS)
        def _(r):
            for cc in range(D // 16):
                zero_v[r, pl.ds(cc * 16, 16)] = zvec

        @pl.loop(s, N_ROWBLK, step=NS)
        def _(j):
            pltpu.sync_copy(zero_v, acc.at[pl.ds(j * ZROWS, ZROWS)])

        plsc.subcore_barrier()

        def load_chunk(cid, sl):
            o = cid * CHUNK
            pltpu.async_copy(idx_hbm.at[0].at[pl.ds(o, CHUNK)], srcs[sl],
                             s_sems[sl])
            pltpu.async_copy(idx_hbm.at[1].at[pl.ds(o, CHUNK)], dsts[sl],
                             d_sems[sl])

        def load_idx(k, sl):
            load_chunk(wid + NW * k, sl)

        def wait_idx(sl):
            pltpu.make_async_copy(idx_hbm.at[0].at[pl.ds(0, CHUNK)],
                                  srcs[sl], s_sems[sl]).wait()
            pltpu.make_async_copy(idx_hbm.at[1].at[pl.ds(0, CHUNK)],
                                  dsts[sl], d_sems[sl]).wait()

        def start_gather(sl, b):
            pltpu.async_copy(h_hbm.at[srcs[sl]], rows[b], gsems[b])

        def wait_gather(sl, b):
            pltpu.make_async_copy(h_hbm.at[srcs[sl]], rows[b],
                                  gsems[b]).wait()

        def start_scatter(sl, b):
            pltpu.async_copy(rows[b], acc.at[dsts[sl]], ssems[b], add=True)

        def wait_scatter(sl, b):
            pltpu.make_async_copy(rows[b], acc.at[dsts[sl]],
                                  ssems[b]).wait()

        def step(k, q, static):
            b = q % NBUF
            bn = (b + 1) % NBUF
            qn = (q + 1) % NIDX
            qp = (q + 3) % NIDX
            if static:
                if k >= 1:
                    wait_scatter(qp, bn)
                if k + 1 < K_FULL:
                    wait_idx(qn)
                    start_gather(qn, bn)
                wait_gather(q, b)
                if k + 3 < K_FULL:
                    load_idx(k + 3, qp)
                start_scatter(q, b)
            else:
                @pl.when(k >= 1)
                def _():
                    wait_scatter(qp, bn)

                @pl.when(k + 1 < K_FULL)
                def _():
                    wait_idx(qn)
                    start_gather(qn, bn)

                wait_gather(q, b)

                @pl.when(k + 3 < K_FULL)
                def _():
                    load_idx(k + 3, qp)

                start_scatter(q, b)

        load_idx(0, 0)
        load_idx(1, 1)
        load_idx(2, 2)
        wait_idx(0)
        start_gather(0, 0)

        n_grp = K_FULL // NIDX

        @pl.loop(0, n_grp)
        def _(g):
            j0 = g * NIDX
            for q in range(NIDX):
                step(j0 + q, q, static=False)

        for k in range(n_grp * NIDX, K_FULL):
            step(k, k % NIDX, static=True)

        wait_scatter((K_FULL - 1) % NIDX, (K_FULL - 1) % NBUF)

        @pl.when(wid < N_EXTRA)
        def _():
            load_chunk(NW * K_FULL + wid, 0)
            wait_idx(0)
            start_gather(0, 0)
            wait_gather(0, 0)
            start_scatter(0, 0)
            wait_scatter(0, 0)

        plsc.subcore_barrier()

        @pl.loop(s, N_ROWBLK, step=NS)
        def _(j):
            r0 = j * ZROWS
            pltpu.sync_copy(acc.at[pl.ds(r0, ZROWS)], zero_v)
            pltpu.sync_copy(zero_v, out_hbm.at[c].at[pl.ds(r0, ZROWS)])

    return k(h, idx)


def _fused_body(p_ref, wp_ref, bp_ref, w1_ref, w2_ref, o_ref):
    wf = lax.dot_general(wp_ref[...], w1_ref[...], (((0,), (0,)), ((), ())),
                         preferred_element_type=jnp.float32)
    bf = lax.dot_general(bp_ref[...], w1_ref[...], (((1,), (0,)), ((), ())),
                         preferred_element_type=jnp.float32)
    ps = p_ref[0] + p_ref[1]
    agg = lax.dot_general(ps[:, :RAW], wf, (((1,), (0,)), ((), ())),
                          preferred_element_type=jnp.float32)
    agg = agg + ps[:, RAW:RAW + 1] * bf
    x1 = jnp.maximum(agg, 0.0)
    o_ref[...] = lax.dot_general(x1, w2_ref[...], (((1,), (0,)), ((), ())),
                                 preferred_element_type=jnp.float32)


def _sum_body(q_ref, o_ref):
    o_ref[...] = q_ref[0] + q_ref[1]


def kernel(inputx, adj, nums, Wp, bp, W1, W2):
    del nums
    idx = adj
    nfeat = W1.shape[0]
    nhid = W1.shape[1]
    nclass = W2.shape[1]

    ix16 = jnp.concatenate(
        [inputx, jnp.ones((N, 1), jnp.float32),
         jnp.zeros((N, DPAD - RAW - 1), jnp.float32)], axis=1)

    p = _scatter_add_sc(ix16, idx, DPAD)

    blk = 1000
    h2 = pl.pallas_call(
        _fused_body,
        grid=(N // blk,),
        in_specs=[
            pl.BlockSpec((NC, blk, DPAD), lambda i: (0, i, 0)),
            pl.BlockSpec((nfeat, RAW), lambda i: (0, 0)),
            pl.BlockSpec((1, nfeat), lambda i: (0, 0)),
            pl.BlockSpec((nfeat, nhid), lambda i: (0, 0)),
            pl.BlockSpec((nhid, nclass), lambda i: (0, 0)),
        ],
        out_specs=pl.BlockSpec((blk, nclass), lambda i: (i, 0)),
        out_shape=jax.ShapeDtypeStruct((N, nclass), jnp.float32),
    )(p, Wp, bp.reshape(1, nfeat), W1, W2)

    q = _scatter_add_sc(h2, idx, nclass)

    out = pl.pallas_call(
        _sum_body,
        out_shape=jax.ShapeDtypeStruct((N, nclass), jnp.float32),
    )(q)
    return out

# --- scband reference (transcript-rebuilt; emitter-appended) ---
"""Pipeline reference for scband-gcn-2190433321521 (READ-ONLY COPY).

The authoritative reference and input builder live on the scoring server;
editing this copy changes nothing except your own understanding.
"""

import jax, jax.numpy as jnp
import numpy as np

N = 10000
E = 320000
RAW = 6
NFEAT = 128
NHID = 128
NCLASS = 64

def setup_inputs(seed: int = 0) -> dict:
    key = jax.random.key(seed)
    k1, k2, k3, k4, k5, k6 = jax.random.split(key, 6)
    inputx = jax.random.normal(k1, (N, RAW), dtype=jnp.float32)
    adj = jax.random.randint(k2, (2, E), 0, N, dtype=jnp.int32)
    nums = jnp.zeros((3, 2), dtype=jnp.int32)
    # linear_p: nn.Linear(6, nfeat) -> weight [NFEAT, RAW], bias [NFEAT]
    Wp = jax.random.normal(k3, (NFEAT, RAW), dtype=jnp.float32) * (1.0 / np.sqrt(RAW))
    bp = jax.random.normal(k4, (NFEAT,), dtype=jnp.float32) * 0.01
    # GCNConv lin weights (bias=False): store as [in, out]
    W1 = jax.random.normal(k5, (NFEAT, NHID), dtype=jnp.float32) * (1.0 / np.sqrt(NFEAT))
    W2 = jax.random.normal(k6, (NHID, NCLASS), dtype=jnp.float32) * (1.0 / np.sqrt(NHID))
    return {"inputx": inputx, "adj": adj, "nums": nums, "Wp": Wp, "bp": bp, "W1": W1, "W2": W2}

def reference(inputx, adj, nums, Wp, bp, W1, W2):
    # nums is all zeros -> all node slices for linear_r / linear_u are empty;
    # the entire inputx goes through linear_p (x[nums[2][1]:] = linear_p(inputx[0:])).
    x = inputx @ Wp.T + bp  # [N, NFEAT]
    src = adj[0]
    dst = adj[1]
    # gc1: GCNConv(normalize=False, add_self_loops=False, bias=False):
    # out[dst] += (x @ W1)[src]
    h1 = x @ W1
    agg1 = jnp.zeros((x.shape[0], h1.shape[1]), dtype=h1.dtype).at[dst].add(h1[src])
    x1 = jax.nn.relu(agg1)
    # dropout inactive in eval mode
    h2 = x1 @ W2
    out = jnp.zeros((x.shape[0], h2.shape[1]), dtype=h2.dtype).at[dst].add(h2[src])
    return out

if __name__ == "__main__":
    import jax
    _d = setup_inputs()
    print(jax.jit(kernel)(*tuple(_d.values())))

</pallas_src>

<mosaic_0001>
#map = affine_map<(d0, d1) -> (0, 0)>
#map1 = affine_map<(d0, d1) -> (0, 0, 0)>
module attributes {stable_mosaic.version = 14 : i64} {
  func.func @k(%arg0: i32, %arg1: i32, %arg2: memref<10000x64xf32, #tpu.memory_space<hbm>>, %arg3: memref<2x320000xi32, #tpu.memory_space<hbm>>, %arg4: memref<2x10000x64xf32, #tpu.memory_space<hbm>>, %arg5: memref<128xi32, #tpu.memory_space<vmem>>, %arg6: memref<128xi32, #tpu.memory_space<vmem>>, %arg7: memref<128xi32, #tpu.memory_space<vmem>>, %arg8: memref<128xi32, #tpu.memory_space<vmem>>, %arg9: memref<128xi32, #tpu.memory_space<vmem>>, %arg10: memref<128xi32, #tpu.memory_space<vmem>>, %arg11: memref<128xi32, #tpu.memory_space<vmem>>, %arg12: memref<128xi32, #tpu.memory_space<vmem>>, %arg13: memref<128x64xf32, #tpu.memory_space<vmem>>, %arg14: memref<128x64xf32, #tpu.memory_space<vmem>>, %arg15: memref<!tpu.dma_semaphore, #tpu.memory_space<semaphore_mem>>, %arg16: memref<!tpu.dma_semaphore, #tpu.memory_space<semaphore_mem>>, %arg17: memref<!tpu.dma_semaphore, #tpu.memory_space<semaphore_mem>>, %arg18: memref<!tpu.dma_semaphore, #tpu.memory_space<semaphore_mem>>, %arg19: memref<!tpu.dma_semaphore, #tpu.memory_space<semaphore_mem>>, %arg20: memref<!tpu.dma_semaphore, #tpu.memory_space<semaphore_mem>>, %arg21: memref<!tpu.dma_semaphore, #tpu.memory_space<semaphore_mem>>, %arg22: memref<!tpu.dma_semaphore, #tpu.memory_space<semaphore_mem>>, %arg23: memref<!tpu.dma_semaphore, #tpu.memory_space<semaphore_mem>>, %arg24: memref<!tpu.dma_semaphore, #tpu.memory_space<semaphore_mem>>, %arg25: memref<!tpu.dma_semaphore, #tpu.memory_space<semaphore_mem>>, %arg26: memref<!tpu.dma_semaphore, #tpu.memory_space<semaphore_mem>>, %arg27: memref<80x64xf32, #tpu.memory_space<vmem>>, %arg28: memref<10000x64xf32, #tpu.memory_space<vmem_shared>>) attributes {dimension_semantics = [#tpu.dimension_semantics<core_parallel>, #tpu.dimension_semantics<subcore_parallel>], iteration_bounds = array<i64: 2, 16>, scalar_prefetch = 0 : i64, scratch_operands = 24 : i64, tpu.core_type = #tpu.core_type<sc_vector_subcore>, window_params = [{transform_indices = #map}, {transform_indices = #map}, {transform_indices = #map1}]} {
    %mul3A = arith.constant 16 : i32
    %mul3A_0 = arith.muli %arg0, %mul3A : i32
    %add3A = arith.addi %mul3A_0, %arg1 : i32
    %broadcast_in_dim3A = arith.constant 0.000000e+00 : f32
    %broadcast_in_dim3A_1 = vector.broadcast %broadcast_in_dim3A : f32 to vector<16xf32>
    %scan3A = arith.constant 0 : i32
    %scan3A_2 = arith.constant 80 : i32
    %scan3A_3 = arith.addi %scan3A, %scan3A_2 : i32
    %scan3A_4 = arith.constant 1 : i32
    scf.for %scan3A_182 = %scan3A to %scan3A_3 step %scan3A_4  : i32 {
      %mul3A_183 = arith.constant 1 : i32
      %mul3A_184 = arith.muli %scan3A_182, %mul3A_183 : i32
      %add3A_185 = arith.constant 0 : i32
      %add3A_186 = arith.addi %add3A_185, %mul3A_184 : i32
      %swap3A = arith.index_cast %add3A_186 : i32 to index
      %swap3A_187 = arith.constant 0 : index
      %swap3A_188 = tpu.vector_load %arg27[%swap3A, %swap3A_187] {strides = array<i32>} : memref<80x64xf32, #tpu.memory_space<vmem>>, vector<1x16xf32>,
      %swap3A_189 = vector.shape_cast %swap3A_188 : vector<1x16xf32> to vector<16xf32>
      %swap3A_190 = vector.shape_cast %broadcast_in_dim3A_1 : vector<16xf32> to vector<1x16xf32>
      tpu.vector_store %arg27[%swap3A, %swap3A_187], %swap3A_190 {strides = array<i32>} : memref<80x64xf32, #tpu.memory_space<vmem>>, vector<1x16xf32>,
      %swap3A_191 = arith.index_cast %add3A_186 : i32 to index
      %swap3A_192 = arith.constant 16 : index
      %swap3A_193 = tpu.vector_load %arg27[%swap3A_191, %swap3A_192] {strides = array<i32>} : memref<80x64xf32, #tpu.memory_space<vmem>>, vector<1x16xf32>,
      %swap3A_194 = vector.shape_cast %swap3A_193 : vector<1x16xf32> to vector<16xf32>
      %swap3A_195 = vector.shape_cast %broadcast_in_dim3A_1 : vector<16xf32> to vector<1x16xf32>
      tpu.vector_store %arg27[%swap3A_191, %swap3A_192], %swap3A_195 {strides = array<i32>} : memref<80x64xf32, #tpu.memory_space<vmem>>, vector<1x16xf32>,
      %swap3A_196 = arith.index_cast %add3A_186 : i32 to index
      %swap3A_197 = arith.constant 32 : index
      %swap3A_198 = tpu.vector_load %arg27[%swap3A_196, %swap3A_197] {strides = array<i32>} : memref<80x64xf32, #tpu.memory_space<vmem>>, vector<1x16xf32>,
      %swap3A_199 = vector.shape_cast %swap3A_198 : vector<1x16xf32> to vector<16xf32>
      %swap3A_200 = vector.shape_cast %broadcast_in_dim3A_1 : vector<16xf32> to vector<1x16xf32>
      tpu.vector_store %arg27[%swap3A_196, %swap3A_197], %swap3A_200 {strides = array<i32>} : memref<80x64xf32, #tpu.memory_space<vmem>>, vector<1x16xf32>,
      %swap3A_201 = arith.index_cast %add3A_186 : i32 to index
      %swap3A_202 = arith.constant 48 : index
      %swap3A_203 = tpu.vector_load %arg27[%swap3A_201, %swap3A_202] {strides = array<i32>} : memref<80x64xf32, #tpu.memory_space<vmem>>, vector<1x16xf32>,
      %swap3A_204 = vector.shape_cast %swap3A_203 : vector<1x16xf32> to vector<16xf32>
      %swap3A_205 = vector.shape_cast %broadcast_in_dim3A_1 : vector<16xf32> to vector<1x16xf32>
      tpu.vector_store %arg27[%swap3A_201, %swap3A_202], %swap3A_205 {strides = array<i32>} : memref<80x64xf32, #tpu.memory_space<vmem>>, vector<1x16xf32>,
    }
    %scan3A_5 = arith.constant 80 : i32
    %sub3A = arith.constant 125 : i32
    %sub3A_6 = arith.subi %sub3A, %arg1 : i32
    %sub3A_7 = arith.constant 16 : i32
    %sub3A_8 = arith.constant 1 : i32
    %sub3A_9 = arith.subi %sub3A_7, %sub3A_8 : i32
    %add3A_10 = arith.addi %sub3A_6, %sub3A_9 : i32
    %div3A = arith.constant 16 : i32
    %div3A_11 = arith.divsi %add3A_10, %div3A : i32
    %while3A = arith.constant 16 : i32
    %while3A_12 = arith.constant 0 : i32
    %while3A_13 = arith.subi %div3A_11, %while3A_12 : i32
    %while3A_14 = arith.addi %while3A_12, %while3A_13 : i32
    %while3A_15 = arith.constant 1 : i32
    %while3A_16 = arith.divsi %while3A_13, %while3A_15 : i32
    %while3A_17 = arith.muli %while3A_16, %while3A_15 : i32
    %while3A_18 = arith.addi %while3A_12, %while3A_17 : i32
    %while3A_19 = arith.constant 1 : i32
    scf.for %while3A_182 = %while3A_12 to %while3A_18 step %while3A_19  : i32 {
      %mul3A_183 = arith.muli %while3A_182, %while3A : i32
      %add3A_184 = arith.addi %arg1, %mul3A_183 : i32
      %mul3A_185 = arith.constant 80 : i32
      %mul3A_186 = arith.muli %add3A_184, %mul3A_185 : i32
      "tpu.region"() ({
        %run_scoped3A = tpu.sem_alloc : memref<!tpu.dma_semaphore, #tpu.memory_space<semaphore_mem>>
        %dma_start3A_187 = arith.constant 0 : i32
        %dma_start3A_188 = tpu.memref_slice %arg28[%mul3A_186, %dma_start3A_187] : memref<10000x64xf32, #tpu.memory_space<vmem_shared>> -> memref<80x64xf32, #tpu.memory_space<vmem_shared>>
        %dma_start3A_189 = arith.constant 0 : i32
        %dma_start3A_190 = tpu.memref_slice %arg28[%mul3A_186, %dma_start3A_189] : memref<10000x64xf32, #tpu.memory_space<vmem_shared>> -> memref<80x64xf32, #tpu.memory_space<vmem_shared>>
        tpu.enqueue_dma source(%arg27 : memref<80x64xf32, #tpu.memory_space<vmem>>) target(%dma_start3A_190 : memref<80x64xf32, #tpu.memory_space<vmem_shared>>) target_semaphore(%run_scoped3A : memref<!tpu.dma_semaphore, #tpu.memory_space<semaphore_mem>>)
        %dma_wait3A_191 = arith.constant 0 : i32
        %dma_wait3A_192 = tpu.memref_slice %arg28[%mul3A_186, %dma_wait3A_191] : memref<10000x64xf32, #tpu.memory_space<vmem_shared>> -> memref<80x64xf32, #tpu.memory_space<vmem_shared>>
        %dma_wait3A_193 = arith.constant 0 : i32
        %dma_wait3A_194 = tpu.memref_slice %arg28[%mul3A_186, %dma_wait3A_193] : memref<10000x64xf32, #tpu.memory_space<vmem_shared>> -> memref<80x64xf32, #tpu.memory_space<vmem_shared>>
        tpu.wait_dma2 semaphore(%run_scoped3A : memref<!tpu.dma_semaphore, #tpu.memory_space<semaphore_mem>>) src(%arg27 : memref<80x64xf32, #tpu.memory_space<vmem>>) dst(%dma_wait3A_194 : memref<80x64xf32, #tpu.memory_space<vmem_shared>>)
        tpu.yield
      }) : () -> ()
    }
    %while3A_20 = arith.constant 1 : i32
    scf.for %while3A_182 = %while3A_18 to %while3A_14 step %while3A_20  : i32 {
      %mul3A_183 = arith.muli %while3A_182, %while3A : i32
      %add3A_184 = arith.addi %arg1, %mul3A_183 : i32
      %mul3A_185 = arith.constant 80 : i32
      %mul3A_186 = arith.muli %add3A_184, %mul3A_185 : i32
      "tpu.region"() ({
        %run_scoped3A = tpu.sem_alloc : memref<!tpu.dma_semaphore, #tpu.memory_space<semaphore_mem>>
        %dma_start3A_187 = arith.constant 0 : i32
        %dma_start3A_188 = tpu.memref_slice %arg28[%mul3A_186, %dma_start3A_187] : memref<10000x64xf32, #tpu.memory_space<vmem_shared>> -> memref<80x64xf32, #tpu.memory_space<vmem_shared>>
        %dma_start3A_189 = arith.constant 0 : i32
        %dma_start3A_190 = tpu.memref_slice %arg28[%mul3A_186, %dma_start3A_189] : memref<10000x64xf32, #tpu.memory_space<vmem_shared>> -> memref<80x64xf32, #tpu.memory_space<vmem_shared>>
        tpu.enqueue_dma source(%arg27 : memref<80x64xf32, #tpu.memory_space<vmem>>) target(%dma_start3A_190 : memref<80x64xf32, #tpu.memory_space<vmem_shared>>) target_semaphore(%run_scoped3A : memref<!tpu.dma_semaphore, #tpu.memory_space<semaphore_mem>>)
        %dma_wait3A_191 = arith.constant 0 : i32
        %dma_wait3A_192 = tpu.memref_slice %arg28[%mul3A_186, %dma_wait3A_191] : memref<10000x64xf32, #tpu.memory_space<vmem_shared>> -> memref<80x64xf32, #tpu.memory_space<vmem_shared>>
        %dma_wait3A_193 = arith.constant 0 : i32
        %dma_wait3A_194 = tpu.memref_slice %arg28[%mul3A_186, %dma_wait3A_193] : memref<10000x64xf32, #tpu.memory_space<vmem_shared>> -> memref<80x64xf32, #tpu.memory_space<vmem_shared>>
        tpu.wait_dma2 semaphore(%run_scoped3A : memref<!tpu.dma_semaphore, #tpu.memory_space<semaphore_mem>>) src(%arg27 : memref<80x64xf32, #tpu.memory_space<vmem>>) dst(%dma_wait3A_194 : memref<80x64xf32, #tpu.memory_space<vmem_shared>>)
        tpu.yield
      }) : () -> ()
    }
    %barrier3A = arith.constant 0 : index
    tpu.barrier barrier_id(%barrier3A)
    %add3A_21 = arith.constant 0 : i32
    %add3A_22 = arith.addi %add3A, %add3A_21 : i32
    %mul3A_23 = arith.constant 128 : i32
    %mul3A_24 = arith.muli %add3A_22, %mul3A_23 : i32
    %dma_start3A = arith.constant 0 : i32
    %dma_start3A_25 = arith.constant 0 : i32
    %dma_start3A_26 = tpu.memref_slice %arg3[%dma_start3A, %dma_start3A_25] : memref<2x320000xi32, #tpu.memory_space<hbm>> -> memref<1x320000xi32, #tpu.memory_space<hbm>>
    %dma_start3A_27 = tpu.memref_squeeze %dma_start3A_26 : memref<1x320000xi32, #tpu.memory_space<hbm>> -> memref<320000xi32, #tpu.memory_space<hbm>>
    %dma_start3A_28 = tpu.memref_slice %dma_start3A_27[%mul3A_24] : memref<320000xi32, #tpu.memory_space<hbm>> -> memref<128xi32, #tpu.memory_space<hbm>>
    %dma_start3A_29 = arith.constant 0 : i32
    %dma_start3A_30 = tpu.memref_slice %arg3[%dma_start3A, %dma_start3A_29] : memref<2x320000xi32, #tpu.memory_space<hbm>> -> memref<1x320000xi32, #tpu.memory_space<hbm>>
    %dma_start3A_31 = tpu.memref_squeeze %dma_start3A_30 : memref<1x320000xi32, #tpu.memory_space<hbm>> -> memref<320000xi32, #tpu.memory_space<hbm>>
    %dma_start3A_32 = tpu.memref_slice %dma_start3A_31[%mul3A_24] : memref<320000xi32, #tpu.memory_space<hbm>> -> memref<128xi32, #tpu.memory_space<hbm>>
    tpu.enqueue_dma source(%dma_start3A_32 : memref<128xi32, #tpu.memory_space<hbm>>) target(%arg5 : memref<128xi32, #tpu.memory_space<vmem>>) target_semaphore(%arg15 : memref<!tpu.dma_semaphore, #tpu.memory_space<semaphore_mem>>)
    %dma_start3A_33 = arith.constant 1 : i32
    %dma_start3A_34 = arith.constant 0 : i32
    %dma_start3A_35 = tpu.memref_slice %arg3[%dma_start3A_33, %dma_start3A_34] : memref<2x320000xi32, #tpu.memory_space<hbm>> -> memref<1x320000xi32, #tpu.memory_space<hbm>>
    %dma_start3A_36 = tpu.memref_squeeze %dma_start3A_35 : memref<1x320000xi32, #tpu.memory_space<hbm>> -> memref<320000xi32, #tpu.memory_space<hbm>>
    %dma_start3A_37 = tpu.memref_slice %dma_start3A_36[%mul3A_24] : memref<320000xi32, #tpu.memory_space<hbm>> -> memref<128xi32, #tpu.memory_space<hbm>>
    %dma_start3A_38 = arith.constant 0 : i32
    %dma_start3A_39 = tpu.memref_slice %arg3[%dma_start3A_33, %dma_start3A_38] : memref<2x320000xi32, #tpu.memory_space<hbm>> -> memref<1x320000xi32, #tpu.memory_space<hbm>>
    %dma_start3A_40 = tpu.memref_squeeze %dma_start3A_39 : memref<1x320000xi32, #tpu.memory_space<hbm>> -> memref<320000xi32, #tpu.memory_space<hbm>>
    %dma_start3A_41 = tpu.memref_slice %dma_start3A_40[%mul3A_24] : memref<320000xi32, #tpu.memory_space<hbm>> -> memref<128xi32, #tpu.memory_space<hbm>>
    tpu.enqueue_dma source(%dma_start3A_41 : memref<128xi32, #tpu.memory_space<hbm>>) target(%arg9 : memref<128xi32, #tpu.memory_space<vmem>>) target_semaphore(%arg19 : memref<!tpu.dma_semaphore, #tpu.memory_space<semaphore_mem>>)
    %add3A_42 = arith.constant 32 : i32
    %add3A_43 = arith.addi %add3A, %add3A_42 : i32
    %mul3A_44 = arith.constant 128 : i32
    %mul3A_45 = arith.muli %add3A_43, %mul3A_44 : i32
    %dma_start3A_46 = arith.constant 0 : i32
    %dma_start3A_47 = arith.constant 0 : i32
    %dma_start3A_48 = tpu.memref_slice %arg3[%dma_start3A_46, %dma_start3A_47] : memref<2x320000xi32, #tpu.memory_space<hbm>> -> memref<1x320000xi32, #tpu.memory_space<hbm>>
    %dma_start3A_49 = tpu.memref_squeeze %dma_start3A_48 : memref<1x320000xi32, #tpu.memory_space<hbm>> -> memref<320000xi32, #tpu.memory_space<hbm>>
    %dma_start3A_50 = tpu.memref_slice %dma_start3A_49[%mul3A_45] : memref<320000xi32, #tpu.memory_space<hbm>> -> memref<128xi32, #tpu.memory_space<hbm>>
    %dma_start3A_51 = arith.constant 0 : i32
    %dma_start3A_52 = tpu.memref_slice %arg3[%dma_start3A_46, %dma_start3A_51] : memref<2x320000xi32, #tpu.memory_space<hbm>> -> memref<1x320000xi32, #tpu.memory_space<hbm>>
    %dma_start3A_53 = tpu.memref_squeeze %dma_start3A_52 : memref<1x320000xi32, #tpu.memory_space<hbm>> -> memref<320000xi32, #tpu.memory_space<hbm>>
    %dma_start3A_54 = tpu.memref_slice %dma_start3A_53[%mul3A_45] : memref<320000xi32, #tpu.memory_space<hbm>> -> memref<128xi32, #tpu.memory_space<hbm>>
    tpu.enqueue_dma source(%dma_start3A_54 : memref<128xi32, #tpu.memory_space<hbm>>) target(%arg6 : memref<128xi32, #tpu.memory_space<vmem>>) target_semaphore(%arg16 : memref<!tpu.dma_semaphore, #tpu.memory_space<semaphore_mem>>)
    %dma_start3A_55 = arith.constant 1 : i32
    %dma_start3A_56 = arith.constant 0 : i32
    %dma_start3A_57 = tpu.memref_slice %arg3[%dma_start3A_55, %dma_start3A_56] : memref<2x320000xi32, #tpu.memory_space<hbm>> -> memref<1x320000xi32, #tpu.memory_space<hbm>>
    %dma_start3A_58 = tpu.memref_squeeze %dma_start3A_57 : memref<1x320000xi32, #tpu.memory_space<hbm>> -> memref<320000xi32, #tpu.memory_space<hbm>>
    %dma_start3A_59 = tpu.memref_slice %dma_start3A_58[%mul3A_45] : memref<320000xi32, #tpu.memory_space<hbm>> -> memref<128xi32, #tpu.memory_space<hbm>>
    %dma_start3A_60 = arith.constant 0 : i32
    %dma_start3A_61 = tpu.memref_slice %arg3[%dma_start3A_55, %dma_start3A_60] : memref<2x320000xi32, #tpu.memory_space<hbm>> -> memref<1x320000xi32, #tpu.memory_space<hbm>>
    %dma_start3A_62 = tpu.memref_squeeze %dma_start3A_61 : memref<1x320000xi32, #tpu.memory_space<hbm>> -> memref<320000xi32, #tpu.memory_space<hbm>>
    %dma_start3A_63 = tpu.memref_slice %dma_start3A_62[%mul3A_45] : memref<320000xi32, #tpu.memory_space<hbm>> -> memref<128xi32, #tpu.memory_space<hbm>>
    tpu.enqueue_dma source(%dma_start3A_63 : memref<128xi32, #tpu.memory_space<hbm>>) target(%arg10 : memref<128xi32, #tpu.memory_space<vmem>>) target_semaphore(%arg20 : memref<!tpu.dma_semaphore, #tpu.memory_space<semaphore_mem>>)
    %add3A_64 = arith.constant 64 : i32
    %add3A_65 = arith.addi %add3A, %add3A_64 : i32
    %mul3A_66 = arith.constant 128 : i32
    %mul3A_67 = arith.muli %add3A_65, %mul3A_66 : i32
    %dma_start3A_68 = arith.constant 0 : i32
    %dma_start3A_69 = arith.constant 0 : i32
    %dma_start3A_70 = tpu.memref_slice %arg3[%dma_start3A_68, %dma_start3A_69] : memref<2x320000xi32, #tpu.memory_space<hbm>> -> memref<1x320000xi32, #tpu.memory_space<hbm>>
    %dma_start3A_71 = tpu.memref_squeeze %dma_start3A_70 : memref<1x320000xi32, #tpu.memory_space<hbm>> -> memref<320000xi32, #tpu.memory_space<hbm>>
    %dma_start3A_72 = tpu.memref_slice %dma_start3A_71[%mul3A_67] : memref<320000xi32, #tpu.memory_space<hbm>> -> memref<128xi32, #tpu.memory_space<hbm>>
    %dma_start3A_73 = arith.constant 0 : i32
    %dma_start3A_74 = tpu.memref_slice %arg3[%dma_start3A_68, %dma_start3A_73] : memref<2x320000xi32, #tpu.memory_space<hbm>> -> memref<1x320000xi32, #tpu.memory_space<hbm>>
    %dma_start3A_75 = tpu.memref_squeeze %dma_start3A_74 : memref<1x320000xi32, #tpu.memory_space<hbm>> -> memref<320000xi32, #tpu.memory_space<hbm>>
    %dma_start3A_76 = tpu.memref_slice %dma_start3A_75[%mul3A_67] : memref<320000xi32, #tpu.memory_space<hbm>> -> memref<128xi32, #tpu.memory_space<hbm>>
    tpu.enqueue_dma source(%dma_start3A_76 : memref<128xi32, #tpu.memory_space<hbm>>) target(%arg7 : memref<128xi32, #tpu.memory_space<vmem>>) target_semaphore(%arg17 : memref<!tpu.dma_semaphore, #tpu.memory_space<semaphore_mem>>)
    %dma_start3A_77 = arith.constant 1 : i32
    %dma_start3A_78 = arith.constant 0 : i32
    %dma_start3A_79 = tpu.memref_slice %arg3[%dma_start3A_77, %dma_start3A_78] : memref<2x320000xi32, #tpu.memory_space<hbm>> -> memref<1x320000xi32, #tpu.memory_space<hbm>>
    %dma_start3A_80 = tpu.memref_squeeze %dma_start3A_79 : memref<1x320000xi32, #tpu.memory_space<hbm>> -> memref<320000xi32, #tpu.memory_space<hbm>>
    %dma_start3A_81 = tpu.memref_slice %dma_start3A_80[%mul3A_67] : memref<320000xi32, #tpu.memory_space<hbm>> -> memref<128xi32, #tpu.memory_space<hbm>>
    %dma_start3A_82 = arith.constant 0 : i32
    %dma_start3A_83 = tpu.memref_slice %arg3[%dma_start3A_77, %dma_start3A_82] : memref<2x320000xi32, #tpu.memory_space<hbm>> -> memref<1x320000xi32, #tpu.memory_space<hbm>>
    %dma_start3A_84 = tpu.memref_squeeze %dma_start3A_83 : memref<1x320000xi32, #tpu.memory_space<hbm>> -> memref<320000xi32, #tpu.memory_space<hbm>>
    %dma_start3A_85 = tpu.memref_slice %dma_start3A_84[%mul3A_67] : memref<320000xi32, #tpu.memory_space<hbm>> -> memref<128xi32, #tpu.memory_space<hbm>>
    tpu.enqueue_dma source(%dma_start3A_85 : memref<128xi32, #tpu.memory_space<hbm>>) target(%arg11 : memref<128xi32, #tpu.memory_space<vmem>>) target_semaphore(%arg21 : memref<!tpu.dma_semaphore, #tpu.memory_space<semaphore_mem>>)
    %dma_wait3A = arith.constant 0 : i32
    %dma_wait3A_86 = arith.constant 0 : i32
    %dma_wait3A_87 = tpu.memref_slice %arg3[%dma_wait3A, %dma_wait3A_86] : memref<2x320000xi32, #tpu.memory_space<hbm>> -> memref<1x320000xi32, #tpu.memory_space<hbm>>
    %dma_wait3A_88 = tpu.memref_squeeze %dma_wait3A_87 : memref<1x320000xi32, #tpu.memory_space<hbm>> -> memref<320000xi32, #tpu.memory_space<hbm>>
    %dma_wait3A_89 = arith.constant 0 : i32
    %dma_wait3A_90 = tpu.memref_slice %dma_wait3A_88[%dma_wait3A_89] : memref<320000xi32, #tpu.memory_space<hbm>> -> memref<128xi32, #tpu.memory_space<hbm>>
    %dma_wait3A_91 = arith.constant 0 : i32
    %dma_wait3A_92 = tpu.memref_slice %arg3[%dma_wait3A, %dma_wait3A_91] : memref<2x320000xi32, #tpu.memory_space<hbm>> -> memref<1x320000xi32, #tpu.memory_space<hbm>>
    %dma_wait3A_93 = tpu.memref_squeeze %dma_wait3A_92 : memref<1x320000xi32, #tpu.memory_space<hbm>> -> memref<320000xi32, #tpu.memory_space<hbm>>
    %dma_wait3A_94 = arith.constant 0 : i32
    %dma_wait3A_95 = tpu.memref_slice %dma_wait3A_93[%dma_wait3A_94] : memref<320000xi32, #tpu.memory_space<hbm>> -> memref<128xi32, #tpu.memory_space<hbm>>
    tpu.wait_dma2 semaphore(%arg15 : memref<!tpu.dma_semaphore, #tpu.memory_space<semaphore_mem>>) src(%dma_wait3A_95 : memref<128xi32, #tpu.memory_space<hbm>>) dst(%arg5 : memref<128xi32, #tpu.memory_space<vmem>>)
    %dma_wait3A_96 = arith.constant 1 : i32
    %dma_wait3A_97 = arith.constant 0 : i32
    %dma_wait3A_98 = tpu.memref_slice %arg3[%dma_wait3A_96, %dma_wait3A_97] : memref<2x320000xi32, #tpu.memory_space<hbm>> -> memref<1x320000xi32, #tpu.memory_space<hbm>>
    %dma_wait3A_99 = tpu.memref_squeeze %dma_wait3A_98 : memref<1x320000xi32, #tpu.memory_space<hbm>> -> memref<320000xi32, #tpu.memory_space<hbm>>
    %dma_wait3A_100 = arith.constant 0 : i32
    %dma_wait3A_101 = tpu.memref_slice %dma_wait3A_99[%dma_wait3A_100] : memref<320000xi32, #tpu.memory_space<hbm>> -> memref<128xi32, #tpu.memory_space<hbm>>
    %dma_wait3A_102 = arith.constant 0 : i32
    %dma_wait3A_103 = tpu.memref_slice %arg3[%dma_wait3A_96, %dma_wait3A_102] : memref<2x320000xi32, #tpu.memory_space<hbm>> -> memref<1x320000xi32, #tpu.memory_space<hbm>>
    %dma_wait3A_104 = tpu.memref_squeeze %dma_wait3A_103 : memref<1x320000xi32, #tpu.memory_space<hbm>> -> memref<320000xi32, #tpu.memory_space<hbm>>
    %dma_wait3A_105 = arith.constant 0 : i32
    %dma_wait3A_106 = tpu.memref_slice %dma_wait3A_104[%dma_wait3A_105] : memref<320000xi32, #tpu.memory_space<hbm>> -> memref<128xi32, #tpu.memory_space<hbm>>
    tpu.wait_dma2 semaphore(%arg19 : memref<!tpu.dma_semaphore, #tpu.memory_space<semaphore_mem>>) src(%dma_wait3A_106 : memref<128xi32, #tpu.memory_space<hbm>>) dst(%arg9 : memref<128xi32, #tpu.memory_space<vmem>>)
    %dma_start3A_107 = arith.constant 0 : i32
    %dma_start3A_108 = arith.constant 0 : i32
    %dma_start3A_109 = tpu.memref_slice %arg2[%dma_start3A_107, %dma_start3A_108] : memref<10000x64xf32, #tpu.memory_space<hbm>> -> memref<10000x64xf32, #tpu.memory_space<hbm>>
    tpu.enqueue_indirect_dma source(%dma_start3A_109 : memref<10000x64xf32, #tpu.memory_space<hbm>>) target(%arg13 : memref<128x64xf32, #tpu.memory_space<vmem>>) offsets(%arg5 : memref<128xi32, #tpu.memory_space<vmem>>) semaphore(%arg23 : memref<!tpu.dma_semaphore, #tpu.memory_space<semaphore_mem>>)
    %scan3A_110 = arith.constant 0 : i32
    %scan3A_111 = arith.constant 19 : i32
    %scan3A_112 = arith.addi %scan3A_110, %scan3A_111 : i32
    %scan3A_113 = arith.constant 1 : i32
    scf.for %scan3A_182 = %scan3A_110 to %scan3A_112 step %scan3A_113  : i32 {
      %mul3A_183 = arith.constant 1 : i32
      %mul3A_184 = arith.muli %scan3A_182, %mul3A_183 : i32
      %add3A_185 = arith.constant 0 : i32
      %add3A_186 = arith.addi %add3A_185, %mul3A_184 : i32
      %mul3A_187 = arith.constant 4 : i32
      %mul3A_188 = arith.muli %add3A_186, %mul3A_187 : i32
      %add3A_189 = arith.constant 0 : i32
      %add3A_190 = arith.addi %mul3A_188, %add3A_189 : i32
      %ge3A = arith.constant 1 : i32
      %ge3A_191 = arith.cmpi sge, %add3A_190, %ge3A : i32
      %convert_element_type3A_192 = arith.extui %ge3A_191 : i1 to i32
      %cond3A_193 = arith.constant 0 : i32
      %cond3A_194 = arith.cmpi ne, %convert_element_type3A_192, %cond3A_193 : i32
      scf.if %cond3A_194 {
        %dma_wait3A_296 = arith.constant 0 : i32
        %dma_wait3A_297 = arith.constant 0 : i32
        %dma_wait3A_298 = tpu.memref_slice %arg28[%dma_wait3A_296, %dma_wait3A_297] : memref<10000x64xf32, #tpu.memory_space<vmem_shared>> -> memref<10000x64xf32, #tpu.memory_space<vmem_shared>>
        tpu.wait_indirect_dma semaphore(%arg26 : memref<!tpu.dma_semaphore, #tpu.memory_space<semaphore_mem>>) src(%arg14 : memref<128x64xf32, #tpu.memory_space<vmem>>) dst(%dma_wait3A_298 : memref<10000x64xf32, #tpu.memory_space<vmem_shared>>)
      } else {
      }
      %add3A_195 = arith.constant 1 : i32
      %add3A_196 = arith.addi %add3A_190, %add3A_195 : i32
      %lt3A_197 = arith.constant 78 : i32
      %lt3A_198 = arith.cmpi slt, %add3A_196, %lt3A_197 : i32
      %convert_element_type3A_199 = arith.extui %lt3A_198 : i1 to i32
      %cond3A_200 = arith.constant 0 : i32
      %cond3A_201 = arith.cmpi ne, %convert_element_type3A_199, %cond3A_200 : i32
      scf.if %cond3A_201 {
        %dma_wait3A_296 = arith.constant 0 : i32
        %dma_wait3A_297 = arith.constant 0 : i32
        %dma_wait3A_298 = tpu.memref_slice %arg3[%dma_wait3A_296, %dma_wait3A_297] : memref<2x320000xi32, #tpu.memory_space<hbm>> -> memref<1x320000xi32, #tpu.memory_space<hbm>>
        %dma_wait3A_299 = tpu.memref_squeeze %dma_wait3A_298 : memref<1x320000xi32, #tpu.memory_space<hbm>> -> memref<320000xi32, #tpu.memory_space<hbm>>
        %dma_wait3A_300 = arith.constant 0 : i32
        %dma_wait3A_301 = tpu.memref_slice %dma_wait3A_299[%dma_wait3A_300] : memref<320000xi32, #tpu.memory_space<hbm>> -> memref<128xi32, #tpu.memory_space<hbm>>
        %dma_wait3A_302 = arith.constant 0 : i32
        %dma_wait3A_303 = tpu.memref_slice %arg3[%dma_wait3A_296, %dma_wait3A_302] : memref<2x320000xi32, #tpu.memory_space<hbm>> -> memref<1x320000xi32, #tpu.memory_space<hbm>>
        %dma_wait3A_304 = tpu.memref_squeeze %dma_wait3A_303 : memref<1x320000xi32, #tpu.memory_space<hbm>> -> memref<320000xi32, #tpu.memory_space<hbm>>
        %dma_wait3A_305 = arith.constant 0 : i32
        %dma_wait3A_306 = tpu.memref_slice %dma_wait3A_304[%dma_wait3A_305] : memref<320000xi32, #tpu.memory_space<hbm>> -> memref<128xi32, #tpu.memory_space<hbm>>
        tpu.wait_dma2 semaphore(%arg16 : memref<!tpu.dma_semaphore, #tpu.memory_space<semaphore_mem>>) src(%dma_wait3A_306 : memref<128xi32, #tpu.memory_space<hbm>>) dst(%arg6 : memref<128xi32, #tpu.memory_space<vmem>>)
        %dma_wait3A_307 = arith.constant 1 : i32
        %dma_wait3A_308 = arith.constant 0 : i32
        %dma_wait3A_309 = tpu.memref_slice %arg3[%dma_wait3A_307, %dma_wait3A_308] : memref<2x320000xi32, #tpu.memory_space<hbm>> -> memref<1x320000xi32, #tpu.memory_space<hbm>>
        %dma_wait3A_310 = tpu.memref_squeeze %dma_wait3A_309 : memref<1x320000xi32, #tpu.memory_space<hbm>> -> memref<320000xi32, #tpu.memory_space<hbm>>
        %dma_wait3A_311 = arith.constant 0 : i32
        %dma_wait3A_312 = tpu.memref_slice %dma_wait3A_310[%dma_wait3A_311] : memref<320000xi32, #tpu.memory_space<hbm>> -> memref<128xi32, #tpu.memory_space<hbm>>
        %dma_wait3A_313 = arith.constant 0 : i32
        %dma_wait3A_314 = tpu.memref_slice %arg3[%dma_wait3A_307, %dma_wait3A_313] : memref<2x320000xi32, #tpu.memory_space<hbm>> -> memref<1x320000xi32, #tpu.memory_space<hbm>>
        %dma_wait3A_315 = tpu.memref_squeeze %dma_wait3A_314 : memref<1x320000xi32, #tpu.memory_space<hbm>> -> memref<320000xi32, #tpu.memory_space<hbm>>
        %dma_wait3A_316 = arith.constant 0 : i32
        %dma_wait3A_317 = tpu.memref_slice %dma_wait3A_315[%dma_wait3A_316] : memref<320000xi32, #tpu.memory_space<hbm>> -> memref<128xi32, #tpu.memory_space<hbm>>
        tpu.wait_dma2 semaphore(%arg20 : memref<!tpu.dma_semaphore, #tpu.memory_space<semaphore_mem>>) src(%dma_wait3A_317 : memref<128xi32, #tpu.memory_space<hbm>>) dst(%arg10 : memref<128xi32, #tpu.memory_space<vmem>>)
        %dma_start3A_318 = arith.constant 0 : i32
        %dma_start3A_319 = arith.constant 0 : i32
        %dma_start3A_320 = tpu.memref_slice %arg2[%dma_start3A_318, %dma_start3A_319] : memref<10000x64xf32, #tpu.memory_space<hbm>> -> memref<10000x64xf32, #tpu.memory_space<hbm>>
        tpu.enqueue_indirect_dma source(%dma_start3A_320 : memref<10000x64xf32, #tpu.memory_space<hbm>>) target(%arg14 : memref<128x64xf32, #tpu.memory_space<vmem>>) offsets(%arg6 : memref<128xi32, #tpu.memory_space<vmem>>) semaphore(%arg24 : memref<!tpu.dma_semaphore, #tpu.memory_space<semaphore_mem>>)
      } else {
      }
      %dma_wait3A_202 = arith.constant 0 : i32
      %dma_wait3A_203 = arith.constant 0 : i32
      %dma_wait3A_204 = tpu.memref_slice %arg2[%dma_wait3A_202, %dma_wait3A_203] : memref<10000x64xf32, #tpu.memory_space<hbm>> -> memref<10000x64xf32, #tpu.memory_space<hbm>>
      tpu.wait_indirect_dma semaphore(%arg23 : memref<!tpu.dma_semaphore, #tpu.memory_space<semaphore_mem>>) src(%dma_wait3A_204 : memref<10000x64xf32, #tpu.memory_space<hbm>>) dst(%arg13 : memref<128x64xf32, #tpu.memory_space<vmem>>)
      %add3A_205 = arith.constant 3 : i32
      %add3A_206 = arith.addi %add3A_190, %add3A_205 : i32
      %lt3A_207 = arith.constant 78 : i32
      %lt3A_208 = arith.cmpi slt, %add3A_206, %lt3A_207 : i32
      %convert_element_type3A_209 = arith.extui %lt3A_208 : i1 to i32
      %cond3A_210 = arith.constant 0 : i32
      %cond3A_211 = arith.cmpi ne, %convert_element_type3A_209, %cond3A_210 : i32
      scf.if %cond3A_211 {
        %add3A_296 = arith.constant 3 : i32
        %add3A_297 = arith.addi %add3A_190, %add3A_296 : i32
        %mul3A_298 = arith.constant 32 : i32
        %mul3A_299 = arith.muli %mul3A_298, %add3A_297 : i32
        %add3A_300 = arith.addi %add3A, %mul3A_299 : i32
        %mul3A_301 = arith.constant 128 : i32
        %mul3A_302 = arith.muli %add3A_300, %mul3A_301 : i32
        %dma_start3A_303 = arith.constant 0 : i32
        %dma_start3A_304 = arith.constant 0 : i32
        %dma_start3A_305 = tpu.memref_slice %arg3[%dma_start3A_303, %dma_start3A_304] : memref<2x320000xi32, #tpu.memory_space<hbm>> -> memref<1x320000xi32, #tpu.memory_space<hbm>>
        %dma_start3A_306 = tpu.memref_squeeze %dma_start3A_305 : memref<1x320000xi32, #tpu.memory_space<hbm>> -> memref<320000xi32, #tpu.memory_space<hbm>>
        %dma_start3A_307 = tpu.memref_slice %dma_start3A_306[%mul3A_302] : memref<320000xi32, #tpu.memory_space<hbm>> -> memref<128xi32, #tpu.memory_space<hbm>>
        %dma_start3A_308 = arith.constant 0 : i32
        %dma_start3A_309 = tpu.memref_slice %arg3[%dma_start3A_303, %dma_start3A_308] : memref<2x320000xi32, #tpu.memory_space<hbm>> -> memref<1x320000xi32, #tpu.memory_space<hbm>>
        %dma_start3A_310 = tpu.memref_squeeze %dma_start3A_309 : memref<1x320000xi32, #tpu.memory_space<hbm>> -> memref<320000xi32, #tpu.memory_space<hbm>>
        %dma_start3A_311 = tpu.memref_slice %dma_start3A_310[%mul3A_302] : memref<320000xi32, #tpu.memory_space<hbm>> -> memref<128xi32, #tpu.memory_space<hbm>>
        tpu.enqueue_dma source(%dma_start3A_311 : memref<128xi32, #tpu.memory_space<hbm>>) target(%arg8 : memref<128xi32, #tpu.memory_space<vmem>>) target_semaphore(%arg18 : memref<!tpu.dma_semaphore, #tpu.memory_space<semaphore_mem>>)
        %dma_start3A_312 = arith.constant 1 : i32
        %dma_start3A_313 = arith.constant 0 : i32
        %dma_start3A_314 = tpu.memref_slice %arg3[%dma_start3A_312, %dma_start3A_313] : memref<2x320000xi32, #tpu.memory_space<hbm>> -> memref<1x320000xi32, #tpu.memory_space<hbm>>
        %dma_start3A_315 = tpu.memref_squeeze %dma_start3A_314 : memref<1x320000xi32, #tpu.memory_space<hbm>> -> memref<320000xi32, #tpu.memory_space<hbm>>
        %dma_start3A_316 = tpu.memref_slice %dma_start3A_315[%mul3A_302] : memref<320000xi32, #tpu.memory_space<hbm>> -> memref<128xi32, #tpu.memory_space<hbm>>
        %dma_start3A_317 = arith.constant 0 : i32
        %dma_start3A_318 = tpu.memref_slice %arg3[%dma_start3A_312, %dma_start3A_317] : memref<2x320000xi32, #tpu.memory_space<hbm>> -> memref<1x320000xi32, #tpu.memory_space<hbm>>
        %dma_start3A_319 = tpu.memref_squeeze %dma_start3A_318 : memref<1x320000xi32, #tpu.memory_space<hbm>> -> memref<320000xi32, #tpu.memory_space<hbm>>
        %dma_start3A_320 = tpu.memref_slice %dma_start3A_319[%mul3A_302] : memref<320000xi32, #tpu.memory_space<hbm>> -> memref<128xi32, #tpu.memory_space<hbm>>
        tpu.enqueue_dma source(%dma_start3A_320 : memref<128xi32, #tpu.memory_space<hbm>>) target(%arg12 : memref<128xi32, #tpu.memory_space<vmem>>) target_semaphore(%arg22 : memref<!tpu.dma_semaphore, #tpu.memory_space<semaphore_mem>>)
      } else {
      }
      %dma_start3A_212 = arith.constant 0 : i32
      %dma_start3A_213 = arith.constant 0 : i32
      %dma_start3A_214 = tpu.memref_slice %arg28[%dma_start3A_212, %dma_start3A_213] : memref<10000x64xf32, #tpu.memory_space<vmem_shared>> -> memref<10000x64xf32, #tpu.memory_space<vmem_shared>>
      tpu.enqueue_indirect_dma source(%arg13 : memref<128x64xf32, #tpu.memory_space<vmem>>) target(%dma_start3A_214 : memref<10000x64xf32, #tpu.memory_space<vmem_shared>>) offsets(%arg9 : memref<128xi32, #tpu.memory_space<vmem>>) semaphore(%arg25 : memref<!tpu.dma_semaphore, #tpu.memory_space<semaphore_mem>>) {add = true}
      %add3A_215 = arith.constant 1 : i32
      %add3A_216 = arith.addi %mul3A_188, %add3A_215 : i32
      %ge3A_217 = arith.constant 1 : i32
      %ge3A_218 = arith.cmpi sge, %add3A_216, %ge3A_217 : i32
      %convert_element_type3A_219 = arith.extui %ge3A_218 : i1 to i32
      %cond3A_220 = arith.constant 0 : i32
      %cond3A_221 = arith.cmpi ne, %convert_element_type3A_219, %cond3A_220 : i32
      scf.if %cond3A_221 {
        %dma_wait3A_296 = arith.constant 0 : i32
        %dma_wait3A_297 = arith.constant 0 : i32
        %dma_wait3A_298 = tpu.memref_slice %arg28[%dma_wait3A_296, %dma_wait3A_297] : memref<10000x64xf32, #tpu.memory_space<vmem_shared>> -> memref<10000x64xf32, #tpu.memory_space<vmem_shared>>
        tpu.wait_indirect_dma semaphore(%arg25 : memref<!tpu.dma_semaphore, #tpu.memory_space<semaphore_mem>>) src(%arg13 : memref<128x64xf32, #tpu.memory_space<vmem>>) dst(%dma_wait3A_298 : memref<10000x64xf32, #tpu.memory_space<vmem_shared>>)
      } else {
      }
      %add3A_222 = arith.constant 1 : i32
      %add3A_223 = arith.addi %add3A_216, %add3A_222 : i32
      %lt3A_224 = arith.constant 78 : i32
      %lt3A_225 = arith.cmpi slt, %add3A_223, %lt3A_224 : i32
      %convert_element_type3A_226 = arith.extui %lt3A_225 : i1 to i32
      %cond3A_227 = arith.constant 0 : i32
      %cond3A_228 = arith.cmpi ne, %convert_element_type3A_226, %cond3A_227 : i32
      scf.if %cond3A_228 {
        %dma_wait3A_296 = arith.constant 0 : i32
        %dma_wait3A_297 = arith.constant 0 : i32
        %dma_wait3A_298 = tpu.memref_slice %arg3[%dma_wait3A_296, %dma_wait3A_297] : memref<2x320000xi32, #tpu.memory_space<hbm>> -> memref<1x320000xi32, #tpu.memory_space<hbm>>
        %dma_wait3A_299 = tpu.memref_squeeze %dma_wait3A_298 : memref<1x320000xi32, #tpu.memory_space<hbm>> -> memref<320000xi32, #tpu.memory_space<hbm>>
        %dma_wait3A_300 = arith.constant 0 : i32
        %dma_wait3A_301 = tpu.memref_slice %dma_wait3A_299[%dma_wait3A_300] : memref<320000xi32, #tpu.memory_space<hbm>> -> memref<128xi32, #tpu.memory_space<hbm>>
        %dma_wait3A_302 = arith.constant 0 : i32
        %dma_wait3A_303 = tpu.memref_slice %arg3[%dma_wait3A_296, %dma_wait3A_302] : memref<2x320000xi32, #tpu.memory_space<hbm>> -> memref<1x320000xi32, #tpu.memory_space<hbm>>
        %dma_wait3A_304 = tpu.memref_squeeze %dma_wait3A_303 : memref<1x320000xi32, #tpu.memory_space<hbm>> -> memref<320000xi32, #tpu.memory_space<hbm>>
        %dma_wait3A_305 = arith.constant 0 : i32
        %dma_wait3A_306 = tpu.memref_slice %dma_wait3A_304[%dma_wait3A_305] : memref<320000xi32, #tpu.memory_space<hbm>> -> memref<128xi32, #tpu.memory_space<hbm>>
        tpu.wait_dma2 semaphore(%arg17 : memref<!tpu.dma_semaphore, #tpu.memory_space<semaphore_mem>>) src(%dma_wait3A_306 : memref<128xi32, #tpu.memory_space<hbm>>) dst(%arg7 : memref<128xi32, #tpu.memory_space<vmem>>)
        %dma_wait3A_307 = arith.constant 1 : i32
        %dma_wait3A_308 = arith.constant 0 : i32
        %dma_wait3A_309 = tpu.memref_slice %arg3[%dma_wait3A_307, %dma_wait3A_308] : memref<2x320000xi32, #tpu.memory_space<hbm>> -> memref<1x320000xi32, #tpu.memory_space<hbm>>
        %dma_wait3A_310 = tpu.memref_squeeze %dma_wait3A_309 : memref<1x320000xi32, #tpu.memory_space<hbm>> -> memref<320000xi32, #tpu.memory_space<hbm>>
        %dma_wait3A_311 = arith.constant 0 : i32
        %dma_wait3A_312 = tpu.memref_slice %dma_wait3A_310[%dma_wait3A_311] : memref<320000xi32, #tpu.memory_space<hbm>> -> memref<128xi32, #tpu.memory_space<hbm>>
        %dma_wait3A_313 = arith.constant 0 : i32
        %dma_wait3A_314 = tpu.memref_slice %arg3[%dma_wait3A_307, %dma_wait3A_313] : memref<2x320000xi32, #tpu.memory_space<hbm>> -> memref<1x320000xi32, #tpu.memory_space<hbm>>
        %dma_wait3A_315 = tpu.memref_squeeze %dma_wait3A_314 : memref<1x320000xi32, #tpu.memory_space<hbm>> -> memref<320000xi32, #tpu.memory_space<hbm>>
        %dma_wait3A_316 = arith.constant 0 : i32
        %dma_wait3A_317 = tpu.memref_slice %dma_wait3A_315[%dma_wait3A_316] : memref<320000xi32, #tpu.memory_space<hbm>> -> memref<128xi32, #tpu.memory_space<hbm>>
        tpu.wait_dma2 semaphore(%arg21 : memref<!tpu.dma_semaphore, #tpu.memory_space<semaphore_mem>>) src(%dma_wait3A_317 : memref<128xi32, #tpu.memory_space<hbm>>) dst(%arg11 : memref<128xi32, #tpu.memory_space<vmem>>)
        %dma_start3A_318 = arith.constant 0 : i32
        %dma_start3A_319 = arith.constant 0 : i32
        %dma_start3A_320 = tpu.memref_slice %arg2[%dma_start3A_318, %dma_start3A_319] : memref<10000x64xf32, #tpu.memory_space<hbm>> -> memref<10000x64xf32, #tpu.memory_space<hbm>>
        tpu.enqueue_indirect_dma source(%dma_start3A_320 : memref<10000x64xf32, #tpu.memory_space<hbm>>) target(%arg13 : memref<128x64xf32, #tpu.memory_space<vmem>>) offsets(%arg7 : memref<128xi32, #tpu.memory_space<vmem>>) semaphore(%arg23 : memref<!tpu.dma_semaphore, #tpu.memory_space<semaphore_mem>>)
      } else {
      }
      %dma_wait3A_229 = arith.constant 0 : i32
      %dma_wait3A_230 = arith.constant 0 : i32
      %dma_wait3A_231 = tpu.memref_slice %arg2[%dma_wait3A_229, %dma_wait3A_230] : memref<10000x64xf32, #tpu.memory_space<hbm>> -> memref<10000x64xf32, #tpu.memory_space<hbm>>
      tpu.wait_indirect_dma semaphore(%arg24 : memref<!tpu.dma_semaphore, #tpu.memory_space<semaphore_mem>>) src(%dma_wait3A_231 : memref<10000x64xf32, #tpu.memory_space<hbm>>) dst(%arg14 : memref<128x64xf32, #tpu.memory_space<vmem>>)
      %add3A_232 = arith.constant 3 : i32
      %add3A_233 = arith.addi %add3A_216, %add3A_232 : i32
      %lt3A_234 = arith.constant 78 : i32
      %lt3A_235 = arith.cmpi slt, %add3A_233, %lt3A_234 : i32
      %convert_element_type3A_236 = arith.extui %lt3A_235 : i1 to i32
      %cond3A_237 = arith.constant 0 : i32
      %cond3A_238 = arith.cmpi ne, %convert_element_type3A_236, %cond3A_237 : i32
      scf.if %cond3A_238 {
        %add3A_296 = arith.constant 3 : i32
        %add3A_297 = arith.addi %add3A_216, %add3A_296 : i32
        %mul3A_298 = arith.constant 32 : i32
        %mul3A_299 = arith.muli %mul3A_298, %add3A_297 : i32
        %add3A_300 = arith.addi %add3A, %mul3A_299 : i32
        %mul3A_301 = arith.constant 128 : i32
        %mul3A_302 = arith.muli %add3A_300, %mul3A_301 : i32
        %dma_start3A_303 = arith.constant 0 : i32
        %dma_start3A_304 = arith.constant 0 : i32
        %dma_start3A_305 = tpu.memref_slice %arg3[%dma_start3A_303, %dma_start3A_304] : memref<2x320000xi32, #tpu.memory_space<hbm>> -> memref<1x320000xi32, #tpu.memory_space<hbm>>
        %dma_start3A_306 = tpu.memref_squeeze %dma_start3A_305 : memref<1x320000xi32, #tpu.memory_space<hbm>> -> memref<320000xi32, #tpu.memory_space<hbm>>
        %dma_start3A_307 = tpu.memref_slice %dma_start3A_306[%mul3A_302] : memref<320000xi32, #tpu.memory_space<hbm>> -> memref<128xi32, #tpu.memory_space<hbm>>
        %dma_start3A_308 = arith.constant 0 : i32
        %dma_start3A_309 = tpu.memref_slice %arg3[%dma_start3A_303, %dma_start3A_308] : memref<2x320000xi32, #tpu.memory_space<hbm>> -> memref<1x320000xi32, #tpu.memory_space<hbm>>
        %dma_start3A_310 = tpu.memref_squeeze %dma_start3A_309 : memref<1x320000xi32, #tpu.memory_space<hbm>> -> memref<320000xi32, #tpu.memory_space<hbm>>
        %dma_start3A_311 = tpu.memref_slice %dma_start3A_310[%mul3A_302] : memref<320000xi32, #tpu.memory_space<hbm>> -> memref<128xi32, #tpu.memory_space<hbm>>
        tpu.enqueue_dma source(%dma_start3A_311 : memref<128xi32, #tpu.memory_space<hbm>>) target(%arg5 : memref<128xi32, #tpu.memory_space<vmem>>) target_semaphore(%arg15 : memref<!tpu.dma_semaphore, #tpu.memory_space<semaphore_mem>>)
        %dma_start3A_312 = arith.constant 1 : i32
        %dma_start3A_313 = arith.constant 0 : i32
        %dma_start3A_314 = tpu.memref_slice %arg3[%dma_start3A_312, %dma_start3A_313] : memref<2x320000xi32, #tpu.memory_space<hbm>> -> memref<1x320000xi32, #tpu.memory_space<hbm>>
        %dma_start3A_315 = tpu.memref_squeeze %dma_start3A_314 : memref<1x320000xi32, #tpu.memory_space<hbm>> -> memref<320000xi32, #tpu.memory_space<hbm>>
        %dma_start3A_316 = tpu.memref_slice %dma_start3A_315[%mul3A_302] : memref<320000xi32, #tpu.memory_space<hbm>> -> memref<128xi32, #tpu.memory_space<hbm>>
        %dma_start3A_317 = arith.constant 0 : i32
        %dma_start3A_318 = tpu.memref_slice %arg3[%dma_start3A_312, %dma_start3A_317] : memref<2x320000xi32, #tpu.memory_space<hbm>> -> memref<1x320000xi32, #tpu.memory_space<hbm>>
        %dma_start3A_319 = tpu.memref_squeeze %dma_start3A_318 : memref<1x320000xi32, #tpu.memory_space<hbm>> -> memref<320000xi32, #tpu.memory_space<hbm>>
        %dma_start3A_320 = tpu.memref_slice %dma_start3A_319[%mul3A_302] : memref<320000xi32, #tpu.memory_space<hbm>> -> memref<128xi32, #tpu.memory_space<hbm>>
        tpu.enqueue_dma source(%dma_start3A_320 : memref<128xi32, #tpu.memory_space<hbm>>) target(%arg9 : memref<128xi32, #tpu.memory_space<vmem>>) target_semaphore(%arg19 : memref<!tpu.dma_semaphore, #tpu.memory_space<semaphore_mem>>)
      } else {
      }
      %dma_start3A_239 = arith.constant 0 : i32
      %dma_start3A_240 = arith.constant 0 : i32
      %dma_start3A_241 = tpu.memref_slice %arg28[%dma_start3A_239, %dma_start3A_240] : memref<10000x64xf32, #tpu.memory_space<vmem_shared>> -> memref<10000x64xf32, #tpu.memory_space<vmem_shared>>
      tpu.enqueue_indirect_dma source(%arg14 : memref<128x64xf32, #tpu.memory_space<vmem>>) target(%dma_start3A_241 : memref<10000x64xf32, #tpu.memory_space<vmem_shared>>) offsets(%arg10 : memref<128xi32, #tpu.memory_space<vmem>>) semaphore(%arg26 : memref<!tpu.dma_semaphore, #tpu.memory_space<semaphore_mem>>) {add = true}
      %add3A_242 = arith.constant 2 : i32
      %add3A_243 = arith.addi %mul3A_188, %add3A_242 : i32
      %ge3A_244 = arith.constant 1 : i32
      %ge3A_245 = arith.cmpi sge, %add3A_243, %ge3A_244 : i32
      %convert_element_type3A_246 = arith.extui %ge3A_245 : i1 to i32
      %cond3A_247 = arith.constant 0 : i32
      %cond3A_248 = arith.cmpi ne, %convert_element_type3A_246, %cond3A_247 : i32
      scf.if %cond3A_248 {
        %dma_wait3A_296 = arith.constant 0 : i32
        %dma_wait3A_297 = arith.constant 0 : i32
        %dma_wait3A_298 = tpu.memref_slice %arg28[%dma_wait3A_296, %dma_wait3A_297] : memref<10000x64xf32, #tpu.memory_space<vmem_shared>> -> memref<10000x64xf32, #tpu.memory_space<vmem_shared>>
        tpu.wait_indirect_dma semaphore(%arg26 : memref<!tpu.dma_semaphore, #tpu.memory_space<semaphore_mem>>) src(%arg14 : memref<128x64xf32, #tpu.memory_space<vmem>>) dst(%dma_wait3A_298 : memref<10000x64xf32, #tpu.memory_space<vmem_shared>>)
      } else {
      }
      %add3A_249 = arith.constant 1 : i32
      %add3A_250 = arith.addi %add3A_243, %add3A_249 : i32
      %lt3A_251 = arith.constant 78 : i32
      %lt3A_252 = arith.cmpi slt, %add3A_250, %lt3A_251 : i32
      %convert_element_type3A_253 = arith.extui %lt3A_252 : i1 to i32
      %cond3A_254 = arith.constant 0 : i32
      %cond3A_255 = arith.cmpi ne, %convert_element_type3A_253, %cond3A_254 : i32
      scf.if %cond3A_255 {
        %dma_wait3A_296 = arith.constant 0 : i32
        %dma_wait3A_297 = arith.constant 0 : i32
        %dma_wait3A_298 = tpu.memref_slice %arg3[%dma_wait3A_296, %dma_wait3A_297] : memref<2x320000xi32, #tpu.memory_space<hbm>> -> memref<1x320000xi32, #tpu.memory_space<hbm>>
        %dma_wait3A_299 = tpu.memref_squeeze %dma_wait3A_298 : memref<1x320000xi32, #tpu.memory_space<hbm>> -> memref<320000xi32, #tpu.memory_space<hbm>>
        %dma_wait3A_300 = arith.constant 0 : i32
        %dma_wait3A_301 = tpu.memref_slice %dma_wait3A_299[%dma_wait3A_300] : memref<320000xi32, #tpu.memory_space<hbm>> -> memref<128xi32, #tpu.memory_space<hbm>>
        %dma_wait3A_302 = arith.constant 0 : i32
        %dma_wait3A_303 = tpu.memref_slice %arg3[%dma_wait3A_296, %dma_wait3A_302] : memref<2x320000xi32, #tpu.memory_space<hbm>> -> memref<1x320000xi32, #tpu.memory_space<hbm>>
        %dma_wait3A_304 = tpu.memref_squeeze %dma_wait3A_303 : memref<1x320000xi32, #tpu.memory_space<hbm>> -> memref<320000xi32, #tpu.memory_space<hbm>>
        %dma_wait3A_305 = arith.constant 0 : i32
        %dma_wait3A_306 = tpu.memref_slice %dma_wait3A_304[%dma_wait3A_305] : memref<320000xi32, #tpu.memory_space<hbm>> -> memref<128xi32, #tpu.memory_space<hbm>>
        tpu.wait_dma2 semaphore(%arg18 : memref<!tpu.dma_semaphore, #tpu.memory_space<semaphore_mem>>) src(%dma_wait3A_306 : memref<128xi32, #tpu.memory_space<hbm>>) dst(%arg8 : memref<128xi32, #tpu.memory_space<vmem>>)
        %dma_wait3A_307 = arith.constant 1 : i32
        %dma_wait3A_308 = arith.constant 0 : i32
        %dma_wait3A_309 = tpu.memref_slice %arg3[%dma_wait3A_307, %dma_wait3A_308] : memref<2x320000xi32, #tpu.memory_space<hbm>> -> memref<1x320000xi32, #tpu.memory_space<hbm>>
        %dma_wait3A_310 = tpu.memref_squeeze %dma_wait3A_309 : memref<1x320000xi32, #tpu.memory_space<hbm>> -> memref<320000xi32, #tpu.memory_space<hbm>>
        %dma_wait3A_311 = arith.constant 0 : i32
        %dma_wait3A_312 = tpu.memref_slice %dma_wait3A_310[%dma_wait3A_311] : memref<320000xi32, #tpu.memory_space<hbm>> -> memref<128xi32, #tpu.memory_space<hbm>>
        %dma_wait3A_313 = arith.constant 0 : i32
        %dma_wait3A_314 = tpu.memref_slice %arg3[%dma_wait3A_307, %dma_wait3A_313] : memref<2x320000xi32, #tpu.memory_space<hbm>> -> memref<1x320000xi32, #tpu.memory_space<hbm>>
        %dma_wait3A_315 = tpu.memref_squeeze %dma_wait3A_314 : memref<1x320000xi32, #tpu.memory_space<hbm>> -> memref<320000xi32, #tpu.memory_space<hbm>>
        %dma_wait3A_316 = arith.constant 0 : i32
        %dma_wait3A_317 = tpu.memref_slice %dma_wait3A_315[%dma_wait3A_316] : memref<320000xi32, #tpu.memory_space<hbm>> -> memref<128xi32, #tpu.memory_space<hbm>>
        tpu.wait_dma2 semaphore(%arg22 : memref<!tpu.dma_semaphore, #tpu.memory_space<semaphore_mem>>) src(%dma_wait3A_317 : memref<128xi32, #tpu.memory_space<hbm>>) dst(%arg12 : memref<128xi32, #tpu.memory_space<vmem>>)
        %dma_start3A_318 = arith.constant 0 : i32
        %dma_start3A_319 = arith.constant 0 : i32
        %dma_start3A_320 = tpu.memref_slice %arg2[%dma_start3A_318, %dma_start3A_319] : memref<10000x64xf32, #tpu.memory_space<hbm>> -> memref<10000x64xf32, #tpu.memory_space<hbm>>
        tpu.enqueue_indirect_dma source(%dma_start3A_320 : memref<10000x64xf32, #tpu.memory_space<hbm>>) target(%arg14 : memref<128x64xf32, #tpu.memory_space<vmem>>) offsets(%arg8 : memref<128xi32, #tpu.memory_space<vmem>>) semaphore(%arg24 : memref<!tpu.dma_semaphore, #tpu.memory_space<semaphore_mem>>)
      } else {
      }
      %dma_wait3A_256 = arith.constant 0 : i32
      %dma_wait3A_257 = arith.constant 0 : i32
      %dma_wait3A_258 = tpu.memref_slice %arg2[%dma_wait3A_256, %dma_wait3A_257] : memref<10000x64xf32, #tpu.memory_space<hbm>> -> memref<10000x64xf32, #tpu.memory_space<hbm>>
      tpu.wait_indirect_dma semaphore(%arg23 : memref<!tpu.dma_semaphore, #tpu.memory_space<semaphore_mem>>) src(%dma_wait3A_258 : memref<10000x64xf32, #tpu.memory_space<hbm>>) dst(%arg13 : memref<128x64xf32, #tpu.memory_space<vmem>>)
      %add3A_259 = arith.constant 3 : i32
      %add3A_260 = arith.addi %add3A_243, %add3A_259 : i32
      %lt3A_261 = arith.constant 78 : i32
      %lt3A_262 = arith.cmpi slt, %add3A_260, %lt3A_261 : i32
      %convert_element_type3A_263 = arith.extui %lt3A_262 : i1 to i32
      %cond3A_264 = arith.constant 0 : i32
      %cond3A_265 = arith.cmpi ne, %convert_element_type3A_263, %cond3A_264 : i32
      scf.if %cond3A_265 {
        %add3A_296 = arith.constant 3 : i32
        %add3A_297 = arith.addi %add3A_243, %add3A_296 : i32
        %mul3A_298 = arith.constant 32 : i32
        %mul3A_299 = arith.muli %mul3A_298, %add3A_297 : i32
        %add3A_300 = arith.addi %add3A, %mul3A_299 : i32
        %mul3A_301 = arith.constant 128 : i32
        %mul3A_302 = arith.muli %add3A_300, %mul3A_301 : i32
        %dma_start3A_303 = arith.constant 0 : i32
        %dma_start3A_304 = arith.constant 0 : i32
        %dma_start3A_305 = tpu.memref_slice %arg3[%dma_start3A_303, %dma_start3A_304] : memref<2x320000xi32, #tpu.memory_space<hbm>> -> memref<1x320000xi32, #tpu.memory_space<hbm>>
        %dma_start3A_306 = tpu.memref_squeeze %dma_start3A_305 : memref<1x320000xi32, #tpu.memory_space<hbm>> -> memref<320000xi32, #tpu.memory_space<hbm>>
        %dma_start3A_307 = tpu.memref_slice %dma_start3A_306[%mul3A_302] : memref<320000xi32, #tpu.memory_space<hbm>> -> memref<128xi32, #tpu.memory_space<hbm>>
        %dma_start3A_308 = arith.constant 0 : i32
        %dma_start3A_309 = tpu.memref_slice %arg3[%dma_start3A_303, %dma_start3A_308] : memref<2x320000xi32, #tpu.memory_space<hbm>> -> memref<1x320000xi32, #tpu.memory_space<hbm>>
        %dma_start3A_310 = tpu.memref_squeeze %dma_start3A_309 : memref<1x320000xi32, #tpu.memory_space<hbm>> -> memref<320000xi32, #tpu.memory_space<hbm>>
        %dma_start3A_311 = tpu.memref_slice %dma_start3A_310[%mul3A_302] : memref<320000xi32, #tpu.memory_space<hbm>> -> memref<128xi32, #tpu.memory_space<hbm>>
        tpu.enqueue_dma source(%dma_start3A_311 : memref<128xi32, #tpu.memory_space<hbm>>) target(%arg6 : memref<128xi32, #tpu.memory_space<vmem>>) target_semaphore(%arg16 : memref<!tpu.dma_semaphore, #tpu.memory_space<semaphore_mem>>)
        %dma_start3A_312 = arith.constant 1 : i32
        %dma_start3A_313 = arith.constant 0 : i32
        %dma_start3A_314 = tpu.memref_slice %arg3[%dma_start3A_312, %dma_start3A_313] : memref<2x320000xi32, #tpu.memory_space<hbm>> -> memref<1x320000xi32, #tpu.memory_space<hbm>>
        %dma_start3A_315 = tpu.memref_squeeze %dma_start3A_314 : memref<1x320000xi32, #tpu.memory_space<hbm>> -> memref<320000xi32, #tpu.memory_space<hbm>>
        %dma_start3A_316 = tpu.memref_slice %dma_start3A_315[%mul3A_302] : memref<320000xi32, #tpu.memory_space<hbm>> -> memref<128xi32, #tpu.memory_space<hbm>>
        %dma_start3A_317 = arith.constant 0 : i32
        %dma_start3A_318 = tpu.memref_slice %arg3[%dma_start3A_312, %dma_start3A_317] : memref<2x320000xi32, #tpu.memory_space<hbm>> -> memref<1x320000xi32, #tpu.memory_space<hbm>>
        %dma_start3A_319 = tpu.memref_squeeze %dma_start3A_318 : memref<1x320000xi32, #tpu.memory_space<hbm>> -> memref<320000xi32, #tpu.memory_space<hbm>>
        %dma_start3A_320 = tpu.memref_slice %dma_start3A_319[%mul3A_302] : memref<320000xi32, #tpu.memory_space<hbm>> -> memref<128xi32, #tpu.memory_space<hbm>>
        tpu.enqueue_dma source(%dma_start3A_320 : memref<128xi32, #tpu.memory_space<hbm>>) target(%arg10 : memref<128xi32, #tpu.memory_space<vmem>>) target_semaphore(%arg20 : memref<!tpu.dma_semaphore, #tpu.memory_space<semaphore_mem>>)
      } else {
      }
      %dma_start3A_266 = arith.constant 0 : i32
      %dma_start3A_267 = arith.constant 0 : i32
      %dma_start3A_268 = tpu.memref_slice %arg28[%dma_start3A_266, %dma_start3A_267] : memref<10000x64xf32, #tpu.memory_space<vmem_shared>> -> memref<10000x64xf32, #tpu.memory_space<vmem_shared>>
      tpu.enqueue_indirect_dma source(%arg13 : memref<128x64xf32, #tpu.memory_space<vmem>>) target(%dma_start3A_268 : memref<10000x64xf32, #tpu.memory_space<vmem_shared>>) offsets(%arg11 : memref<128xi32, #tpu.memory_space<vmem>>) semaphore(%arg25 : memref<!tpu.dma_semaphore, #tpu.memory_space<semaphore_mem>>) {add = true}
      %add3A_269 = arith.constant 3 : i32
      %add3A_270 = arith.addi %mul3A_188, %add3A_269 : i32
      %ge3A_271 = arith.constant 1 : i32
      %ge3A_272 = arith.cmpi sge, %add3A_270, %ge3A_271 : i32
      %convert_element_type3A_273 = arith.extui %ge3A_272 : i1 to i32
      %cond3A_274 = arith.constant 0 : i32
      %cond3A_275 = arith.cmpi ne, %convert_element_type3A_273, %cond3A_274 : i32
      scf.if %cond3A_275 {
        %dma_wait3A_296 = arith.constant 0 : i32
        %dma_wait3A_297 = arith.constant 0 : i32
        %dma_wait3A_298 = tpu.memref_slice %arg28[%dma_wait3A_296, %dma_wait3A_297] : memref<10000x64xf32, #tpu.memory_space<vmem_shared>> -> memref<10000x64xf32, #tpu.memory_space<vmem_shared>>
        tpu.wait_indirect_dma semaphore(%arg25 : memref<!tpu.dma_semaphore, #tpu.memory_space<semaphore_mem>>) src(%arg13 : memref<128x64xf32, #tpu.memory_space<vmem>>) dst(%dma_wait3A_298 : memref<10000x64xf32, #tpu.memory_space<vmem_shared>>)
      } else {
      }
      %add3A_276 = arith.constant 1 : i32
      %add3A_277 = arith.addi %add3A_270, %add3A_276 : i32
      %lt3A_278 = arith.constant 78 : i32
      %lt3A_279 = arith.cmpi slt, %add3A_277, %lt3A_278 : i32
      %convert_element_type3A_280 = arith.extui %lt3A_279 : i1 to i32
      %cond3A_281 = arith.constant 0 : i32
      %cond3A_282 = arith.cmpi ne, %convert_element_type3A_280, %cond3A_281 : i32
      scf.if %cond3A_282 {
        %dma_wait3A_296 = arith.constant 0 : i32
        %dma_wait3A_297 = arith.constant 0 : i32
        %dma_wait3A_298 = tpu.memref_slice %arg3[%dma_wait3A_296, %dma_wait3A_297] : memref<2x320000xi32, #tpu.memory_space<hbm>> -> memref<1x320000xi32, #tpu.memory_space<hbm>>
        %dma_wait3A_299 = tpu.memref_squeeze %dma_wait3A_298 : memref<1x320000xi32, #tpu.memory_space<hbm>> -> memref<320000xi32, #tpu.memory_space<hbm>>
        %dma_wait3A_300 = arith.constant 0 : i32
        %dma_wait3A_301 = tpu.memref_slice %dma_wait3A_299[%dma_wait3A_300] : memref<320000xi32, #tpu.memory_space<hbm>> -> memref<128xi32, #tpu.memory_space<hbm>>
        %dma_wait3A_302 = arith.constant 0 : i32
        %dma_wait3A_303 = tpu.memref_slice %arg3[%dma_wait3A_296, %dma_wait3A_302] : memref<2x320000xi32, #tpu.memory_space<hbm>> -> memref<1x320000xi32, #tpu.memory_space<hbm>>
        %dma_wait3A_304 = tpu.memref_squeeze %dma_wait3A_303 : memref<1x320000xi32, #tpu.memory_space<hbm>> -> memref<320000xi32, #tpu.memory_space<hbm>>
        %dma_wait3A_305 = arith.constant 0 : i32
        %dma_wait3A_306 = tpu.memref_slice %dma_wait3A_304[%dma_wait3A_305] : memref<320000xi32, #tpu.memory_space<hbm>> -> memref<128xi32, #tpu.memory_space<hbm>>
        tpu.wait_dma2 semaphore(%arg15 : memref<!tpu.dma_semaphore, #tpu.memory_space<semaphore_mem>>) src(%dma_wait3A_306 : memref<128xi32, #tpu.memory_space<hbm>>) dst(%arg5 : memref<128xi32, #tpu.memory_space<vmem>>)
        %dma_wait3A_307 = arith.constant 1 : i32
        %dma_wait3A_308 = arith.constant 0 : i32
        %dma_wait3A_309 = tpu.memref_slice %arg3[%dma_wait3A_307, %dma_wait3A_308] : memref<2x320000xi32, #tpu.memory_space<hbm>> -> memref<1x320000xi32, #tpu.memory_space<hbm>>
        %dma_wait3A_310 = tpu.memref_squeeze %dma_wait3A_309 : memref<1x320000xi32, #tpu.memory_space<hbm>> -> memref<320000xi32, #tpu.memory_space<hbm>>
        %dma_wait3A_311 = arith.constant 0 : i32
        %dma_wait3A_312 = tpu.memref_slice %dma_wait3A_310[%dma_wait3A_311] : memref<320000xi32, #tpu.memory_space<hbm>> -> memref<128xi32, #tpu.memory_space<hbm>>
        %dma_wait3A_313 = arith.constant 0 : i32
        %dma_wait3A_314 = tpu.memref_slice %arg3[%dma_wait3A_307, %dma_wait3A_313] : memref<2x320000xi32, #tpu.memory_space<hbm>> -> memref<1x320000xi32, #tpu.memory_space<hbm>>
        %dma_wait3A_315 = tpu.memref_squeeze %dma_wait3A_314 : memref<1x320000xi32, #tpu.memory_space<hbm>> -> memref<320000xi32, #tpu.memory_space<hbm>>
        %dma_wait3A_316 = arith.constant 0 : i32
        %dma_wait3A_317 = tpu.memref_slice %dma_wait3A_315[%dma_wait3A_316] : memref<320000xi32, #tpu.memory_space<hbm>> -> memref<128xi32, #tpu.memory_space<hbm>>
        tpu.wait_dma2 semaphore(%arg19 : memref<!tpu.dma_semaphore, #tpu.memory_space<semaphore_mem>>) src(%dma_wait3A_317 : memref<128xi32, #tpu.memory_space<hbm>>) dst(%arg9 : memref<128xi32, #tpu.memory_space<vmem>>)
        %dma_start3A_318 = arith.constant 0 : i32
        %dma_start3A_319 = arith.constant 0 : i32
        %dma_start3A_320 = tpu.memref_slice %arg2[%dma_start3A_318, %dma_start3A_319] : memref<10000x64xf32, #tpu.memory_space<hbm>> -> memref<10000x64xf32, #tpu.memory_space<hbm>>
        tpu.enqueue_indirect_dma source(%dma_start3A_320 : memref<10000x64xf32, #tpu.memory_space<hbm>>) target(%arg13 : memref<128x64xf32, #tpu.memory_space<vmem>>) offsets(%arg5 : memref<128xi32, #tpu.memory_space<vmem>>) semaphore(%arg23 : memref<!tpu.dma_semaphore, #tpu.memory_space<semaphore_mem>>)
      } else {
      }
      %dma_wait3A_283 = arith.constant 0 : i32
      %dma_wait3A_284 = arith.constant 0 : i32
      %dma_wait3A_285 = tpu.memref_slice %arg2[%dma_wait3A_283, %dma_wait3A_284] : memref<10000x64xf32, #tpu.memory_space<hbm>> -> memref<10000x64xf32, #tpu.memory_space<hbm>>
      tpu.wait_indirect_dma semaphore(%arg24 : memref<!tpu.dma_semaphore, #tpu.memory_space<semaphore_mem>>) src(%dma_wait3A_285 : memref<10000x64xf32, #tpu.memory_space<hbm>>) dst(%arg14 : memref<128x64xf32, #tpu.memory_space<vmem>>)
      %add3A_286 = arith.constant 3 : i32
      %add3A_287 = arith.addi %add3A_270, %add3A_286 : i32
      %lt3A_288 = arith.constant 78 : i32
      %lt3A_289 = arith.cmpi slt, %add3A_287, %lt3A_288 : i32
      %convert_element_type3A_290 = arith.extui %lt3A_289 : i1 to i32
      %cond3A_291 = arith.constant 0 : i32
      %cond3A_292 = arith.cmpi ne, %convert_element_type3A_290, %cond3A_291 : i32
      scf.if %cond3A_292 {
        %add3A_296 = arith.constant 3 : i32
        %add3A_297 = arith.addi %add3A_270, %add3A_296 : i32
        %mul3A_298 = arith.constant 32 : i32
        %mul3A_299 = arith.muli %mul3A_298, %add3A_297 : i32
        %add3A_300 = arith.addi %add3A, %mul3A_299 : i32
        %mul3A_301 = arith.constant 128 : i32
        %mul3A_302 = arith.muli %add3A_300, %mul3A_301 : i32
        %dma_start3A_303 = arith.constant 0 : i32
        %dma_start3A_304 = arith.constant 0 : i32
        %dma_start3A_305 = tpu.memref_slice %arg3[%dma_start3A_303, %dma_start3A_304] : memref<2x320000xi32, #tpu.memory_space<hbm>> -> memref<1x320000xi32, #tpu.memory_space<hbm>>
        %dma_start3A_306 = tpu.memref_squeeze %dma_start3A_305 : memref<1x320000xi32, #tpu.memory_space<hbm>> -> memref<320000xi32, #tpu.memory_space<hbm>>
        %dma_start3A_307 = tpu.memref_slice %dma_start3A_306[%mul3A_302] : memref<320000xi32, #tpu.memory_space<hbm>> -> memref<128xi32, #tpu.memory_space<hbm>>
        %dma_start3A_308 = arith.constant 0 : i32
        %dma_start3A_309 = tpu.memref_slice %arg3[%dma_start3A_303, %dma_start3A_308] : memref<2x320000xi32, #tpu.memory_space<hbm>> -> memref<1x320000xi32, #tpu.memory_space<hbm>>
        %dma_start3A_310 = tpu.memref_squeeze %dma_start3A_309 : memref<1x320000xi32, #tpu.memory_space<hbm>> -> memref<320000xi32, #tpu.memory_space<hbm>>
        %dma_start3A_311 = tpu.memref_slice %dma_start3A_310[%mul3A_302] : memref<320000xi32, #tpu.memory_space<hbm>> -> memref<128xi32, #tpu.memory_space<hbm>>
        tpu.enqueue_dma source(%dma_start3A_311 : memref<128xi32, #tpu.memory_space<hbm>>) target(%arg7 : memref<128xi32, #tpu.memory_space<vmem>>) target_semaphore(%arg17 : memref<!tpu.dma_semaphore, #tpu.memory_space<semaphore_mem>>)
        %dma_start3A_312 = arith.constant 1 : i32
        %dma_start3A_313 = arith.constant 0 : i32
        %dma_start3A_314 = tpu.memref_slice %arg3[%dma_start3A_312, %dma_start3A_313] : memref<2x320000xi32, #tpu.memory_space<hbm>> -> memref<1x320000xi32, #tpu.memory_space<hbm>>
        %dma_start3A_315 = tpu.memref_squeeze %dma_start3A_314 : memref<1x320000xi32, #tpu.memory_space<hbm>> -> memref<320000xi32, #tpu.memory_space<hbm>>
        %dma_start3A_316 = tpu.memref_slice %dma_start3A_315[%mul3A_302] : memref<320000xi32, #tpu.memory_space<hbm>> -> memref<128xi32, #tpu.memory_space<hbm>>
        %dma_start3A_317 = arith.constant 0 : i32
        %dma_start3A_318 = tpu.memref_slice %arg3[%dma_start3A_312, %dma_start3A_317] : memref<2x320000xi32, #tpu.memory_space<hbm>> -> memref<1x320000xi32, #tpu.memory_space<hbm>>
        %dma_start3A_319 = tpu.memref_squeeze %dma_start3A_318 : memref<1x320000xi32, #tpu.memory_space<hbm>> -> memref<320000xi32, #tpu.memory_space<hbm>>
        %dma_start3A_320 = tpu.memref_slice %dma_start3A_319[%mul3A_302] : memref<320000xi32, #tpu.memory_space<hbm>> -> memref<128xi32, #tpu.memory_space<hbm>>
        tpu.enqueue_dma source(%dma_start3A_320 : memref<128xi32, #tpu.memory_space<hbm>>) target(%arg11 : memref<128xi32, #tpu.memory_space<vmem>>) target_semaphore(%arg21 : memref<!tpu.dma_semaphore, #tpu.memory_space<semaphore_mem>>)
      } else {
      }
      %dma_start3A_293 = arith.constant 0 : i32
      %dma_start3A_294 = arith.constant 0 : i32
      %dma_start3A_295 = tpu.memref_slice %arg28[%dma_start3A_293, %dma_start3A_294] : memref<10000x64xf32, #tpu.memory_space<vmem_shared>> -> memref<10000x64xf32, #tpu.memory_space<vmem_shared>>
      tpu.enqueue_indirect_dma source(%arg14 : memref<128x64xf32, #tpu.memory_space<vmem>>) target(%dma_start3A_295 : memref<10000x64xf32, #tpu.memory_space<vmem_shared>>) offsets(%arg12 : memref<128xi32, #tpu.memory_space<vmem>>) semaphore(%arg26 : memref<!tpu.dma_semaphore, #tpu.memory_space<semaphore_mem>>) {add = true}
    }
    %scan3A_114 = arith.constant 19 : i32
    %dma_wait3A_115 = arith.constant 0 : i32
    %dma_wait3A_116 = arith.constant 0 : i32
    %dma_wait3A_117 = tpu.memref_slice %arg28[%dma_wait3A_115, %dma_wait3A_116] : memref<10000x64xf32, #tpu.memory_space<vmem_shared>> -> memref<10000x64xf32, #tpu.memory_space<vmem_shared>>
    tpu.wait_indirect_dma semaphore(%arg26 : memref<!tpu.dma_semaphore, #tpu.memory_space<semaphore_mem>>) src(%arg14 : memref<128x64xf32, #tpu.memory_space<vmem>>) dst(%dma_wait3A_117 : memref<10000x64xf32, #tpu.memory_space<vmem_shared>>)
    %dma_wait3A_118 = arith.constant 0 : i32
    %dma_wait3A_119 = arith.constant 0 : i32
    %dma_wait3A_120 = tpu.memref_slice %arg3[%dma_wait3A_118, %dma_wait3A_119] : memref<2x320000xi32, #tpu.memory_space<hbm>> -> memref<1x320000xi32, #tpu.memory_space<hbm>>
    %dma_wait3A_121 = tpu.memref_squeeze %dma_wait3A_120 : memref<1x320000xi32, #tpu.memory_space<hbm>> -> memref<320000xi32, #tpu.memory_space<hbm>>
    %dma_wait3A_122 = arith.constant 0 : i32
    %dma_wait3A_123 = tpu.memref_slice %dma_wait3A_121[%dma_wait3A_122] : memref<320000xi32, #tpu.memory_space<hbm>> -> memref<128xi32, #tpu.memory_space<hbm>>
    %dma_wait3A_124 = arith.constant 0 : i32
    %dma_wait3A_125 = tpu.memref_slice %arg3[%dma_wait3A_118, %dma_wait3A_124] : memref<2x320000xi32, #tpu.memory_space<hbm>> -> memref<1x320000xi32, #tpu.memory_space<hbm>>
    %dma_wait3A_126 = tpu.memref_squeeze %dma_wait3A_125 : memref<1x320000xi32, #tpu.memory_space<hbm>> -> memref<320000xi32, #tpu.memory_space<hbm>>
    %dma_wait3A_127 = arith.constant 0 : i32
    %dma_wait3A_128 = tpu.memref_slice %dma_wait3A_126[%dma_wait3A_127] : memref<320000xi32, #tpu.memory_space<hbm>> -> memref<128xi32, #tpu.memory_space<hbm>>
    tpu.wait_dma2 semaphore(%arg16 : memref<!tpu.dma_semaphore, #tpu.memory_space<semaphore_mem>>) src(%dma_wait3A_128 : memref<128xi32, #tpu.memory_space<hbm>>) dst(%arg6 : memref<128xi32, #tpu.memory_space<vmem>>)
    %dma_wait3A_129 = arith.constant 1 : i32
    %dma_wait3A_130 = arith.constant 0 : i32
    %dma_wait3A_131 = tpu.memref_slice %arg3[%dma_wait3A_129, %dma_wait3A_130] : memref<2x320000xi32, #tpu.memory_space<hbm>> -> memref<1x320000xi32, #tpu.memory_space<hbm>>
    %dma_wait3A_132 = tpu.memref_squeeze %dma_wait3A_131 : memref<1x320000xi32, #tpu.memory_space<hbm>> -> memref<320000xi32, #tpu.memory_space<hbm>>
    %dma_wait3A_133 = arith.constant 0 : i32
    %dma_wait3A_134 = tpu.memref_slice %dma_wait3A_132[%dma_wait3A_133] : memref<320000xi32, #tpu.memory_space<hbm>> -> memref<128xi32, #tpu.memory_space<hbm>>
    %dma_wait3A_135 = arith.constant 0 : i32
    %dma_wait3A_136 = tpu.memref_slice %arg3[%dma_wait3A_129, %dma_wait3A_135] : memref<2x320000xi32, #tpu.memory_space<hbm>> -> memref<1x320000xi32, #tpu.memory_space<hbm>>
    %dma_wait3A_137 = tpu.memref_squeeze %dma_wait3A_136 : memref<1x320000xi32, #tpu.memory_space<hbm>> -> memref<320000xi32, #tpu.memory_space<hbm>>
    %dma_wait3A_138 = arith.constant 0 : i32
    %dma_wait3A_139 = tpu.memref_slice %dma_wait3A_137[%dma_wait3A_138] : memref<320000xi32, #tpu.memory_space<hbm>> -> memref<128xi32, #tpu.memory_space<hbm>>
    tpu.wait_dma2 semaphore(%arg20 : memref<!tpu.dma_semaphore, #tpu.memory_space<semaphore_mem>>) src(%dma_wait3A_139 : memref<128xi32, #tpu.memory_space<hbm>>) dst(%arg10 : memref<128xi32, #tpu.memory_space<vmem>>)
    %dma_start3A_140 = arith.constant 0 : i32
    %dma_start3A_141 = arith.constant 0 : i32
    %dma_start3A_142 = tpu.memref_slice %arg2[%dma_start3A_140, %dma_start3A_141] : memref<10000x64xf32, #tpu.memory_space<hbm>> -> memref<10000x64xf32, #tpu.memory_space<hbm>>
    tpu.enqueue_indirect_dma source(%dma_start3A_142 : memref<10000x64xf32, #tpu.memory_space<hbm>>) target(%arg14 : memref<128x64xf32, #tpu.memory_space<vmem>>) offsets(%arg6 : memref<128xi32, #tpu.memory_space<vmem>>) semaphore(%arg24 : memref<!tpu.dma_semaphore, #tpu.memory_space<semaphore_mem>>)
    %dma_wait3A_143 = arith.constant 0 : i32
    %dma_wait3A_144 = arith.constant 0 : i32
    %dma_wait3A_145 = tpu.memref_slice %arg2[%dma_wait3A_143, %dma_wait3A_144] : memref<10000x64xf32, #tpu.memory_space<hbm>> -> memref<10000x64xf32, #tpu.memory_space<hbm>>
    tpu.wait_indirect_dma semaphore(%arg23 : memref<!tpu.dma_semaphore, #tpu.memory_space<semaphore_mem>>) src(%dma_wait3A_145 : memref<10000x64xf32, #tpu.memory_space<hbm>>) dst(%arg13 : memref<128x64xf32, #tpu.memory_space<vmem>>)
    %dma_start3A_146 = arith.constant 0 : i32
    %dma_start3A_147 = arith.constant 0 : i32
    %dma_start3A_148 = tpu.memref_slice %arg28[%dma_start3A_146, %dma_start3A_147] : memref<10000x64xf32, #tpu.memory_space<vmem_shared>> -> memref<10000x64xf32, #tpu.memory_space<vmem_shared>>
    tpu.enqueue_indirect_dma source(%arg13 : memref<128x64xf32, #tpu.memory_space<vmem>>) target(%dma_start3A_148 : memref<10000x64xf32, #tpu.memory_space<vmem_shared>>) offsets(%arg9 : memref<128xi32, #tpu.memory_space<vmem>>) semaphore(%arg25 : memref<!tpu.dma_semaphore, #tpu.memory_space<semaphore_mem>>) {add = true}
    %dma_wait3A_149 = arith.constant 0 : i32
    %dma_wait3A_150 = arith.constant 0 : i32
    %dma_wait3A_151 = tpu.memref_slice %arg28[%dma_wait3A_149, %dma_wait3A_150] : memref<10000x64xf32, #tpu.memory_space<vmem_shared>> -> memref<10000x64xf32, #tpu.memory_space<vmem_shared>>
    tpu.wait_indirect_dma semaphore(%arg25 : memref<!tpu.dma_semaphore, #tpu.memory_space<semaphore_mem>>) src(%arg13 : memref<128x64xf32, #tpu.memory_space<vmem>>) dst(%dma_wait3A_151 : memref<10000x64xf32, #tpu.memory_space<vmem_shared>>)
    %dma_wait3A_152 = arith.constant 0 : i32
    %dma_wait3A_153 = arith.constant 0 : i32
    %dma_wait3A_154 = tpu.memref_slice %arg2[%dma_wait3A_152, %dma_wait3A_153] : memref<10000x64xf32, #tpu.memory_space<hbm>> -> memref<10000x64xf32, #tpu.memory_space<hbm>>
    tpu.wait_indirect_dma semaphore(%arg24 : memref<!tpu.dma_semaphore, #tpu.memory_space<semaphore_mem>>) src(%dma_wait3A_154 : memref<10000x64xf32, #tpu.memory_space<hbm>>) dst(%arg14 : memref<128x64xf32, #tpu.memory_space<vmem>>)
    %dma_start3A_155 = arith.constant 0 : i32
    %dma_start3A_156 = arith.constant 0 : i32
    %dma_start3A_157 = tpu.memref_slice %arg28[%dma_start3A_155, %dma_start3A_156] : memref<10000x64xf32, #tpu.memory_space<vmem_shared>> -> memref<10000x64xf32, #tpu.memory_space<vmem_shared>>
    tpu.enqueue_indirect_dma source(%arg14 : memref<128x64xf32, #tpu.memory_space<vmem>>) target(%dma_start3A_157 : memref<10000x64xf32, #tpu.memory_space<vmem_shared>>) offsets(%arg10 : memref<128xi32, #tpu.memory_space<vmem>>) semaphore(%arg26 : memref<!tpu.dma_semaphore, #tpu.memory_space<semaphore_mem>>) {add = true}
    %dma_wait3A_158 = arith.constant 0 : i32
    %dma_wait3A_159 = arith.constant 0 : i32
    %dma_wait3A_160 = tpu.memref_slice %arg28[%dma_wait3A_158, %dma_wait3A_159] : memref<10000x64xf32, #tpu.memory_space<vmem_shared>> -> memref<10000x64xf32, #tpu.memory_space<vmem_shared>>
    tpu.wait_indirect_dma semaphore(%arg26 : memref<!tpu.dma_semaphore, #tpu.memory_space<semaphore_mem>>) src(%arg14 : memref<128x64xf32, #tpu.memory_space<vmem>>) dst(%dma_wait3A_160 : memref<10000x64xf32, #tpu.memory_space<vmem_shared>>)
    %lt3A = arith.constant 4 : i32
    %lt3A_161 = arith.cmpi slt, %add3A, %lt3A : i32
    %convert_element_type3A = arith.extui %lt3A_161 : i1 to i32
    %cond3A = arith.constant 0 : i32
    %cond3A_162 = arith.cmpi ne, %convert_element_type3A, %cond3A : i32
    scf.if %cond3A_162 {
      %add3A_182 = arith.constant 2496 : i32
      %add3A_183 = arith.addi %add3A_182, %add3A : i32
      %mul3A_184 = arith.constant 128 : i32
      %mul3A_185 = arith.muli %add3A_183, %mul3A_184 : i32
      %dma_start3A_186 = arith.constant 0 : i32
      %dma_start3A_187 = arith.constant 0 : i32
      %dma_start3A_188 = tpu.memref_slice %arg3[%dma_start3A_186, %dma_start3A_187] : memref<2x320000xi32, #tpu.memory_space<hbm>> -> memref<1x320000xi32, #tpu.memory_space<hbm>>
      %dma_start3A_189 = tpu.memref_squeeze %dma_start3A_188 : memref<1x320000xi32, #tpu.memory_space<hbm>> -> memref<320000xi32, #tpu.memory_space<hbm>>
      %dma_start3A_190 = tpu.memref_slice %dma_start3A_189[%mul3A_185] : memref<320000xi32, #tpu.memory_space<hbm>> -> memref<128xi32, #tpu.memory_space<hbm>>
      %dma_start3A_191 = arith.constant 0 : i32
      %dma_start3A_192 = tpu.memref_slice %arg3[%dma_start3A_186, %dma_start3A_191] : memref<2x320000xi32, #tpu.memory_space<hbm>> -> memref<1x320000xi32, #tpu.memory_space<hbm>>
      %dma_start3A_193 = tpu.memref_squeeze %dma_start3A_192 : memref<1x320000xi32, #tpu.memory_space<hbm>> -> memref<320000xi32, #tpu.memory_space<hbm>>
      %dma_start3A_194 = tpu.memref_slice %dma_start3A_193[%mul3A_185] : memref<320000xi32, #tpu.memory_space<hbm>> -> memref<128xi32, #tpu.memory_space<hbm>>
      tpu.enqueue_dma source(%dma_start3A_194 : memref<128xi32, #tpu.memory_space<hbm>>) target(%arg5 : memref<128xi32, #tpu.memory_space<vmem>>) target_semaphore(%arg15 : memref<!tpu.dma_semaphore, #tpu.memory_space<semaphore_mem>>)
      %dma_start3A_195 = arith.constant 1 : i32
      %dma_start3A_196 = arith.constant 0 : i32
      %dma_start3A_197 = tpu.memref_slice %arg3[%dma_start3A_195, %dma_start3A_196] : memref<2x320000xi32, #tpu.memory_space<hbm>> -> memref<1x320000xi32, #tpu.memory_space<hbm>>
      %dma_start3A_198 = tpu.memref_squeeze %dma_start3A_197 : memref<1x320000xi32, #tpu.memory_space<hbm>> -> memref<320000xi32, #tpu.memory_space<hbm>>
      %dma_start3A_199 = tpu.memref_slice %dma_start3A_198[%mul3A_185] : memref<320000xi32, #tpu.memory_space<hbm>> -> memref<128xi32, #tpu.memory_space<hbm>>
      %dma_start3A_200 = arith.constant 0 : i32
      %dma_start3A_201 = tpu.memref_slice %arg3[%dma_start3A_195, %dma_start3A_200] : memref<2x320000xi32, #tpu.memory_space<hbm>> -> memref<1x320000xi32, #tpu.memory_space<hbm>>
      %dma_start3A_202 = tpu.memref_squeeze %dma_start3A_201 : memref<1x320000xi32, #tpu.memory_space<hbm>> -> memref<320000xi32, #tpu.memory_space<hbm>>
      %dma_start3A_203 = tpu.memref_slice %dma_start3A_202[%mul3A_185] : memref<320000xi32, #tpu.memory_space<hbm>> -> memref<128xi32, #tpu.memory_space<hbm>>
      tpu.enqueue_dma source(%dma_start3A_203 : memref<128xi32, #tpu.memory_space<hbm>>) target(%arg9 : memref<128xi32, #tpu.memory_space<vmem>>) target_semaphore(%arg19 : memref<!tpu.dma_semaphore, #tpu.memory_space<semaphore_mem>>)
      %dma_wait3A_204 = arith.constant 0 : i32
      %dma_wait3A_205 = arith.constant 0 : i32
      %dma_wait3A_206 = tpu.memref_slice %arg3[%dma_wait3A_204, %dma_wait3A_205] : memref<2x320000xi32, #tpu.memory_space<hbm>> -> memref<1x320000xi32, #tpu.memory_space<hbm>>
      %dma_wait3A_207 = tpu.memref_squeeze %dma_wait3A_206 : memref<1x320000xi32, #tpu.memory_space<hbm>> -> memref<320000xi32, #tpu.memory_space<hbm>>
      %dma_wait3A_208 = arith.constant 0 : i32
      %dma_wait3A_209 = tpu.memref_slice %dma_wait3A_207[%dma_wait3A_208] : memref<320000xi32, #tpu.memory_space<hbm>> -> memref<128xi32, #tpu.memory_space<hbm>>
      %dma_wait3A_210 = arith.constant 0 : i32
      %dma_wait3A_211 = tpu.memref_slice %arg3[%dma_wait3A_204, %dma_wait3A_210] : memref<2x320000xi32, #tpu.memory_space<hbm>> -> memref<1x320000xi32, #tpu.memory_space<hbm>>
      %dma_wait3A_212 = tpu.memref_squeeze %dma_wait3A_211 : memref<1x320000xi32, #tpu.memory_space<hbm>> -> memref<320000xi32, #tpu.memory_space<hbm>>
      %dma_wait3A_213 = arith.constant 0 : i32
      %dma_wait3A_214 = tpu.memref_slice %dma_wait3A_212[%dma_wait3A_213] : memref<320000xi32, #tpu.memory_space<hbm>> -> memref<128xi32, #tpu.memory_space<hbm>>
      tpu.wait_dma2 semaphore(%arg15 : memref<!tpu.dma_semaphore, #tpu.memory_space<semaphore_mem>>) src(%dma_wait3A_214 : memref<128xi32, #tpu.memory_space<hbm>>) dst(%arg5 : memref<128xi32, #tpu.memory_space<vmem>>)
      %dma_wait3A_215 = arith.constant 1 : i32
      %dma_wait3A_216 = arith.constant 0 : i32
      %dma_wait3A_217 = tpu.memref_slice %arg3[%dma_wait3A_215, %dma_wait3A_216] : memref<2x320000xi32, #tpu.memory_space<hbm>> -> memref<1x320000xi32, #tpu.memory_space<hbm>>
      %dma_wait3A_218 = tpu.memref_squeeze %dma_wait3A_217 : memref<1x320000xi32, #tpu.memory_space<hbm>> -> memref<320000xi32, #tpu.memory_space<hbm>>
      %dma_wait3A_219 = arith.constant 0 : i32
      %dma_wait3A_220 = tpu.memref_slice %dma_wait3A_218[%dma_wait3A_219] : memref<320000xi32, #tpu.memory_space<hbm>> -> memref<128xi32, #tpu.memory_space<hbm>>
      %dma_wait3A_221 = arith.constant 0 : i32
      %dma_wait3A_222 = tpu.memref_slice %arg3[%dma_wait3A_215, %dma_wait3A_221] : memref<2x320000xi32, #tpu.memory_space<hbm>> -> memref<1x320000xi32, #tpu.memory_space<hbm>>
      %dma_wait3A_223 = tpu.memref_squeeze %dma_wait3A_222 : memref<1x320000xi32, #tpu.memory_space<hbm>> -> memref<320000xi32, #tpu.memory_space<hbm>>
      %dma_wait3A_224 = arith.constant 0 : i32
      %dma_wait3A_225 = tpu.memref_slice %dma_wait3A_223[%dma_wait3A_224] : memref<320000xi32, #tpu.memory_space<hbm>> -> memref<128xi32, #tpu.memory_space<hbm>>
      tpu.wait_dma2 semaphore(%arg19 : memref<!tpu.dma_semaphore, #tpu.memory_space<semaphore_mem>>) src(%dma_wait3A_225 : memref<128xi32, #tpu.memory_space<hbm>>) dst(%arg9 : memref<128xi32, #tpu.memory_space<vmem>>)
      %dma_start3A_226 = arith.constant 0 : i32
      %dma_start3A_227 = arith.constant 0 : i32
      %dma_start3A_228 = tpu.memref_slice %arg2[%dma_start3A_226, %dma_start3A_227] : memref<10000x64xf32, #tpu.memory_space<hbm>> -> memref<10000x64xf32, #tpu.memory_space<hbm>>
      tpu.enqueue_indirect_dma source(%dma_start3A_228 : memref<10000x64xf32, #tpu.memory_space<hbm>>) target(%arg13 : memref<128x64xf32, #tpu.memory_space<vmem>>) offsets(%arg5 : memref<128xi32, #tpu.memory_space<vmem>>) semaphore(%arg23 : memref<!tpu.dma_semaphore, #tpu.memory_space<semaphore_mem>>)
      %dma_wait3A_229 = arith.constant 0 : i32
      %dma_wait3A_230 = arith.constant 0 : i32
      %dma_wait3A_231 = tpu.memref_slice %arg2[%dma_wait3A_229, %dma_wait3A_230] : memref<10000x64xf32, #tpu.memory_space<hbm>> -> memref<10000x64xf32, #tpu.memory_space<hbm>>
      tpu.wait_indirect_dma semaphore(%arg23 : memref<!tpu.dma_semaphore, #tpu.memory_space<semaphore_mem>>) src(%dma_wait3A_231 : memref<10000x64xf32, #tpu.memory_space<hbm>>) dst(%arg13 : memref<128x64xf32, #tpu.memory_space<vmem>>)
      %dma_start3A_232 = arith.constant 0 : i32
      %dma_start3A_233 = arith.constant 0 : i32
      %dma_start3A_234 = tpu.memref_slice %arg28[%dma_start3A_232, %dma_start3A_233] : memref<10000x64xf32, #tpu.memory_space<vmem_shared>> -> memref<10000x64xf32, #tpu.memory_space<vmem_shared>>
      tpu.enqueue_indirect_dma source(%arg13 : memref<128x64xf32, #tpu.memory_space<vmem>>) target(%dma_start3A_234 : memref<10000x64xf32, #tpu.memory_space<vmem_shared>>) offsets(%arg9 : memref<128xi32, #tpu.memory_space<vmem>>) semaphore(%arg25 : memref<!tpu.dma_semaphore, #tpu.memory_space<semaphore_mem>>) {add = true}
      %dma_wait3A_235 = arith.constant 0 : i32
      %dma_wait3A_236 = arith.constant 0 : i32
      %dma_wait3A_237 = tpu.memref_slice %arg28[%dma_wait3A_235, %dma_wait3A_236] : memref<10000x64xf32, #tpu.memory_space<vmem_shared>> -> memref<10000x64xf32, #tpu.memory_space<vmem_shared>>
      tpu.wait_indirect_dma semaphore(%arg25 : memref<!tpu.dma_semaphore, #tpu.memory_space<semaphore_mem>>) src(%arg13 : memref<128x64xf32, #tpu.memory_space<vmem>>) dst(%dma_wait3A_237 : memref<10000x64xf32, #tpu.memory_space<vmem_shared>>)
    } else {
    }
    %barrier3A_163 = arith.constant 0 : index
    tpu.barrier barrier_id(%barrier3A_163)
    %sub3A_164 = arith.constant 125 : i32
    %sub3A_165 = arith.subi %sub3A_164, %arg1 : i32
    %sub3A_166 = arith.constant 16 : i32
    %sub3A_167 = arith.constant 1 : i32
    %sub3A_168 = arith.subi %sub3A_166, %sub3A_167 : i32
    %add3A_169 = arith.addi %sub3A_165, %sub3A_168 : i32
    %div3A_170 = arith.constant 16 : i32
    %div3A_171 = arith.divsi %add3A_169, %div3A_170 : i32
    %while3A_172 = arith.constant 16 : i32
    %while3A_173 = arith.constant 0 : i32
    %while3A_174 = arith.subi %div3A_171, %while3A_173 : i32
    %while3A_175 = arith.addi %while3A_173, %while3A_174 : i32
    %while3A_176 = arith.constant 1 : i32
    %while3A_177 = arith.divsi %while3A_174, %while3A_176 : i32
    %while3A_178 = arith.muli %while3A_177, %while3A_176 : i32
    %while3A_179 = arith.addi %while3A_173, %while3A_178 : i32
    %while3A_180 = arith.constant 1 : i32
    scf.for %while3A_182 = %while3A_173 to %while3A_179 step %while3A_180  : i32 {
      %mul3A_183 = arith.muli %while3A_182, %while3A_172 : i32
      %add3A_184 = arith.addi %arg1, %mul3A_183 : i32
      %mul3A_185 = arith.constant 80 : i32
      %mul3A_186 = arith.muli %add3A_184, %mul3A_185 : i32
      "tpu.region"() ({
        %run_scoped3A = tpu.sem_alloc : memref<!tpu.dma_semaphore, #tpu.memory_space<semaphore_mem>>
        %dma_start3A_187 = arith.constant 0 : i32
        %dma_start3A_188 = tpu.memref_slice %arg28[%mul3A_186, %dma_start3A_187] : memref<10000x64xf32, #tpu.memory_space<vmem_shared>> -> memref<80x64xf32, #tpu.memory_space<vmem_shared>>
        %dma_start3A_189 = arith.constant 0 : i32
        %dma_start3A_190 = tpu.memref_slice %arg28[%mul3A_186, %dma_start3A_189] : memref<10000x64xf32, #tpu.memory_space<vmem_shared>> -> memref<80x64xf32, #tpu.memory_space<vmem_shared>>
        tpu.enqueue_dma source(%dma_start3A_190 : memref<80x64xf32, #tpu.memory_space<vmem_shared>>) target(%arg27 : memref<80x64xf32, #tpu.memory_space<vmem>>) target_semaphore(%run_scoped3A : memref<!tpu.dma_semaphore, #tpu.memory_space<semaphore_mem>>)
        %dma_wait3A_191 = arith.constant 0 : i32
        %dma_wait3A_192 = tpu.memref_slice %arg28[%mul3A_186, %dma_wait3A_191] : memref<10000x64xf32, #tpu.memory_space<vmem_shared>> -> memref<80x64xf32, #tpu.memory_space<vmem_shared>>
        %dma_wait3A_193 = arith.constant 0 : i32
        %dma_wait3A_194 = tpu.memref_slice %arg28[%mul3A_186, %dma_wait3A_193] : memref<10000x64xf32, #tpu.memory_space<vmem_shared>> -> memref<80x64xf32, #tpu.memory_space<vmem_shared>>
        tpu.wait_dma2 semaphore(%run_scoped3A : memref<!tpu.dma_semaphore, #tpu.memory_space<semaphore_mem>>) src(%dma_wait3A_194 : memref<80x64xf32, #tpu.memory_space<vmem_shared>>) dst(%arg27 : memref<80x64xf32, #tpu.memory_space<vmem>>)
        tpu.yield
      }) : () -> ()
      "tpu.region"() ({
        %run_scoped3A = tpu.sem_alloc : memref<!tpu.dma_semaphore, #tpu.memory_space<semaphore_mem>>
        %dma_start3A_187 = arith.constant 0 : i32
        %dma_start3A_188 = arith.constant 0 : i32
        %dma_start3A_189 = tpu.memref_slice %arg4[%arg0, %dma_start3A_187, %dma_start3A_188] : memref<2x10000x64xf32, #tpu.memory_space<hbm>> -> memref<1x10000x64xf32, #tpu.memory_space<hbm>>
        %dma_start3A_190 = tpu.memref_squeeze %dma_start3A_189 : memref<1x10000x64xf32, #tpu.memory_space<hbm>> -> memref<10000x64xf32, #tpu.memory_space<hbm>>
        %dma_start3A_191 = arith.constant 0 : i32
        %dma_start3A_192 = tpu.memref_slice %dma_start3A_190[%mul3A_186, %dma_start3A_191] : memref<10000x64xf32, #tpu.memory_space<hbm>> -> memref<80x64xf32, #tpu.memory_space<hbm>>
        %dma_start3A_193 = arith.constant 0 : i32
        %dma_start3A_194 = arith.constant 0 : i32
        %dma_start3A_195 = tpu.memref_slice %arg4[%arg0, %dma_start3A_193, %dma_start3A_194] : memref<2x10000x64xf32, #tpu.memory_space<hbm>> -> memref<1x10000x64xf32, #tpu.memory_space<hbm>>
        %dma_start3A_196 = tpu.memref_squeeze %dma_start3A_195 : memref<1x10000x64xf32, #tpu.memory_space<hbm>> -> memref<10000x64xf32, #tpu.memory_space<hbm>>
        %dma_start3A_197 = arith.constant 0 : i32
        %dma_start3A_198 = tpu.memref_slice %dma_start3A_196[%mul3A_186, %dma_start3A_197] : memref<10000x64xf32, #tpu.memory_space<hbm>> -> memref<80x64xf32, #tpu.memory_space<hbm>>
        tpu.enqueue_dma source(%arg27 : memref<80x64xf32, #tpu.memory_space<vmem>>) target(%dma_start3A_198 : memref<80x64xf32, #tpu.memory_space<hbm>>) target_semaphore(%run_scoped3A : memref<!tpu.dma_semaphore, #tpu.memory_space<semaphore_mem>>)
        %dma_wait3A_199 = arith.constant 0 : i32
        %dma_wait3A_200 = arith.constant 0 : i32
        %dma_wait3A_201 = tpu.memref_slice %arg4[%arg0, %dma_wait3A_199, %dma_wait3A_200] : memref<2x10000x64xf32, #tpu.memory_space<hbm>> -> memref<1x10000x64xf32, #tpu.memory_space<hbm>>
        %dma_wait3A_202 = tpu.memref_squeeze %dma_wait3A_201 : memref<1x10000x64xf32, #tpu.memory_space<hbm>> -> memref<10000x64xf32, #tpu.memory_space<hbm>>
        %dma_wait3A_203 = arith.constant 0 : i32
        %dma_wait3A_204 = tpu.memref_slice %dma_wait3A_202[%mul3A_186, %dma_wait3A_203] : memref<10000x64xf32, #tpu.memory_space<hbm>> -> memref<80x64xf32, #tpu.memory_space<hbm>>
        %dma_wait3A_205 = arith.constant 0 : i32
        %dma_wait3A_206 = arith.constant 0 : i32
        %dma_wait3A_207 = tpu.memref_slice %arg4[%arg0, %dma_wait3A_205, %dma_wait3A_206] : memref<2x10000x64xf32, #tpu.memory_space<hbm>> -> memref<1x10000x64xf32, #tpu.memory_space<hbm>>
        %dma_wait3A_208 = tpu.memref_squeeze %dma_wait3A_207 : memref<1x10000x64xf32, #tpu.memory_space<hbm>> -> memref<10000x64xf32, #tpu.memory_space<hbm>>
        %dma_wait3A_209 = arith.constant 0 : i32
        %dma_wait3A_210 = tpu.memref_slice %dma_wait3A_208[%mul3A_186, %dma_wait3A_209] : memref<10000x64xf32, #tpu.memory_space<hbm>> -> memref<80x64xf32, #tpu.memory_space<hbm>>
        tpu.wait_dma2 semaphore(%run_scoped3A : memref<!tpu.dma_semaphore, #tpu.memory_space<semaphore_mem>>) src(%arg27 : memref<80x64xf32, #tpu.memory_space<vmem>>) dst(%dma_wait3A_210 : memref<80x64xf32, #tpu.memory_space<hbm>>)
        tpu.yield
      }) : () -> ()
    }
    %while3A_181 = arith.constant 1 : i32
    scf.for %while3A_182 = %while3A_179 to %while3A_175 step %while3A_181  : i32 {
      %mul3A_183 = arith.muli %while3A_182, %while3A_172 : i32
      %add3A_184 = arith.addi %arg1, %mul3A_183 : i32
      %mul3A_185 = arith.constant 80 : i32
      %mul3A_186 = arith.muli %add3A_184, %mul3A_185 : i32
      "tpu.region"() ({
        %run_scoped3A = tpu.sem_alloc : memref<!tpu.dma_semaphore, #tpu.memory_space<semaphore_mem>>
        %dma_start3A_187 = arith.constant 0 : i32
        %dma_start3A_188 = tpu.memref_slice %arg28[%mul3A_186, %dma_start3A_187] : memref<10000x64xf32, #tpu.memory_space<vmem_shared>> -> memref<80x64xf32, #tpu.memory_space<vmem_shared>>
        %dma_start3A_189 = arith.constant 0 : i32
        %dma_start3A_190 = tpu.memref_slice %arg28[%mul3A_186, %dma_start3A_189] : memref<10000x64xf32, #tpu.memory_space<vmem_shared>> -> memref<80x64xf32, #tpu.memory_space<vmem_shared>>
        tpu.enqueue_dma source(%dma_start3A_190 : memref<80x64xf32, #tpu.memory_space<vmem_shared>>) target(%arg27 : memref<80x64xf32, #tpu.memory_space<vmem>>) target_semaphore(%run_scoped3A : memref<!tpu.dma_semaphore, #tpu.memory_space<semaphore_mem>>)
        %dma_wait3A_191 = arith.constant 0 : i32
        %dma_wait3A_192 = tpu.memref_slice %arg28[%mul3A_186, %dma_wait3A_191] : memref<10000x64xf32, #tpu.memory_space<vmem_shared>> -> memref<80x64xf32, #tpu.memory_space<vmem_shared>>
        %dma_wait3A_193 = arith.constant 0 : i32
        %dma_wait3A_194 = tpu.memref_slice %arg28[%mul3A_186, %dma_wait3A_193] : memref<10000x64xf32, #tpu.memory_space<vmem_shared>> -> memref<80x64xf32, #tpu.memory_space<vmem_shared>>
        tpu.wait_dma2 semaphore(%run_scoped3A : memref<!tpu.dma_semaphore, #tpu.memory_space<semaphore_mem>>) src(%dma_wait3A_194 : memref<80x64xf32, #tpu.memory_space<vmem_shared>>) dst(%arg27 : memref<80x64xf32, #tpu.memory_space<vmem>>)
        tpu.yield
      }) : () -> ()
      "tpu.region"() ({
        %run_scoped3A = tpu.sem_alloc : memref<!tpu.dma_semaphore, #tpu.memory_space<semaphore_mem>>
        %dma_start3A_187 = arith.constant 0 : i32
        %dma_start3A_188 = arith.constant 0 : i32
        %dma_start3A_189 = tpu.memref_slice %arg4[%arg0, %dma_start3A_187, %dma_start3A_188] : memref<2x10000x64xf32, #tpu.memory_space<hbm>> -> memref<1x10000x64xf32, #tpu.memory_space<hbm>>
        %dma_start3A_190 = tpu.memref_squeeze %dma_start3A_189 : memref<1x10000x64xf32, #tpu.memory_space<hbm>> -> memref<10000x64xf32, #tpu.memory_space<hbm>>
        %dma_start3A_191 = arith.constant 0 : i32
        %dma_start3A_192 = tpu.memref_slice %dma_start3A_190[%mul3A_186, %dma_start3A_191] : memref<10000x64xf32, #tpu.memory_space<hbm>> -> memref<80x64xf32, #tpu.memory_space<hbm>>
        %dma_start3A_193 = arith.constant 0 : i32
        %dma_start3A_194 = arith.constant 0 : i32
        %dma_start3A_195 = tpu.memref_slice %arg4[%arg0, %dma_start3A_193, %dma_start3A_194] : memref<2x10000x64xf32, #tpu.memory_space<hbm>> -> memref<1x10000x64xf32, #tpu.memory_space<hbm>>
        %dma_start3A_196 = tpu.memref_squeeze %dma_start3A_195 : memref<1x10000x64xf32, #tpu.memory_space<hbm>> -> memref<10000x64xf32, #tpu.memory_space<hbm>>
        %dma_start3A_197 = arith.constant 0 : i32
        %dma_start3A_198 = tpu.memref_slice %dma_start3A_196[%mul3A_186, %dma_start3A_197] : memref<10000x64xf32, #tpu.memory_space<hbm>> -> memref<80x64xf32, #tpu.memory_space<hbm>>
        tpu.enqueue_dma source(%arg27 : memref<80x64xf32, #tpu.memory_space<vmem>>) target(%dma_start3A_198 : memref<80x64xf32, #tpu.memory_space<hbm>>) target_semaphore(%run_scoped3A : memref<!tpu.dma_semaphore, #tpu.memory_space<semaphore_mem>>)
        %dma_wait3A_199 = arith.constant 0 : i32
        %dma_wait3A_200 = arith.constant 0 : i32
        %dma_wait3A_201 = tpu.memref_slice %arg4[%arg0, %dma_wait3A_199, %dma_wait3A_200] : memref<2x10000x64xf32, #tpu.memory_space<hbm>> -> memref<1x10000x64xf32, #tpu.memory_space<hbm>>
        %dma_wait3A_202 = tpu.memref_squeeze %dma_wait3A_201 : memref<1x10000x64xf32, #tpu.memory_space<hbm>> -> memref<10000x64xf32, #tpu.memory_space<hbm>>
        %dma_wait3A_203 = arith.constant 0 : i32
        %dma_wait3A_204 = tpu.memref_slice %dma_wait3A_202[%mul3A_186, %dma_wait3A_203] : memref<10000x64xf32, #tpu.memory_space<hbm>> -> memref<80x64xf32, #tpu.memory_space<hbm>>
        %dma_wait3A_205 = arith.constant 0 : i32
        %dma_wait3A_206 = arith.constant 0 : i32
        %dma_wait3A_207 = tpu.memref_slice %arg4[%arg0, %dma_wait3A_205, %dma_wait3A_206] : memref<2x10000x64xf32, #tpu.memory_space<hbm>> -> memref<1x10000x64xf32, #tpu.memory_space<hbm>>
        %dma_wait3A_208 = tpu.memref_squeeze %dma_wait3A_207 : memref<1x10000x64xf32, #tpu.memory_space<hbm>> -> memref<10000x64xf32, #tpu.memory_space<hbm>>
        %dma_wait3A_209 = arith.constant 0 : i32
        %dma_wait3A_210 = tpu.memref_slice %dma_wait3A_208[%mul3A_186, %dma_wait3A_209] : memref<10000x64xf32, #tpu.memory_space<hbm>> -> memref<80x64xf32, #tpu.memory_space<hbm>>
        tpu.wait_dma2 semaphore(%run_scoped3A : memref<!tpu.dma_semaphore, #tpu.memory_space<semaphore_mem>>) src(%arg27 : memref<80x64xf32, #tpu.memory_space<vmem>>) dst(%dma_wait3A_210 : memref<80x64xf32, #tpu.memory_space<hbm>>)
        tpu.yield
      }) : () -> ()
    }
    return
  }
}

#map = affine_map<(d0, d1) -> (0, 0)>
#map1 = affine_map<(d0, d1) -> (0, 0, 0)>
module attributes {stable_mosaic.version = 14 : i64} {
  func.func @k(%arg0: i32, %arg1: i32, %arg2: memref<10000x16xf32, #tpu.memory_space<hbm>>, %arg3: memref<2x320000xi32, #tpu.memory_space<hbm>>, %arg4: memref<2x10000x16xf32, #tpu.memory_space<hbm>>, %arg5: memref<128xi32, #tpu.memory_space<vmem>>, %arg6: memref<128xi32, #tpu.memory_space<vmem>>, %arg7: memref<128xi32, #tpu.memory_space<vmem>>, %arg8: memref<128xi32, #tpu.memory_space<vmem>>, %arg9: memref<128xi32, #tpu.memory_space<vmem>>, %arg10: memref<128xi32, #tpu.memory_space<vmem>>, %arg11: memref<128xi32, #tpu.memory_space<vmem>>, %arg12: memref<128xi32, #tpu.memory_space<vmem>>, %arg13: memref<128x16xf32, #tpu.memory_space<vmem>>, %arg14: memref<128x16xf32, #tpu.memory_space<vmem>>, %arg15: memref<!tpu.dma_semaphore, #tpu.memory_space<semaphore_mem>>, %arg16: memref<!tpu.dma_semaphore, #tpu.memory_space<semaphore_mem>>, %arg17: memref<!tpu.dma_semaphore, #tpu.memory_space<semaphore_mem>>, %arg18: memref<!tpu.dma_semaphore, #tpu.memory_space<semaphore_mem>>, %arg19: memref<!tpu.dma_semaphore, #tpu.memory_space<semaphore_mem>>, %arg20: memref<!tpu.dma_semaphore, #tpu.memory_space<semaphore_mem>>, %arg21: memref<!tpu.dma_semaphore, #tpu.memory_space<semaphore_mem>>, %arg22: memref<!tpu.dma_semaphore, #tpu.memory_space<semaphore_mem>>, %arg23: memref<!tpu.dma_semaphore, #tpu.memory_space<semaphore_mem>>, %arg24: memref<!tpu.dma_semaphore, #tpu.memory_space<semaphore_mem>>, %arg25: memref<!tpu.dma_semaphore, #tpu.memory_space<semaphore_mem>>, %arg26: memref<!tpu.dma_semaphore, #tpu.memory_space<semaphore_mem>>, %arg27: memref<80x16xf32, #tpu.memory_space<vmem>>, %arg28: memref<10000x16xf32, #tpu.memory_space<vmem_shared>>) attributes {dimension_semantics = [#tpu.dimension_semantics<core_parallel>, #tpu.dimension_semantics<subcore_parallel>], iteration_bounds = array<i64: 2, 16>, scalar_prefetch = 0 : i64, scratch_operands = 24 : i64, tpu.core_type = #tpu.core_type<sc_vector_subcore>, window_params = [{transform_indices = #map}, {transform_indices = #map}, {transform_indices = #map1}]} {
    %mul3A = arith.constant 16 : i32
    %mul3A_0 = arith.muli %arg0, %mul3A : i32
    %add3A = arith.addi %mul3A_0, %arg1 : i32
    %broadcast_in_dim3A = arith.constant 0.000000e+00 : f32
    %broadcast_in_dim3A_1 = vector.broadcast %broadcast_in_dim3A : f32 to vector<16xf32>
    %scan3A = arith.constant 0 : i32
    %scan3A_2 = arith.constant 80 : i32
    %scan3A_3 = arith.addi %scan3A, %scan3A_2 : i32
    %scan3A_4 = arith.constant 1 : i32
    scf.for %scan3A_182 = %scan3A to %scan3A_3 step %scan3A_4  : i32 {
      %mul3A_183 = arith.constant 1 : i32
      %mul3A_184 = arith.muli %scan3A_182, %mul3A_183 : i32
      %add3A_185 = arith.constant 0 : i32
      %add3A_186 = arith.addi %add3A_185, %mul3A_184 : i32
      %swap3A = arith.index_cast %add3A_186 : i32 to index
      %swap3A_187 = arith.constant 0 : index
      %swap3A_188 = tpu.vector_load %arg27[%swap3A, %swap3A_187] {strides = array<i32>} : memref<80x16xf32, #tpu.memory_space<vmem>>, vector<1x16xf32>,
      %swap3A_189 = vector.shape_cast %swap3A_188 : vector<1x16xf32> to vector<16xf32>
      %swap3A_190 = vector.shape_cast %broadcast_in_dim3A_1 : vector<16xf32> to vector<1x16xf32>
      tpu.vector_store %arg27[%swap3A, %swap3A_187], %swap3A_190 {strides = array<i32>} : memref<80x16xf32, #tpu.memory_space<vmem>>, vector<1x16xf32>,
    }
    %scan3A_5 = arith.constant 80 : i32
    %sub3A = arith.constant 125 : i32
    %sub3A_6 = arith.subi %sub3A, %arg1 : i32
    %sub3A_7 = arith.constant 16 : i32
    %sub3A_8 = arith.constant 1 : i32
    %sub3A_9 = arith.subi %sub3A_7, %sub3A_8 : i32
    %add3A_10 = arith.addi %sub3A_6, %sub3A_9 : i32
    %div3A = arith.constant 16 : i32
    %div3A_11 = arith.divsi %add3A_10, %div3A : i32
    %while3A = arith.constant 16 : i32
    %while3A_12 = arith.constant 0 : i32
    %while3A_13 = arith.subi %div3A_11, %while3A_12 : i32
    %while3A_14 = arith.addi %while3A_12, %while3A_13 : i32
    %while3A_15 = arith.constant 1 : i32
    %while3A_16 = arith.divsi %while3A_13, %while3A_15 : i32
    %while3A_17 = arith.muli %while3A_16, %while3A_15 : i32
    %while3A_18 = arith.addi %while3A_12, %while3A_17 : i32
    %while3A_19 = arith.constant 1 : i32
    scf.for %while3A_182 = %while3A_12 to %while3A_18 step %while3A_19  : i32 {
      %mul3A_183 = arith.muli %while3A_182, %while3A : i32
      %add3A_184 = arith.addi %arg1, %mul3A_183 : i32
      %mul3A_185 = arith.constant 80 : i32
      %mul3A_186 = arith.muli %add3A_184, %mul3A_185 : i32
      "tpu.region"() ({
        %run_scoped3A = tpu.sem_alloc : memref<!tpu.dma_semaphore, #tpu.memory_space<semaphore_mem>>
        %dma_start3A_187 = arith.constant 0 : i32
        %dma_start3A_188 = tpu.memref_slice %arg28[%mul3A_186, %dma_start3A_187] : memref<10000x16xf32, #tpu.memory_space<vmem_shared>> -> memref<80x16xf32, #tpu.memory_space<vmem_shared>>
        %dma_start3A_189 = arith.constant 0 : i32
        %dma_start3A_190 = tpu.memref_slice %arg28[%mul3A_186, %dma_start3A_189] : memref<10000x16xf32, #tpu.memory_space<vmem_shared>> -> memref<80x16xf32, #tpu.memory_space<vmem_shared>>
        tpu.enqueue_dma source(%arg27 : memref<80x16xf32, #tpu.memory_space<vmem>>) target(%dma_start3A_190 : memref<80x16xf32, #tpu.memory_space<vmem_shared>>) target_semaphore(%run_scoped3A : memref<!tpu.dma_semaphore, #tpu.memory_space<semaphore_mem>>)
        %dma_wait3A_191 = arith.constant 0 : i32
        %dma_wait3A_192 = tpu.memref_slice %arg28[%mul3A_186, %dma_wait3A_191] : memref<10000x16xf32, #tpu.memory_space<vmem_shared>> -> memref<80x16xf32, #tpu.memory_space<vmem_shared>>
        %dma_wait3A_193 = arith.constant 0 : i32
        %dma_wait3A_194 = tpu.memref_slice %arg28[%mul3A_186, %dma_wait3A_193] : memref<10000x16xf32, #tpu.memory_space<vmem_shared>> -> memref<80x16xf32, #tpu.memory_space<vmem_shared>>
        tpu.wait_dma2 semaphore(%run_scoped3A : memref<!tpu.dma_semaphore, #tpu.memory_space<semaphore_mem>>) src(%arg27 : memref<80x16xf32, #tpu.memory_space<vmem>>) dst(%dma_wait3A_194 : memref<80x16xf32, #tpu.memory_space<vmem_shared>>)
        tpu.yield
      }) : () -> ()
    }
    %while3A_20 = arith.constant 1 : i32
    scf.for %while3A_182 = %while3A_18 to %while3A_14 step %while3A_20  : i32 {
      %mul3A_183 = arith.muli %while3A_182, %while3A : i32
      %add3A_184 = arith.addi %arg1, %mul3A_183 : i32
      %mul3A_185 = arith.constant 80 : i32
      %mul3A_186 = arith.muli %add3A_184, %mul3A_185 : i32
      "tpu.region"() ({
        %run_scoped3A = tpu.sem_alloc : memref<!tpu.dma_semaphore, #tpu.memory_space<semaphore_mem>>
        %dma_start3A_187 = arith.constant 0 : i32
        %dma_start3A_188 = tpu.memref_slice %arg28[%mul3A_186, %dma_start3A_187] : memref<10000x16xf32, #tpu.memory_space<vmem_shared>> -> memref<80x16xf32, #tpu.memory_space<vmem_shared>>
        %dma_start3A_189 = arith.constant 0 : i32
        %dma_start3A_190 = tpu.memref_slice %arg28[%mul3A_186, %dma_start3A_189] : memref<10000x16xf32, #tpu.memory_space<vmem_shared>> -> memref<80x16xf32, #tpu.memory_space<vmem_shared>>
        tpu.enqueue_dma source(%arg27 : memref<80x16xf32, #tpu.memory_space<vmem>>) target(%dma_start3A_190 : memref<80x16xf32, #tpu.memory_space<vmem_shared>>) target_semaphore(%run_scoped3A : memref<!tpu.dma_semaphore, #tpu.memory_space<semaphore_mem>>)
        %dma_wait3A_191 = arith.constant 0 : i32
        %dma_wait3A_192 = tpu.memref_slice %arg28[%mul3A_186, %dma_wait3A_191] : memref<10000x16xf32, #tpu.memory_space<vmem_shared>> -> memref<80x16xf32, #tpu.memory_space<vmem_shared>>
        %dma_wait3A_193 = arith.constant 0 : i32
        %dma_wait3A_194 = tpu.memref_slice %arg28[%mul3A_186, %dma_wait3A_193] : memref<10000x16xf32, #tpu.memory_space<vmem_shared>> -> memref<80x16xf32, #tpu.memory_space<vmem_shared>>
        tpu.wait_dma2 semaphore(%run_scoped3A : memref<!tpu.dma_semaphore, #tpu.memory_space<semaphore_mem>>) src(%arg27 : memref<80x16xf32, #tpu.memory_space<vmem>>) dst(%dma_wait3A_194 : memref<80x16xf32, #tpu.memory_space<vmem_shared>>)
        tpu.yield
      }) : () -> ()
    }
    %barrier3A = arith.constant 0 : index
    tpu.barrier barrier_id(%barrier3A)
    %add3A_21 = arith.constant 0 : i32
    %add3A_22 = arith.addi %add3A, %add3A_21 : i32
    %mul3A_23 = arith.constant 128 : i32
    %mul3A_24 = arith.muli %add3A_22, %mul3A_23 : i32
    %dma_start3A = arith.constant 0 : i32
    %dma_start3A_25 = arith.constant 0 : i32
    %dma_start3A_26 = tpu.memref_slice %arg3[%dma_start3A, %dma_start3A_25] : memref<2x320000xi32, #tpu.memory_space<hbm>> -> memref<1x320000xi32, #tpu.memory_space<hbm>>
    %dma_start3A_27 = tpu.memref_squeeze %dma_start3A_26 : memref<1x320000xi32, #tpu.memory_space<hbm>> -> memref<320000xi32, #tpu.memory_space<hbm>>
    %dma_start3A_28 = tpu.memref_slice %dma_start3A_27[%mul3A_24] : memref<320000xi32, #tpu.memory_space<hbm>> -> memref<128xi32, #tpu.memory_space<hbm>>
    %dma_start3A_29 = arith.constant 0 : i32
    %dma_start3A_30 = tpu.memref_slice %arg3[%dma_start3A, %dma_start3A_29] : memref<2x320000xi32, #tpu.memory_space<hbm>> -> memref<1x320000xi32, #tpu.memory_space<hbm>>
    %dma_start3A_31 = tpu.memref_squeeze %dma_start3A_30 : memref<1x320000xi32, #tpu.memory_space<hbm>> -> memref<320000xi32, #tpu.memory_space<hbm>>
    %dma_start3A_32 = tpu.memref_slice %dma_start3A_31[%mul3A_24] : memref<320000xi32, #tpu.memory_space<hbm>> -> memref<128xi32, #tpu.memory_space<hbm>>
    tpu.enqueue_dma source(%dma_start3A_32 : memref<128xi32, #tpu.memory_space<hbm>>) target(%arg5 : memref<128xi32, #tpu.memory_space<vmem>>) target_semaphore(%arg15 : memref<!tpu.dma_semaphore, #tpu.memory_space<semaphore_mem>>)
    %dma_start3A_33 = arith.constant 1 : i32
    %dma_start3A_34 = arith.constant 0 : i32
    %dma_start3A_35 = tpu.memref_slice %arg3[%dma_start3A_33, %dma_start3A_34] : memref<2x320000xi32, #tpu.memory_space<hbm>> -> memref<1x320000xi32, #tpu.memory_space<hbm>>
    %dma_start3A_36 = tpu.memref_squeeze %dma_start3A_35 : memref<1x320000xi32, #tpu.memory_space<hbm>> -> memref<320000xi32, #tpu.memory_space<hbm>>
    %dma_start3A_37 = tpu.memref_slice %dma_start3A_36[%mul3A_24] : memref<320000xi32, #tpu.memory_space<hbm>> -> memref<128xi32, #tpu.memory_space<hbm>>
    %dma_start3A_38 = arith.constant 0 : i32
    %dma_start3A_39 = tpu.memref_slice %arg3[%dma_start3A_33, %dma_start3A_38] : memref<2x320000xi32, #tpu.memory_space<hbm>> -> memref<1x320000xi32, #tpu.memory_space<hbm>>
    %dma_start3A_40 = tpu.memref_squeeze %dma_start3A_39 : memref<1x320000xi32, #tpu.memory_space<hbm>> -> memref<320000xi32, #tpu.memory_space<hbm>>
    %dma_start3A_41 = tpu.memref_slice %dma_start3A_40[%mul3A_24] : memref<320000xi32, #tpu.memory_space<hbm>> -> memref<128xi32, #tpu.memory_space<hbm>>
    tpu.enqueue_dma source(%dma_start3A_41 : memref<128xi32, #tpu.memory_space<hbm>>) target(%arg9 : memref<128xi32, #tpu.memory_space<vmem>>) target_semaphore(%arg19 : memref<!tpu.dma_semaphore, #tpu.memory_space<semaphore_mem>>)
    %add3A_42 = arith.constant 32 : i32
    %add3A_43 = arith.addi %add3A, %add3A_42 : i32
    %mul3A_44 = arith.constant 128 : i32
    %mul3A_45 = arith.muli %add3A_43, %mul3A_44 : i32
    %dma_start3A_46 = arith.constant 0 : i32
    %dma_start3A_47 = arith.constant 0 : i32
    %dma_start3A_48 = tpu.memref_slice %arg3[%dma_start3A_46, %dma_start3A_47] : memref<2x320000xi32, #tpu.memory_space<hbm>> -> memref<1x320000xi32, #tpu.memory_space<hbm>>
    %dma_start3A_49 = tpu.memref_squeeze %dma_start3A_48 : memref<1x320000xi32, #tpu.memory_space<hbm>> -> memref<320000xi32, #tpu.memory_space<hbm>>
    %dma_start3A_50 = tpu.memref_slice %dma_start3A_49[%mul3A_45] : memref<320000xi32, #tpu.memory_space<hbm>> -> memref<128xi32, #tpu.memory_space<hbm>>
    %dma_start3A_51 = arith.constant 0 : i32
    %dma_start3A_52 = tpu.memref_slice %arg3[%dma_start3A_46, %dma_start3A_51] : memref<2x320000xi32, #tpu.memory_space<hbm>> -> memref<1x320000xi32, #tpu.memory_space<hbm>>
    %dma_start3A_53 = tpu.memref_squeeze %dma_start3A_52 : memref<1x320000xi32, #tpu.memory_space<hbm>> -> memref<320000xi32, #tpu.memory_space<hbm>>
    %dma_start3A_54 = tpu.memref_slice %dma_start3A_53[%mul3A_45] : memref<320000xi32, #tpu.memory_space<hbm>> -> memref<128xi32, #tpu.memory_space<hbm>>
    tpu.enqueue_dma source(%dma_start3A_54 : memref<128xi32, #tpu.memory_space<hbm>>) target(%arg6 : memref<128xi32, #tpu.memory_space<vmem>>) target_semaphore(%arg16 : memref<!tpu.dma_semaphore, #tpu.memory_space<semaphore_mem>>)
    %dma_start3A_55 = arith.constant 1 : i32
    %dma_start3A_56 = arith.constant 0 : i32
    %dma_start3A_57 = tpu.memref_slice %arg3[%dma_start3A_55, %dma_start3A_56] : memref<2x320000xi32, #tpu.memory_space<hbm>> -> memref<1x320000xi32, #tpu.memory_space<hbm>>
    %dma_start3A_58 = tpu.memref_squeeze %dma_start3A_57 : memref<1x320000xi32, #tpu.memory_space<hbm>> -> memref<320000xi32, #tpu.memory_space<hbm>>
    %dma_start3A_59 = tpu.memref_slice %dma_start3A_58[%mul3A_45] : memref<320000xi32, #tpu.memory_space<hbm>> -> memref<128xi32, #tpu.memory_space<hbm>>
    %dma_start3A_60 = arith.constant 0 : i32
    %dma_start3A_61 = tpu.memref_slice %arg3[%dma_start3A_55, %dma_start3A_60] : memref<2x320000xi32, #tpu.memory_space<hbm>> -> memref<1x320000xi32, #tpu.memory_space<hbm>>
    %dma_start3A_62 = tpu.memref_squeeze %dma_start3A_61 : memref<1x320000xi32, #tpu.memory_space<hbm>> -> memref<320000xi32, #tpu.memory_space<hbm>>
    %dma_start3A_63 = tpu.memref_slice %dma_start3A_62[%mul3A_45] : memref<320000xi32, #tpu.memory_space<hbm>> -> memref<128xi32, #tpu.memory_space<hbm>>
    tpu.enqueue_dma source(%dma_start3A_63 : memref<128xi32, #tpu.memory_space<hbm>>) target(%arg10 : memref<128xi32, #tpu.memory_space<vmem>>) target_semaphore(%arg20 : memref<!tpu.dma_semaphore, #tpu.memory_space<semaphore_mem>>)
    %add3A_64 = arith.constant 64 : i32
    %add3A_65 = arith.addi %add3A, %add3A_64 : i32
    %mul3A_66 = arith.constant 128 : i32
    %mul3A_67 = arith.muli %add3A_65, %mul3A_66 : i32
    %dma_start3A_68 = arith.constant 0 : i32
    %dma_start3A_69 = arith.constant 0 : i32
    %dma_start3A_70 = tpu.memref_slice %arg3[%dma_start3A_68, %dma_start3A_69] : memref<2x320000xi32, #tpu.memory_space<hbm>> -> memref<1x320000xi32, #tpu.memory_space<hbm>>
    %dma_start3A_71 = tpu.memref_squeeze %dma_start3A_70 : memref<1x320000xi32, #tpu.memory_space<hbm>> -> memref<320000xi32, #tpu.memory_space<hbm>>
    %dma_start3A_72 = tpu.memref_slice %dma_start3A_71[%mul3A_67] : memref<320000xi32, #tpu.memory_space<hbm>> -> memref<128xi32, #tpu.memory_space<hbm>>
    %dma_start3A_73 = arith.constant 0 : i32
    %dma_start3A_74 = tpu.memref_slice %arg3[%dma_start3A_68, %dma_start3A_73] : memref<2x320000xi32, #tpu.memory_space<hbm>> -> memref<1x320000xi32, #tpu.memory_space<hbm>>
    %dma_start3A_75 = tpu.memref_squeeze %dma_start3A_74 : memref<1x320000xi32, #tpu.memory_space<hbm>> -> memref<320000xi32, #tpu.memory_space<hbm>>
    %dma_start3A_76 = tpu.memref_slice %dma_start3A_75[%mul3A_67] : memref<320000xi32, #tpu.memory_space<hbm>> -> memref<128xi32, #tpu.memory_space<hbm>>
    tpu.enqueue_dma source(%dma_start3A_76 : memref<128xi32, #tpu.memory_space<hbm>>) target(%arg7 : memref<128xi32, #tpu.memory_space<vmem>>) target_semaphore(%arg17 : memref<!tpu.dma_semaphore, #tpu.memory_space<semaphore_mem>>)
    %dma_start3A_77 = arith.constant 1 : i32
    %dma_start3A_78 = arith.constant 0 : i32
    %dma_start3A_79 = tpu.memref_slice %arg3[%dma_start3A_77, %dma_start3A_78] : memref<2x320000xi32, #tpu.memory_space<hbm>> -> memref<1x320000xi32, #tpu.memory_space<hbm>>
    %dma_start3A_80 = tpu.memref_squeeze %dma_start3A_79 : memref<1x320000xi32, #tpu.memory_space<hbm>> -> memref<320000xi32, #tpu.memory_space<hbm>>
    %dma_start3A_81 = tpu.memref_slice %dma_start3A_80[%mul3A_67] : memref<320000xi32, #tpu.memory_space<hbm>> -> memref<128xi32, #tpu.memory_space<hbm>>
    %dma_start3A_82 = arith.constant 0 : i32
    %dma_start3A_83 = tpu.memref_slice %arg3[%dma_start3A_77, %dma_start3A_82] : memref<2x320000xi32, #tpu.memory_space<hbm>> -> memref<1x320000xi32, #tpu.memory_space<hbm>>
    %dma_start3A_84 = tpu.memref_squeeze %dma_start3A_83 : memref<1x320000xi32, #tpu.memory_space<hbm>> -> memref<320000xi32, #tpu.memory_space<hbm>>
    %dma_start3A_85 = tpu.memref_slice %dma_start3A_84[%mul3A_67] : memref<320000xi32, #tpu.memory_space<hbm>> -> memref<128xi32, #tpu.memory_space<hbm>>
    tpu.enqueue_dma source(%dma_start3A_85 : memref<128xi32, #tpu.memory_space<hbm>>) target(%arg11 : memref<128xi32, #tpu.memory_space<vmem>>) target_semaphore(%arg21 : memref<!tpu.dma_semaphore, #tpu.memory_space<semaphore_mem>>)
    %dma_wait3A = arith.constant 0 : i32
    %dma_wait3A_86 = arith.constant 0 : i32
    %dma_wait3A_87 = tpu.memref_slice %arg3[%dma_wait3A, %dma_wait3A_86] : memref<2x320000xi32, #tpu.memory_space<hbm>> -> memref<1x320000xi32, #tpu.memory_space<hbm>>
    %dma_wait3A_88 = tpu.memref_squeeze %dma_wait3A_87 : memref<1x320000xi32, #tpu.memory_space<hbm>> -> memref<320000xi32, #tpu.memory_space<hbm>>
    %dma_wait3A_89 = arith.constant 0 : i32
    %dma_wait3A_90 = tpu.memref_slice %dma_wait3A_88[%dma_wait3A_89] : memref<320000xi32, #tpu.memory_space<hbm>> -> memref<128xi32, #tpu.memory_space<hbm>>
    %dma_wait3A_91 = arith.constant 0 : i32
    %dma_wait3A_92 = tpu.memref_slice %arg3[%dma_wait3A, %dma_wait3A_91] : memref<2x320000xi32, #tpu.memory_space<hbm>> -> memref<1x320000xi32, #tpu.memory_space<hbm>>
    %dma_wait3A_93 = tpu.memref_squeeze %dma_wait3A_92 : memref<1x320000xi32, #tpu.memory_space<hbm>> -> memref<320000xi32, #tpu.memory_space<hbm>>
    %dma_wait3A_94 = arith.constant 0 : i32
    %dma_wait3A_95 = tpu.memref_slice %dma_wait3A_93[%dma_wait3A_94] : memref<320000xi32, #tpu.memory_space<hbm>> -> memref<128xi32, #tpu.memory_space<hbm>>
    tpu.wait_dma2 semaphore(%arg15 : memref<!tpu.dma_semaphore, #tpu.memory_space<semaphore_mem>>) src(%dma_wait3A_95 : memref<128xi32, #tpu.memory_space<hbm>>) dst(%arg5 : memref<128xi32, #tpu.memory_space<vmem>>)
    %dma_wait3A_96 = arith.constant 1 : i32
    %dma_wait3A_97 = arith.constant 0 : i32
    %dma_wait3A_98 = tpu.memref_slice %arg3[%dma_wait3A_96, %dma_wait3A_97] : memref<2x320000xi32, #tpu.memory_space<hbm>> -> memref<1x320000xi32, #tpu.memory_space<hbm>>
    %dma_wait3A_99 = tpu.memref_squeeze %dma_wait3A_98 : memref<1x320000xi32, #tpu.memory_space<hbm>> -> memref<320000xi32, #tpu.memory_space<hbm>>
    %dma_wait3A_100 = arith.constant 0 : i32
    %dma_wait3A_101 = tpu.memref_slice %dma_wait3A_99[%dma_wait3A_100] : memref<320000xi32, #tpu.memory_space<hbm>> -> memref<128xi32, #tpu.memory_space<hbm>>
    %dma_wait3A_102 = arith.constant 0 : i32
    %dma_wait3A_103 = tpu.memref_slice %arg3[%dma_wait3A_96, %dma_wait3A_102] : memref<2x320000xi32, #tpu.memory_space<hbm>> -> memref<1x320000xi32, #tpu.memory_space<hbm>>
    %dma_wait3A_104 = tpu.memref_squeeze %dma_wait3A_103 : memref<1x320000xi32, #tpu.memory_space<hbm>> -> memref<320000xi32, #tpu.memory_space<hbm>>
    %dma_wait3A_105 = arith.constant 0 : i32
    %dma_wait3A_106 = tpu.memref_slice %dma_wait3A_104[%dma_wait3A_105] : memref<320000xi32, #tpu.memory_space<hbm>> -> memref<128xi32, #tpu.memory_space<hbm>>
    tpu.wait_dma2 semaphore(%arg19 : memref<!tpu.dma_semaphore, #tpu.memory_space<semaphore_mem>>) src(%dma_wait3A_106 : memref<128xi32, #tpu.memory_space<hbm>>) dst(%arg9 : memref<128xi32, #tpu.memory_space<vmem>>)
    %dma_start3A_107 = arith.constant 0 : i32
    %dma_start3A_108 = arith.constant 0 : i32
    %dma_start3A_109 = tpu.memref_slice %arg2[%dma_start3A_107, %dma_start3A_108] : memref<10000x16xf32, #tpu.memory_space<hbm>> -> memref<10000x16xf32, #tpu.memory_space<hbm>>
    tpu.enqueue_indirect_dma source(%dma_start3A_109 : memref<10000x16xf32, #tpu.memory_space<hbm>>) target(%arg13 : memref<128x16xf32, #tpu.memory_space<vmem>>) offsets(%arg5 : memref<128xi32, #tpu.memory_space<vmem>>) semaphore(%arg23 : memref<!tpu.dma_semaphore, #tpu.memory_space<semaphore_mem>>)
    %scan3A_110 = arith.constant 0 : i32
    %scan3A_111 = arith.constant 19 : i32
    %scan3A_112 = arith.addi %scan3A_110, %scan3A_111 : i32
    %scan3A_113 = arith.constant 1 : i32
    scf.for %scan3A_182 = %scan3A_110 to %scan3A_112 step %scan3A_113  : i32 {
      %mul3A_183 = arith.constant 1 : i32
      %mul3A_184 = arith.muli %scan3A_182, %mul3A_183 : i32
      %add3A_185 = arith.constant 0 : i32
      %add3A_186 = arith.addi %add3A_185, %mul3A_184 : i32
      %mul3A_187 = arith.constant 4 : i32
      %mul3A_188 = arith.muli %add3A_186, %mul3A_187 : i32
      %add3A_189 = arith.constant 0 : i32
      %add3A_190 = arith.addi %mul3A_188, %add3A_189 : i32
      %ge3A = arith.constant 1 : i32
      %ge3A_191 = arith.cmpi sge, %add3A_190, %ge3A : i32
      %convert_element_type3A_192 = arith.extui %ge3A_191 : i1 to i32
      %cond3A_193 = arith.constant 0 : i32
      %cond3A_194 = arith.cmpi ne, %convert_element_type3A_192, %cond3A_193 : i32
      scf.if %cond3A_194 {
        %dma_wait3A_296 = arith.constant 0 : i32
        %dma_wait3A_297 = arith.constant 0 : i32
        %dma_wait3A_298 = tpu.memref_slice %arg28[%dma_wait3A_296, %dma_wait3A_297] : memref<10000x16xf32, #tpu.memory_space<vmem_shared>> -> memref<10000x16xf32, #tpu.memory_space<vmem_shared>>
        tpu.wait_indirect_dma semaphore(%arg26 : memref<!tpu.dma_semaphore, #tpu.memory_space<semaphore_mem>>) src(%arg14 : memref<128x16xf32, #tpu.memory_space<vmem>>) dst(%dma_wait3A_298 : memref<10000x16xf32, #tpu.memory_space<vmem_shared>>)
      } else {
      }
      %add3A_195 = arith.constant 1 : i32
      %add3A_196 = arith.addi %add3A_190, %add3A_195 : i32
      %lt3A_197 = arith.constant 78 : i32
      %lt3A_198 = arith.cmpi slt, %add3A_196, %lt3A_197 : i32
      %convert_element_type3A_199 = arith.extui %lt3A_198 : i1 to i32
      %cond3A_200 = arith.constant 0 : i32
      %cond3A_201 = arith.cmpi ne, %convert_element_type3A_199, %cond3A_200 : i32
      scf.if %cond3A_201 {
        %dma_wait3A_296 = arith.constant 0 : i32
        %dma_wait3A_297 = arith.constant 0 : i32
        %dma_wait3A_298 = tpu.memref_slice %arg3[%dma_wait3A_296, %dma_wait3A_297] : memref<2x320000xi32, #tpu.memory_space<hbm>> -> memref<1x320000xi32, #tpu.memory_space<hbm>>
        %dma_wait3A_299 = tpu.memref_squeeze %dma_wait3A_298 : memref<1x320000xi32, #tpu.memory_space<hbm>> -> memref<320000xi32, #tpu.memory_space<hbm>>
        %dma_wait3A_300 = arith.constant 0 : i32
        %dma_wait3A_301 = tpu.memref_slice %dma_wait3A_299[%dma_wait3A_300] : memref<320000xi32, #tpu.memory_space<hbm>> -> memref<128xi32, #tpu.memory_space<hbm>>
        %dma_wait3A_302 = arith.constant 0 : i32
        %dma_wait3A_303 = tpu.memref_slice %arg3[%dma_wait3A_296, %dma_wait3A_302] : memref<2x320000xi32, #tpu.memory_space<hbm>> -> memref<1x320000xi32, #tpu.memory_space<hbm>>
        %dma_wait3A_304 = tpu.memref_squeeze %dma_wait3A_303 : memref<1x320000xi32, #tpu.memory_space<hbm>> -> memref<320000xi32, #tpu.memory_space<hbm>>
        %dma_wait3A_305 = arith.constant 0 : i32
        %dma_wait3A_306 = tpu.memref_slice %dma_wait3A_304[%dma_wait3A_305] : memref<320000xi32, #tpu.memory_space<hbm>> -> memref<128xi32, #tpu.memory_space<hbm>>
        tpu.wait_dma2 semaphore(%arg16 : memref<!tpu.dma_semaphore, #tpu.memory_space<semaphore_mem>>) src(%dma_wait3A_306 : memref<128xi32, #tpu.memory_space<hbm>>) dst(%arg6 : memref<128xi32, #tpu.memory_space<vmem>>)
        %dma_wait3A_307 = arith.constant 1 : i32
        %dma_wait3A_308 = arith.constant 0 : i32
        %dma_wait3A_309 = tpu.memref_slice %arg3[%dma_wait3A_307, %dma_wait3A_308] : memref<2x320000xi32, #tpu.memory_space<hbm>> -> memref<1x320000xi32, #tpu.memory_space<hbm>>
        %dma_wait3A_310 = tpu.memref_squeeze %dma_wait3A_309 : memref<1x320000xi32, #tpu.memory_space<hbm>> -> memref<320000xi32, #tpu.memory_space<hbm>>
        %dma_wait3A_311 = arith.constant 0 : i32
        %dma_wait3A_312 = tpu.memref_slice %dma_wait3A_310[%dma_wait3A_311] : memref<320000xi32, #tpu.memory_space<hbm>> -> memref<128xi32, #tpu.memory_space<hbm>>
        %dma_wait3A_313 = arith.constant 0 : i32
        %dma_wait3A_314 = tpu.memref_slice %arg3[%dma_wait3A_307, %dma_wait3A_313] : memref<2x320000xi32, #tpu.memory_space<hbm>> -> memref<1x320000xi32, #tpu.memory_space<hbm>>
        %dma_wait3A_315 = tpu.memref_squeeze %dma_wait3A_314 : memref<1x320000xi32, #tpu.memory_space<hbm>> -> memref<320000xi32, #tpu.memory_space<hbm>>
        %dma_wait3A_316 = arith.constant 0 : i32
        %dma_wait3A_317 = tpu.memref_slice %dma_wait3A_315[%dma_wait3A_316] : memref<320000xi32, #tpu.memory_space<hbm>> -> memref<128xi32, #tpu.memory_space<hbm>>
        tpu.wait_dma2 semaphore(%arg20 : memref<!tpu.dma_semaphore, #tpu.memory_space<semaphore_mem>>) src(%dma_wait3A_317 : memref<128xi32, #tpu.memory_space<hbm>>) dst(%arg10 : memref<128xi32, #tpu.memory_space<vmem>>)
        %dma_start3A_318 = arith.constant 0 : i32
        %dma_start3A_319 = arith.constant 0 : i32
        %dma_start3A_320 = tpu.memref_slice %arg2[%dma_start3A_318, %dma_start3A_319] : memref<10000x16xf32, #tpu.memory_space<hbm>> -> memref<10000x16xf32, #tpu.memory_space<hbm>>
        tpu.enqueue_indirect_dma source(%dma_start3A_320 : memref<10000x16xf32, #tpu.memory_space<hbm>>) target(%arg14 : memref<128x16xf32, #tpu.memory_space<vmem>>) offsets(%arg6 : memref<128xi32, #tpu.memory_space<vmem>>) semaphore(%arg24 : memref<!tpu.dma_semaphore, #tpu.memory_space<semaphore_mem>>)
      } else {
      }
      %dma_wait3A_202 = arith.constant 0 : i32
      %dma_wait3A_203 = arith.constant 0 : i32
      %dma_wait3A_204 = tpu.memref_slice %arg2[%dma_wait3A_202, %dma_wait3A_203] : memref<10000x16xf32, #tpu.memory_space<hbm>> -> memref<10000x16xf32, #tpu.memory_space<hbm>>
      tpu.wait_indirect_dma semaphore(%arg23 : memref<!tpu.dma_semaphore, #tpu.memory_space<semaphore_mem>>) src(%dma_wait3A_204 : memref<10000x16xf32, #tpu.memory_space<hbm>>) dst(%arg13 : memref<128x16xf32, #tpu.memory_space<vmem>>)
      %add3A_205 = arith.constant 3 : i32
      %add3A_206 = arith.addi %add3A_190, %add3A_205 : i32
      %lt3A_207 = arith.constant 78 : i32
      %lt3A_208 = arith.cmpi slt, %add3A_206, %lt3A_207 : i32
      %convert_element_type3A_209 = arith.extui %lt3A_208 : i1 to i32
      %cond3A_210 = arith.constant 0 : i32
      %cond3A_211 = arith.cmpi ne, %convert_element_type3A_209, %cond3A_210 : i32
      scf.if %cond3A_211 {
        %add3A_296 = arith.constant 3 : i32
        %add3A_297 = arith.addi %add3A_190, %add3A_296 : i32
        %mul3A_298 = arith.constant 32 : i32
        %mul3A_299 = arith.muli %mul3A_298, %add3A_297 : i32
        %add3A_300 = arith.addi %add3A, %mul3A_299 : i32
        %mul3A_301 = arith.constant 128 : i32
        %mul3A_302 = arith.muli %add3A_300, %mul3A_301 : i32
        %dma_start3A_303 = arith.constant 0 : i32
        %dma_start3A_304 = arith.constant 0 : i32
        %dma_start3A_305 = tpu.memref_slice %arg3[%dma_start3A_303, %dma_start3A_304] : memref<2x320000xi32, #tpu.memory_space<hbm>> -> memref<1x320000xi32, #tpu.memory_space<hbm>>
        %dma_start3A_306 = tpu.memref_squeeze %dma_start3A_305 : memref<1x320000xi32, #tpu.memory_space<hbm>> -> memref<320000xi32, #tpu.memory_space<hbm>>
        %dma_start3A_307 = tpu.memref_slice %dma_start3A_306[%mul3A_302] : memref<320000xi32, #tpu.memory_space<hbm>> -> memref<128xi32, #tpu.memory_space<hbm>>
        %dma_start3A_308 = arith.constant 0 : i32
        %dma_start3A_309 = tpu.memref_slice %arg3[%dma_start3A_303, %dma_start3A_308] : memref<2x320000xi32, #tpu.memory_space<hbm>> -> memref<1x320000xi32, #tpu.memory_space<hbm>>
        %dma_start3A_310 = tpu.memref_squeeze %dma_start3A_309 : memref<1x320000xi32, #tpu.memory_space<hbm>> -> memref<320000xi32, #tpu.memory_space<hbm>>
        %dma_start3A_311 = tpu.memref_slice %dma_start3A_310[%mul3A_302] : memref<320000xi32, #tpu.memory_space<hbm>> -> memref<128xi32, #tpu.memory_space<hbm>>
        tpu.enqueue_dma source(%dma_start3A_311 : memref<128xi32, #tpu.memory_space<hbm>>) target(%arg8 : memref<128xi32, #tpu.memory_space<vmem>>) target_semaphore(%arg18 : memref<!tpu.dma_semaphore, #tpu.memory_space<semaphore_mem>>)
        %dma_start3A_312 = arith.constant 1 : i32
        %dma_start3A_313 = arith.constant 0 : i32
        %dma_start3A_314 = tpu.memref_slice %arg3[%dma_start3A_312, %dma_start3A_313] : memref<2x320000xi32, #tpu.memory_space<hbm>> -> memref<1x320000xi32, #tpu.memory_space<hbm>>
        %dma_start3A_315 = tpu.memref_squeeze %dma_start3A_314 : memref<1x320000xi32, #tpu.memory_space<hbm>> -> memref<320000xi32, #tpu.memory_space<hbm>>
        %dma_start3A_316 = tpu.memref_slice %dma_start3A_315[%mul3A_302] : memref<320000xi32, #tpu.memory_space<hbm>> -> memref<128xi32, #tpu.memory_space<hbm>>
        %dma_start3A_317 = arith.constant 0 : i32
        %dma_start3A_318 = tpu.memref_slice %arg3[%dma_start3A_312, %dma_start3A_317] : memref<2x320000xi32, #tpu.memory_space<hbm>> -> memref<1x320000xi32, #tpu.memory_space<hbm>>
        %dma_start3A_319 = tpu.memref_squeeze %dma_start3A_318 : memref<1x320000xi32, #tpu.memory_space<hbm>> -> memref<320000xi32, #tpu.memory_space<hbm>>
        %dma_start3A_320 = tpu.memref_slice %dma_start3A_319[%mul3A_302] : memref<320000xi32, #tpu.memory_space<hbm>> -> memref<128xi32, #tpu.memory_space<hbm>>
        tpu.enqueue_dma source(%dma_start3A_320 : memref<128xi32, #tpu.memory_space<hbm>>) target(%arg12 : memref<128xi32, #tpu.memory_space<vmem>>) target_semaphore(%arg22 : memref<!tpu.dma_semaphore, #tpu.memory_space<semaphore_mem>>)
      } else {
      }
      %dma_start3A_212 = arith.constant 0 : i32
      %dma_start3A_213 = arith.constant 0 : i32
      %dma_start3A_214 = tpu.memref_slice %arg28[%dma_start3A_212, %dma_start3A_213] : memref<10000x16xf32, #tpu.memory_space<vmem_shared>> -> memref<10000x16xf32, #tpu.memory_space<vmem_shared>>
      tpu.enqueue_indirect_dma source(%arg13 : memref<128x16xf32, #tpu.memory_space<vmem>>) target(%dma_start3A_214 : memref<10000x16xf32, #tpu.memory_space<vmem_shared>>) offsets(%arg9 : memref<128xi32, #tpu.memory_space<vmem>>) semaphore(%arg25 : memref<!tpu.dma_semaphore, #tpu.memory_space<semaphore_mem>>) {add = true}
      %add3A_215 = arith.constant 1 : i32
      %add3A_216 = arith.addi %mul3A_188, %add3A_215 : i32
      %ge3A_217 = arith.constant 1 : i32
      %ge3A_218 = arith.cmpi sge, %add3A_216, %ge3A_217 : i32
      %convert_element_type3A_219 = arith.extui %ge3A_218 : i1 to i32
      %cond3A_220 = arith.constant 0 : i32
      %cond3A_221 = arith.cmpi ne, %convert_element_type3A_219, %cond3A_220 : i32
      scf.if %cond3A_221 {
        %dma_wait3A_296 = arith.constant 0 : i32
        %dma_wait3A_297 = arith.constant 0 : i32
        %dma_wait3A_298 = tpu.memref_slice %arg28[%dma_wait3A_296, %dma_wait3A_297] : memref<10000x16xf32, #tpu.memory_space<vmem_shared>> -> memref<10000x16xf32, #tpu.memory_space<vmem_shared>>
        tpu.wait_indirect_dma semaphore(%arg25 : memref<!tpu.dma_semaphore, #tpu.memory_space<semaphore_mem>>) src(%arg13 : memref<128x16xf32, #tpu.memory_space<vmem>>) dst(%dma_wait3A_298 : memref<10000x16xf32, #tpu.memory_space<vmem_shared>>)
      } else {
      }
      %add3A_222 = arith.constant 1 : i32
      %add3A_223 = arith.addi %add3A_216, %add3A_222 : i32
      %lt3A_224 = arith.constant 78 : i32
      %lt3A_225 = arith.cmpi slt, %add3A_223, %lt3A_224 : i32
      %convert_element_type3A_226 = arith.extui %lt3A_225 : i1 to i32
      %cond3A_227 = arith.constant 0 : i32
      %cond3A_228 = arith.cmpi ne, %convert_element_type3A_226, %cond3A_227 : i32
      scf.if %cond3A_228 {
        %dma_wait3A_296 = arith.constant 0 : i32
        %dma_wait3A_297 = arith.constant 0 : i32
        %dma_wait3A_298 = tpu.memref_slice %arg3[%dma_wait3A_296, %dma_wait3A_297] : memref<2x320000xi32, #tpu.memory_space<hbm>> -> memref<1x320000xi32, #tpu.memory_space<hbm>>
        %dma_wait3A_299 = tpu.memref_squeeze %dma_wait3A_298 : memref<1x320000xi32, #tpu.memory_space<hbm>> -> memref<320000xi32, #tpu.memory_space<hbm>>
        %dma_wait3A_300 = arith.constant 0 : i32
        %dma_wait3A_301 = tpu.memref_slice %dma_wait3A_299[%dma_wait3A_300] : memref<320000xi32, #tpu.memory_space<hbm>> -> memref<128xi32, #tpu.memory_space<hbm>>
        %dma_wait3A_302 = arith.constant 0 : i32
        %dma_wait3A_303 = tpu.memref_slice %arg3[%dma_wait3A_296, %dma_wait3A_302] : memref<2x320000xi32, #tpu.memory_space<hbm>> -> memref<1x320000xi32, #tpu.memory_space<hbm>>
        %dma_wait3A_304 = tpu.memref_squeeze %dma_wait3A_303 : memref<1x320000xi32, #tpu.memory_space<hbm>> -> memref<320000xi32, #tpu.memory_space<hbm>>
        %dma_wait3A_305 = arith.constant 0 : i32
        %dma_wait3A_306 = tpu.memref_slice %dma_wait3A_304[%dma_wait3A_305] : memref<320000xi32, #tpu.memory_space<hbm>> -> memref<128xi32, #tpu.memory_space<hbm>>
        tpu.wait_dma2 semaphore(%arg17 : memref<!tpu.dma_semaphore, #tpu.memory_space<semaphore_mem>>) src(%dma_wait3A_306 : memref<128xi32, #tpu.memory_space<hbm>>) dst(%arg7 : memref<128xi32, #tpu.memory_space<vmem>>)
        %dma_wait3A_307 = arith.constant 1 : i32
        %dma_wait3A_308 = arith.constant 0 : i32
        %dma_wait3A_309 = tpu.memref_slice %arg3[%dma_wait3A_307, %dma_wait3A_308] : memref<2x320000xi32, #tpu.memory_space<hbm>> -> memref<1x320000xi32, #tpu.memory_space<hbm>>
        %dma_wait3A_310 = tpu.memref_squeeze %dma_wait3A_309 : memref<1x320000xi32, #tpu.memory_space<hbm>> -> memref<320000xi32, #tpu.memory_space<hbm>>
        %dma_wait3A_311 = arith.constant 0 : i32
        %dma_wait3A_312 = tpu.memref_slice %dma_wait3A_310[%dma_wait3A_311] : memref<320000xi32, #tpu.memory_space<hbm>> -> memref<128xi32, #tpu.memory_space<hbm>>
        %dma_wait3A_313 = arith.constant 0 : i32
        %dma_wait3A_314 = tpu.memref_slice %arg3[%dma_wait3A_307, %dma_wait3A_313] : memref<2x320000xi32, #tpu.memory_space<hbm>> -> memref<1x320000xi32, #tpu.memory_space<hbm>>
        %dma_wait3A_315 = tpu.memref_squeeze %dma_wait3A_314 : memref<1x320000xi32, #tpu.memory_space<hbm>> -> memref<320000xi32, #tpu.memory_space<hbm>>
        %dma_wait3A_316 = arith.constant 0 : i32
        %dma_wait3A_317 = tpu.memref_slice %dma_wait3A_315[%dma_wait3A_316] : memref<320000xi32, #tpu.memory_space<hbm>> -> memref<128xi32, #tpu.memory_space<hbm>>
        tpu.wait_dma2 semaphore(%arg21 : memref<!tpu.dma_semaphore, #tpu.memory_space<semaphore_mem>>) src(%dma_wait3A_317 : memref<128xi32, #tpu.memory_space<hbm>>) dst(%arg11 : memref<128xi32, #tpu.memory_space<vmem>>)
        %dma_start3A_318 = arith.constant 0 : i32
        %dma_start3A_319 = arith.constant 0 : i32
        %dma_start3A_320 = tpu.memref_slice %arg2[%dma_start3A_318, %dma_start3A_319] : memref<10000x16xf32, #tpu.memory_space<hbm>> -> memref<10000x16xf32, #tpu.memory_space<hbm>>
        tpu.enqueue_indirect_dma source(%dma_start3A_320 : memref<10000x16xf32, #tpu.memory_space<hbm>>) target(%arg13 : memref<128x16xf32, #tpu.memory_space<vmem>>) offsets(%arg7 : memref<128xi32, #tpu.memory_space<vmem>>) semaphore(%arg23 : memref<!tpu.dma_semaphore, #tpu.memory_space<semaphore_mem>>)
      } else {
      }
      %dma_wait3A_229 = arith.constant 0 : i32
      %dma_wait3A_230 = arith.constant 0 : i32
      %dma_wait3A_231 = tpu.memref_slice %arg2[%dma_wait3A_229, %dma_wait3A_230] : memref<10000x16xf32, #tpu.memory_space<hbm>> -> memref<10000x16xf32, #tpu.memory_space<hbm>>
      tpu.wait_indirect_dma semaphore(%arg24 : memref<!tpu.dma_semaphore, #tpu.memory_space<semaphore_mem>>) src(%dma_wait3A_231 : memref<10000x16xf32, #tpu.memory_space<hbm>>) dst(%arg14 : memref<128x16xf32, #tpu.memory_space<vmem>>)
      %add3A_232 = arith.constant 3 : i32
      %add3A_233 = arith.addi %add3A_216, %add3A_232 : i32
      %lt3A_234 = arith.constant 78 : i32
      %lt3A_235 = arith.cmpi slt, %add3A_233, %lt3A_234 : i32
      %convert_element_type3A_236 = arith.extui %lt3A_235 : i1 to i32
      %cond3A_237 = arith.constant 0 : i32
      %cond3A_238 = arith.cmpi ne, %convert_element_type3A_236, %cond3A_237 : i32
      scf.if %cond3A_238 {
        %add3A_296 = arith.constant 3 : i32
        %add3A_297 = arith.addi %add3A_216, %add3A_296 : i32
        %mul3A_298 = arith.constant 32 : i32
        %mul3A_299 = arith.muli %mul3A_298, %add3A_297 : i32
        %add3A_300 = arith.addi %add3A, %mul3A_299 : i32
        %mul3A_301 = arith.constant 128 : i32
        %mul3A_302 = arith.muli %add3A_300, %mul3A_301 : i32
        %dma_start3A_303 = arith.constant 0 : i32
        %dma_start3A_304 = arith.constant 0 : i32
        %dma_start3A_305 = tpu.memref_slice %arg3[%dma_start3A_303, %dma_start3A_304] : memref<2x320000xi32, #tpu.memory_space<hbm>> -> memref<1x320000xi32, #tpu.memory_space<hbm>>
        %dma_start3A_306 = tpu.memref_squeeze %dma_start3A_305 : memref<1x320000xi32, #tpu.memory_space<hbm>> -> memref<320000xi32, #tpu.memory_space<hbm>>
        %dma_start3A_307 = tpu.memref_slice %dma_start3A_306[%mul3A_302] : memref<320000xi32, #tpu.memory_space<hbm>> -> memref<128xi32, #tpu.memory_space<hbm>>
        %dma_start3A_308 = arith.constant 0 : i32
        %dma_start3A_309 = tpu.memref_slice %arg3[%dma_start3A_303, %dma_start3A_308] : memref<2x320000xi32, #tpu.memory_space<hbm>> -> memref<1x320000xi32, #tpu.memory_space<hbm>>
        %dma_start3A_310 = tpu.memref_squeeze %dma_start3A_309 : memref<1x320000xi32, #tpu.memory_space<hbm>> -> memref<320000xi32, #tpu.memory_space<hbm>>
        %dma_start3A_311 = tpu.memref_slice %dma_start3A_310[%mul3A_302] : memref<320000xi32, #tpu.memory_space<hbm>> -> memref<128xi32, #tpu.memory_space<hbm>>
        tpu.enqueue_dma source(%dma_start3A_311 : memref<128xi32, #tpu.memory_space<hbm>>) target(%arg5 : memref<128xi32, #tpu.memory_space<vmem>>) target_semaphore(%arg15 : memref<!tpu.dma_semaphore, #tpu.memory_space<semaphore_mem>>)
        %dma_start3A_312 = arith.constant 1 : i32
        %dma_start3A_313 = arith.constant 0 : i32
        %dma_start3A_314 = tpu.memref_slice %arg3[%dma_start3A_312, %dma_start3A_313] : memref<2x320000xi32, #tpu.memory_space<hbm>> -> memref<1x320000xi32, #tpu.memory_space<hbm>>
        %dma_start3A_315 = tpu.memref_squeeze %dma_start3A_314 : memref<1x320000xi32, #tpu.memory_space<hbm>> -> memref<320000xi32, #tpu.memory_space<hbm>>
        %dma_start3A_316 = tpu.memref_slice %dma_start3A_315[%mul3A_302] : memref<320000xi32, #tpu.memory_space<hbm>> -> memref<128xi32, #tpu.memory_space<hbm>>
        %dma_start3A_317 = arith.constant 0 : i32
        %dma_start3A_318 = tpu.memref_slice %arg3[%dma_start3A_312, %dma_start3A_317] : memref<2x320000xi32, #tpu.memory_space<hbm>> -> memref<1x320000xi32, #tpu.memory_space<hbm>>
        %dma_start3A_319 = tpu.memref_squeeze %dma_start3A_318 : memref<1x320000xi32, #tpu.memory_space<hbm>> -> memref<320000xi32, #tpu.memory_space<hbm>>
        %dma_start3A_320 = tpu.memref_slice %dma_start3A_319[%mul3A_302] : memref<320000xi32, #tpu.memory_space<hbm>> -> memref<128xi32, #tpu.memory_space<hbm>>
        tpu.enqueue_dma source(%dma_start3A_320 : memref<128xi32, #tpu.memory_space<hbm>>) target(%arg9 : memref<128xi32, #tpu.memory_space<vmem>>) target_semaphore(%arg19 : memref<!tpu.dma_semaphore, #tpu.memory_space<semaphore_mem>>)
      } else {
      }
      %dma_start3A_239 = arith.constant 0 : i32
      %dma_start3A_240 = arith.constant 0 : i32
      %dma_start3A_241 = tpu.memref_slice %arg28[%dma_start3A_239, %dma_start3A_240] : memref<10000x16xf32, #tpu.memory_space<vmem_shared>> -> memref<10000x16xf32, #tpu.memory_space<vmem_shared>>
      tpu.enqueue_indirect_dma source(%arg14 : memref<128x16xf32, #tpu.memory_space<vmem>>) target(%dma_start3A_241 : memref<10000x16xf32, #tpu.memory_space<vmem_shared>>) offsets(%arg10 : memref<128xi32, #tpu.memory_space<vmem>>) semaphore(%arg26 : memref<!tpu.dma_semaphore, #tpu.memory_space<semaphore_mem>>) {add = true}
      %add3A_242 = arith.constant 2 : i32
      %add3A_243 = arith.addi %mul3A_188, %add3A_242 : i32
      %ge3A_244 = arith.constant 1 : i32
      %ge3A_245 = arith.cmpi sge, %add3A_243, %ge3A_244 : i32
      %convert_element_type3A_246 = arith.extui %ge3A_245 : i1 to i32
      %cond3A_247 = arith.constant 0 : i32
      %cond3A_248 = arith.cmpi ne, %convert_element_type3A_246, %cond3A_247 : i32
      scf.if %cond3A_248 {
        %dma_wait3A_296 = arith.constant 0 : i32
        %dma_wait3A_297 = arith.constant 0 : i32
        %dma_wait3A_298 = tpu.memref_slice %arg28[%dma_wait3A_296, %dma_wait3A_297] : memref<10000x16xf32, #tpu.memory_space<vmem_shared>> -> memref<10000x16xf32, #tpu.memory_space<vmem_shared>>
        tpu.wait_indirect_dma semaphore(%arg26 : memref<!tpu.dma_semaphore, #tpu.memory_space<semaphore_mem>>) src(%arg14 : memref<128x16xf32, #tpu.memory_space<vmem>>) dst(%dma_wait3A_298 : memref<10000x16xf32, #tpu.memory_space<vmem_shared>>)
      } else {
      }
      %add3A_249 = arith.constant 1 : i32
      %add3A_250 = arith.addi %add3A_243, %add3A_249 : i32
      %lt3A_251 = arith.constant 78 : i32
      %lt3A_252 = arith.cmpi slt, %add3A_250, %lt3A_251 : i32
      %convert_element_type3A_253 = arith.extui %lt3A_252 : i1 to i32
      %cond3A_254 = arith.constant 0 : i32
      %cond3A_255 = arith.cmpi ne, %convert_element_type3A_253, %cond3A_254 : i32
      scf.if %cond3A_255 {
        %dma_wait3A_296 = arith.constant 0 : i32
        %dma_wait3A_297 = arith.constant 0 : i32
        %dma_wait3A_298 = tpu.memref_slice %arg3[%dma_wait3A_296, %dma_wait3A_297] : memref<2x320000xi32, #tpu.memory_space<hbm>> -> memref<1x320000xi32, #tpu.memory_space<hbm>>
        %dma_wait3A_299 = tpu.memref_squeeze %dma_wait3A_298 : memref<1x320000xi32, #tpu.memory_space<hbm>> -> memref<320000xi32, #tpu.memory_space<hbm>>
        %dma_wait3A_300 = arith.constant 0 : i32
        %dma_wait3A_301 = tpu.memref_slice %dma_wait3A_299[%dma_wait3A_300] : memref<320000xi32, #tpu.memory_space<hbm>> -> memref<128xi32, #tpu.memory_space<hbm>>
        %dma_wait3A_302 = arith.constant 0 : i32
        %dma_wait3A_303 = tpu.memref_slice %arg3[%dma_wait3A_296, %dma_wait3A_302] : memref<2x320000xi32, #tpu.memory_space<hbm>> -> memref<1x320000xi32, #tpu.memory_space<hbm>>
        %dma_wait3A_304 = tpu.memref_squeeze %dma_wait3A_303 : memref<1x320000xi32, #tpu.memory_space<hbm>> -> memref<320000xi32, #tpu.memory_space<hbm>>
        %dma_wait3A_305 = arith.constant 0 : i32
        %dma_wait3A_306 = tpu.memref_slice %dma_wait3A_304[%dma_wait3A_305] : memref<320000xi32, #tpu.memory_space<hbm>> -> memref<128xi32, #tpu.memory_space<hbm>>
        tpu.wait_dma2 semaphore(%arg18 : memref<!tpu.dma_semaphore, #tpu.memory_space<semaphore_mem>>) src(%dma_wait3A_306 : memref<128xi32, #tpu.memory_space<hbm>>) dst(%arg8 : memref<128xi32, #tpu.memory_space<vmem>>)
        %dma_wait3A_307 = arith.constant 1 : i32
        %dma_wait3A_308 = arith.constant 0 : i32
        %dma_wait3A_309 = tpu.memref_slice %arg3[%dma_wait3A_307, %dma_wait3A_308] : memref<2x320000xi32, #tpu.memory_space<hbm>> -> memref<1x320000xi32, #tpu.memory_space<hbm>>
        %dma_wait3A_310 = tpu.memref_squeeze %dma_wait3A_309 : memref<1x320000xi32, #tpu.memory_space<hbm>> -> memref<320000xi32, #tpu.memory_space<hbm>>
        %dma_wait3A_311 = arith.constant 0 : i32
        %dma_wait3A_312 = tpu.memref_slice %dma_wait3A_310[%dma_wait3A_311] : memref<320000xi32, #tpu.memory_space<hbm>> -> memref<128xi32, #tpu.memory_space<hbm>>
        %dma_wait3A_313 = arith.constant 0 : i32
        %dma_wait3A_314 = tpu.memref_slice %arg3[%dma_wait3A_307, %dma_wait3A_313] : memref<2x320000xi32, #tpu.memory_space<hbm>> -> memref<1x320000xi32, #tpu.memory_space<hbm>>
        %dma_wait3A_315 = tpu.memref_squeeze %dma_wait3A_314 : memref<1x320000xi32, #tpu.memory_space<hbm>> -> memref<320000xi32, #tpu.memory_space<hbm>>
        %dma_wait3A_316 = arith.constant 0 : i32
        %dma_wait3A_317 = tpu.memref_slice %dma_wait3A_315[%dma_wait3A_316] : memref<320000xi32, #tpu.memory_space<hbm>> -> memref<128xi32, #tpu.memory_space<hbm>>
        tpu.wait_dma2 semaphore(%arg22 : memref<!tpu.dma_semaphore, #tpu.memory_space<semaphore_mem>>) src(%dma_wait3A_317 : memref<128xi32, #tpu.memory_space<hbm>>) dst(%arg12 : memref<128xi32, #tpu.memory_space<vmem>>)
        %dma_start3A_318 = arith.constant 0 : i32
        %dma_start3A_319 = arith.constant 0 : i32
        %dma_start3A_320 = tpu.memref_slice %arg2[%dma_start3A_318, %dma_start3A_319] : memref<10000x16xf32, #tpu.memory_space<hbm>> -> memref<10000x16xf32, #tpu.memory_space<hbm>>
        tpu.enqueue_indirect_dma source(%dma_start3A_320 : memref<10000x16xf32, #tpu.memory_space<hbm>>) target(%arg14 : memref<128x16xf32, #tpu.memory_space<vmem>>) offsets(%arg8 : memref<128xi32, #tpu.memory_space<vmem>>) semaphore(%arg24 : memref<!tpu.dma_semaphore, #tpu.memory_space<semaphore_mem>>)
      } else {
      }
      %dma_wait3A_256 = arith.constant 0 : i32
      %dma_wait3A_257 = arith.constant 0 : i32
      %dma_wait3A_258 = tpu.memref_slice %arg2[%dma_wait3A_256, %dma_wait3A_257] : memref<10000x16xf32, #tpu.memory_space<hbm>> -> memref<10000x16xf32, #tpu.memory_space<hbm>>
      tpu.wait_indirect_dma semaphore(%arg23 : memref<!tpu.dma_semaphore, #tpu.memory_space<semaphore_mem>>) src(%dma_wait3A_258 : memref<10000x16xf32, #tpu.memory_space<hbm>>) dst(%arg13 : memref<128x16xf32, #tpu.memory_space<vmem>>)
      %add3A_259 = arith.constant 3 : i32
      %add3A_260 = arith.addi %add3A_243, %add3A_259 : i32
      %lt3A_261 = arith.constant 78 : i32
      %lt3A_262 = arith.cmpi slt, %add3A_260, %lt3A_261 : i32
      %convert_element_type3A_263 = arith.extui %lt3A_262 : i1 to i32
      %cond3A_264 = arith.constant 0 : i32
      %cond3A_265 = arith.cmpi ne, %convert_element_type3A_263, %cond3A_264 : i32
      scf.if %cond3A_265 {
        %add3A_296 = arith.constant 3 : i32
        %add3A_297 = arith.addi %add3A_243, %add3A_296 : i32
        %mul3A_298 = arith.constant 32 : i32
        %mul3A_299 = arith.muli %mul3A_298, %add3A_297 : i32
        %add3A_300 = arith.addi %add3A, %mul3A_299 : i32
        %mul3A_301 = arith.constant 128 : i32
        %mul3A_302 = arith.muli %add3A_300, %mul3A_301 : i32
        %dma_start3A_303 = arith.constant 0 : i32
        %dma_start3A_304 = arith.constant 0 : i32
        %dma_start3A_305 = tpu.memref_slice %arg3[%dma_start3A_303, %dma_start3A_304] : memref<2x320000xi32, #tpu.memory_space<hbm>> -> memref<1x320000xi32, #tpu.memory_space<hbm>>
        %dma_start3A_306 = tpu.memref_squeeze %dma_start3A_305 : memref<1x320000xi32, #tpu.memory_space<hbm>> -> memref<320000xi32, #tpu.memory_space<hbm>>
        %dma_start3A_307 = tpu.memref_slice %dma_start3A_306[%mul3A_302] : memref<320000xi32, #tpu.memory_space<hbm>> -> memref<128xi32, #tpu.memory_space<hbm>>
        %dma_start3A_308 = arith.constant 0 : i32
        %dma_start3A_309 = tpu.memref_slice %arg3[%dma_start3A_303, %dma_start3A_308] : memref<2x320000xi32, #tpu.memory_space<hbm>> -> memref<1x320000xi32, #tpu.memory_space<hbm>>
        %dma_start3A_310 = tpu.memref_squeeze %dma_start3A_309 : memref<1x320000xi32, #tpu.memory_space<hbm>> -> memref<320000xi32, #tpu.memory_space<hbm>>
        %dma_start3A_311 = tpu.memref_slice %dma_start3A_310[%mul3A_302] : memref<320000xi32, #tpu.memory_space<hbm>> -> memref<128xi32, #tpu.memory_space<hbm>>
        tpu.enqueue_dma source(%dma_start3A_311 : memref<128xi32, #tpu.memory_space<hbm>>) target(%arg6 : memref<128xi32, #tpu.memory_space<vmem>>) target_semaphore(%arg16 : memref<!tpu.dma_semaphore, #tpu.memory_space<semaphore_mem>>)
        %dma_start3A_312 = arith.constant 1 : i32
        %dma_start3A_313 = arith.constant 0 : i32
        %dma_start3A_314 = tpu.memref_slice %arg3[%dma_start3A_312, %dma_start3A_313] : memref<2x320000xi32, #tpu.memory_space<hbm>> -> memref<1x320000xi32, #tpu.memory_space<hbm>>
        %dma_start3A_315 = tpu.memref_squeeze %dma_start3A_314 : memref<1x320000xi32, #tpu.memory_space<hbm>> -> memref<320000xi32, #tpu.memory_space<hbm>>
        %dma_start3A_316 = tpu.memref_slice %dma_start3A_315[%mul3A_302] : memref<320000xi32, #tpu.memory_space<hbm>> -> memref<128xi32, #tpu.memory_space<hbm>>
        %dma_start3A_317 = arith.constant 0 : i32
        %dma_start3A_318 = tpu.memref_slice %arg3[%dma_start3A_312, %dma_start3A_317] : memref<2x320000xi32, #tpu.memory_space<hbm>> -> memref<1x320000xi32, #tpu.memory_space<hbm>>
        %dma_start3A_319 = tpu.memref_squeeze %dma_start3A_318 : memref<1x320000xi32, #tpu.memory_space<hbm>> -> memref<320000xi32, #tpu.memory_space<hbm>>
        %dma_start3A_320 = tpu.memref_slice %dma_start3A_319[%mul3A_302] : memref<320000xi32, #tpu.memory_space<hbm>> -> memref<128xi32, #tpu.memory_space<hbm>>
        tpu.enqueue_dma source(%dma_start3A_320 : memref<128xi32, #tpu.memory_space<hbm>>) target(%arg10 : memref<128xi32, #tpu.memory_space<vmem>>) target_semaphore(%arg20 : memref<!tpu.dma_semaphore, #tpu.memory_space<semaphore_mem>>)
      } else {
      }
      %dma_start3A_266 = arith.constant 0 : i32
      %dma_start3A_267 = arith.constant 0 : i32
      %dma_start3A_268 = tpu.memref_slice %arg28[%dma_start3A_266, %dma_start3A_267] : memref<10000x16xf32, #tpu.memory_space<vmem_shared>> -> memref<10000x16xf32, #tpu.memory_space<vmem_shared>>
      tpu.enqueue_indirect_dma source(%arg13 : memref<128x16xf32, #tpu.memory_space<vmem>>) target(%dma_start3A_268 : memref<10000x16xf32, #tpu.memory_space<vmem_shared>>) offsets(%arg11 : memref<128xi32, #tpu.memory_space<vmem>>) semaphore(%arg25 : memref<!tpu.dma_semaphore, #tpu.memory_space<semaphore_mem>>) {add = true}
      %add3A_269 = arith.constant 3 : i32
      %add3A_270 = arith.addi %mul3A_188, %add3A_269 : i32
      %ge3A_271 = arith.constant 1 : i32
      %ge3A_272 = arith.cmpi sge, %add3A_270, %ge3A_271 : i32
      %convert_element_type3A_273 = arith.extui %ge3A_272 : i1 to i32
      %cond3A_274 = arith.constant 0 : i32
      %cond3A_275 = arith.cmpi ne, %convert_element_type3A_273, %cond3A_274 : i32
      scf.if %cond3A_275 {
        %dma_wait3A_296 = arith.constant 0 : i32
        %dma_wait3A_297 = arith.constant 0 : i32
        %dma_wait3A_298 = tpu.memref_slice %arg28[%dma_wait3A_296, %dma_wait3A_297] : memref<10000x16xf32, #tpu.memory_space<vmem_shared>> -> memref<10000x16xf32, #tpu.memory_space<vmem_shared>>
        tpu.wait_indirect_dma semaphore(%arg25 : memref<!tpu.dma_semaphore, #tpu.memory_space<semaphore_mem>>) src(%arg13 : memref<128x16xf32, #tpu.memory_space<vmem>>) dst(%dma_wait3A_298 : memref<10000x16xf32, #tpu.memory_space<vmem_shared>>)
      } else {
      }
      %add3A_276 = arith.constant 1 : i32
      %add3A_277 = arith.addi %add3A_270, %add3A_276 : i32
      %lt3A_278 = arith.constant 78 : i32
      %lt3A_279 = arith.cmpi slt, %add3A_277, %lt3A_278 : i32
      %convert_element_type3A_280 = arith.extui %lt3A_279 : i1 to i32
      %cond3A_281 = arith.constant 0 : i32
      %cond3A_282 = arith.cmpi ne, %convert_element_type3A_280, %cond3A_281 : i32
      scf.if %cond3A_282 {
        %dma_wait3A_296 = arith.constant 0 : i32
        %dma_wait3A_297 = arith.constant 0 : i32
        %dma_wait3A_298 = tpu.memref_slice %arg3[%dma_wait3A_296, %dma_wait3A_297] : memref<2x320000xi32, #tpu.memory_space<hbm>> -> memref<1x320000xi32, #tpu.memory_space<hbm>>
        %dma_wait3A_299 = tpu.memref_squeeze %dma_wait3A_298 : memref<1x320000xi32, #tpu.memory_space<hbm>> -> memref<320000xi32, #tpu.memory_space<hbm>>
        %dma_wait3A_300 = arith.constant 0 : i32
        %dma_wait3A_301 = tpu.memref_slice %dma_wait3A_299[%dma_wait3A_300] : memref<320000xi32, #tpu.memory_space<hbm>> -> memref<128xi32, #tpu.memory_space<hbm>>
        %dma_wait3A_302 = arith.constant 0 : i32
        %dma_wait3A_303 = tpu.memref_slice %arg3[%dma_wait3A_296, %dma_wait3A_302] : memref<2x320000xi32, #tpu.memory_space<hbm>> -> memref<1x320000xi32, #tpu.memory_space<hbm>>
        %dma_wait3A_304 = tpu.memref_squeeze %dma_wait3A_303 : memref<1x320000xi32, #tpu.memory_space<hbm>> -> memref<320000xi32, #tpu.memory_space<hbm>>
        %dma_wait3A_305 = arith.constant 0 : i32
        %dma_wait3A_306 = tpu.memref_slice %dma_wait3A_304[%dma_wait3A_305] : memref<320000xi32, #tpu.memory_space<hbm>> -> memref<128xi32, #tpu.memory_space<hbm>>
        tpu.wait_dma2 semaphore(%arg15 : memref<!tpu.dma_semaphore, #tpu.memory_space<semaphore_mem>>) src(%dma_wait3A_306 : memref<128xi32, #tpu.memory_space<hbm>>) dst(%arg5 : memref<128xi32, #tpu.memory_space<vmem>>)
        %dma_wait3A_307 = arith.constant 1 : i32
        %dma_wait3A_308 = arith.constant 0 : i32
        %dma_wait3A_309 = tpu.memref_slice %arg3[%dma_wait3A_307, %dma_wait3A_308] : memref<2x320000xi32, #tpu.memory_space<hbm>> -> memref<1x320000xi32, #tpu.memory_space<hbm>>
        %dma_wait3A_310 = tpu.memref_squeeze %dma_wait3A_309 : memref<1x320000xi32, #tpu.memory_space<hbm>> -> memref<320000xi32, #tpu.memory_space<hbm>>
        %dma_wait3A_311 = arith.constant 0 : i32
        %dma_wait3A_312 = tpu.memref_slice %dma_wait3A_310[%dma_wait3A_311] : memref<320000xi32, #tpu.memory_space<hbm>> -> memref<128xi32, #tpu.memory_space<hbm>>
        %dma_wait3A_313 = arith.constant 0 : i32
        %dma_wait3A_314 = tpu.memref_slice %arg3[%dma_wait3A_307, %dma_wait3A_313] : memref<2x320000xi32, #tpu.memory_space<hbm>> -> memref<1x320000xi32, #tpu.memory_space<hbm>>
        %dma_wait3A_315 = tpu.memref_squeeze %dma_wait3A_314 : memref<1x320000xi32, #tpu.memory_space<hbm>> -> memref<320000xi32, #tpu.memory_space<hbm>>
        %dma_wait3A_316 = arith.constant 0 : i32
        %dma_wait3A_317 = tpu.memref_slice %dma_wait3A_315[%dma_wait3A_316] : memref<320000xi32, #tpu.memory_space<hbm>> -> memref<128xi32, #tpu.memory_space<hbm>>
        tpu.wait_dma2 semaphore(%arg19 : memref<!tpu.dma_semaphore, #tpu.memory_space<semaphore_mem>>) src(%dma_wait3A_317 : memref<128xi32, #tpu.memory_space<hbm>>) dst(%arg9 : memref<128xi32, #tpu.memory_space<vmem>>)
        %dma_start3A_318 = arith.constant 0 : i32
        %dma_start3A_319 = arith.constant 0 : i32
        %dma_start3A_320 = tpu.memref_slice %arg2[%dma_start3A_318, %dma_start3A_319] : memref<10000x16xf32, #tpu.memory_space<hbm>> -> memref<10000x16xf32, #tpu.memory_space<hbm>>
        tpu.enqueue_indirect_dma source(%dma_start3A_320 : memref<10000x16xf32, #tpu.memory_space<hbm>>) target(%arg13 : memref<128x16xf32, #tpu.memory_space<vmem>>) offsets(%arg5 : memref<128xi32, #tpu.memory_space<vmem>>) semaphore(%arg23 : memref<!tpu.dma_semaphore, #tpu.memory_space<semaphore_mem>>)
      } else {
      }
      %dma_wait3A_283 = arith.constant 0 : i32
      %dma_wait3A_284 = arith.constant 0 : i32
      %dma_wait3A_285 = tpu.memref_slice %arg2[%dma_wait3A_283, %dma_wait3A_284] : memref<10000x16xf32, #tpu.memory_space<hbm>> -> memref<10000x16xf32, #tpu.memory_space<hbm>>
      tpu.wait_indirect_dma semaphore(%arg24 : memref<!tpu.dma_semaphore, #tpu.memory_space<semaphore_mem>>) src(%dma_wait3A_285 : memref<10000x16xf32, #tpu.memory_space<hbm>>) dst(%arg14 : memref<128x16xf32, #tpu.memory_space<vmem>>)
      %add3A_286 = arith.constant 3 : i32
      %add3A_287 = arith.addi %add3A_270, %add3A_286 : i32
      %lt3A_288 = arith.constant 78 : i32
      %lt3A_289 = arith.cmpi slt, %add3A_287, %lt3A_288 : i32
      %convert_element_type3A_290 = arith.extui %lt3A_289 : i1 to i32
      %cond3A_291 = arith.constant 0 : i32
      %cond3A_292 = arith.cmpi ne, %convert_element_type3A_290, %cond3A_291 : i32
      scf.if %cond3A_292 {
        %add3A_296 = arith.constant 3 : i32
        %add3A_297 = arith.addi %add3A_270, %add3A_296 : i32
        %mul3A_298 = arith.constant 32 : i32
        %mul3A_299 = arith.muli %mul3A_298, %add3A_297 : i32
        %add3A_300 = arith.addi %add3A, %mul3A_299 : i32
        %mul3A_301 = arith.constant 128 : i32
        %mul3A_302 = arith.muli %add3A_300, %mul3A_301 : i32
        %dma_start3A_303 = arith.constant 0 : i32
        %dma_start3A_304 = arith.constant 0 : i32
        %dma_start3A_305 = tpu.memref_slice %arg3[%dma_start3A_303, %dma_start3A_304] : memref<2x320000xi32, #tpu.memory_space<hbm>> -> memref<1x320000xi32, #tpu.memory_space<hbm>>
        %dma_start3A_306 = tpu.memref_squeeze %dma_start3A_305 : memref<1x320000xi32, #tpu.memory_space<hbm>> -> memref<320000xi32, #tpu.memory_space<hbm>>
        %dma_start3A_307 = tpu.memref_slice %dma_start3A_306[%mul3A_302] : memref<320000xi32, #tpu.memory_space<hbm>> -> memref<128xi32, #tpu.memory_space<hbm>>
        %dma_start3A_308 = arith.constant 0 : i32
        %dma_start3A_309 = tpu.memref_slice %arg3[%dma_start3A_303, %dma_start3A_308] : memref<2x320000xi32, #tpu.memory_space<hbm>> -> memref<1x320000xi32, #tpu.memory_space<hbm>>
        %dma_start3A_310 = tpu.memref_squeeze %dma_start3A_309 : memref<1x320000xi32, #tpu.memory_space<hbm>> -> memref<320000xi32, #tpu.memory_space<hbm>>
        %dma_start3A_311 = tpu.memref_slice %dma_start3A_310[%mul3A_302] : memref<320000xi32, #tpu.memory_space<hbm>> -> memref<128xi32, #tpu.memory_space<hbm>>
        tpu.enqueue_dma source(%dma_start3A_311 : memref<128xi32, #tpu.memory_space<hbm>>) target(%arg7 : memref<128xi32, #tpu.memory_space<vmem>>) target_semaphore(%arg17 : memref<!tpu.dma_semaphore, #tpu.memory_space<semaphore_mem>>)
        %dma_start3A_312 = arith.constant 1 : i32
        %dma_start3A_313 = arith.constant 0 : i32
        %dma_start3A_314 = tpu.memref_slice %arg3[%dma_start3A_312, %dma_start3A_313] : memref<2x320000xi32, #tpu.memory_space<hbm>> -> memref<1x320000xi32, #tpu.memory_space<hbm>>
        %dma_start3A_315 = tpu.memref_squeeze %dma_start3A_314 : memref<1x320000xi32, #tpu.memory_space<hbm>> -> memref<320000xi32, #tpu.memory_space<hbm>>
        %dma_start3A_316 = tpu.memref_slice %dma_start3A_315[%mul3A_302] : memref<320000xi32, #tpu.memory_space<hbm>> -> memref<128xi32, #tpu.memory_space<hbm>>
        %dma_start3A_317 = arith.constant 0 : i32
        %dma_start3A_318 = tpu.memref_slice %arg3[%dma_start3A_312, %dma_start3A_317] : memref<2x320000xi32, #tpu.memory_space<hbm>> -> memref<1x320000xi32, #tpu.memory_space<hbm>>
        %dma_start3A_319 = tpu.memref_squeeze %dma_start3A_318 : memref<1x320000xi32, #tpu.memory_space<hbm>> -> memref<320000xi32, #tpu.memory_space<hbm>>
        %dma_start3A_320 = tpu.memref_slice %dma_start3A_319[%mul3A_302] : memref<320000xi32, #tpu.memory_space<hbm>> -> memref<128xi32, #tpu.memory_space<hbm>>
        tpu.enqueue_dma source(%dma_start3A_320 : memref<128xi32, #tpu.memory_space<hbm>>) target(%arg11 : memref<128xi32, #tpu.memory_space<vmem>>) target_semaphore(%arg21 : memref<!tpu.dma_semaphore, #tpu.memory_space<semaphore_mem>>)
      } else {
      }
      %dma_start3A_293 = arith.constant 0 : i32
      %dma_start3A_294 = arith.constant 0 : i32
      %dma_start3A_295 = tpu.memref_slice %arg28[%dma_start3A_293, %dma_start3A_294] : memref<10000x16xf32, #tpu.memory_space<vmem_shared>> -> memref<10000x16xf32, #tpu.memory_space<vmem_shared>>
      tpu.enqueue_indirect_dma source(%arg14 : memref<128x16xf32, #tpu.memory_space<vmem>>) target(%dma_start3A_295 : memref<10000x16xf32, #tpu.memory_space<vmem_shared>>) offsets(%arg12 : memref<128xi32, #tpu.memory_space<vmem>>) semaphore(%arg26 : memref<!tpu.dma_semaphore, #tpu.memory_space<semaphore_mem>>) {add = true}
    }
    %scan3A_114 = arith.constant 19 : i32
    %dma_wait3A_115 = arith.constant 0 : i32
    %dma_wait3A_116 = arith.constant 0 : i32
    %dma_wait3A_117 = tpu.memref_slice %arg28[%dma_wait3A_115, %dma_wait3A_116] : memref<10000x16xf32, #tpu.memory_space<vmem_shared>> -> memref<10000x16xf32, #tpu.memory_space<vmem_shared>>
    tpu.wait_indirect_dma semaphore(%arg26 : memref<!tpu.dma_semaphore, #tpu.memory_space<semaphore_mem>>) src(%arg14 : memref<128x16xf32, #tpu.memory_space<vmem>>) dst(%dma_wait3A_117 : memref<10000x16xf32, #tpu.memory_space<vmem_shared>>)
    %dma_wait3A_118 = arith.constant 0 : i32
    %dma_wait3A_119 = arith.constant 0 : i32
    %dma_wait3A_120 = tpu.memref_slice %arg3[%dma_wait3A_118, %dma_wait3A_119] : memref<2x320000xi32, #tpu.memory_space<hbm>> -> memref<1x320000xi32, #tpu.memory_space<hbm>>
    %dma_wait3A_121 = tpu.memref_squeeze %dma_wait3A_120 : memref<1x320000xi32, #tpu.memory_space<hbm>> -> memref<320000xi32, #tpu.memory_space<hbm>>
    %dma_wait3A_122 = arith.constant 0 : i32
    %dma_wait3A_123 = tpu.memref_slice %dma_wait3A_121[%dma_wait3A_122] : memref<320000xi32, #tpu.memory_space<hbm>> -> memref<128xi32, #tpu.memory_space<hbm>>
    %dma_wait3A_124 = arith.constant 0 : i32
    %dma_wait3A_125 = tpu.memref_slice %arg3[%dma_wait3A_118, %dma_wait3A_124] : memref<2x320000xi32, #tpu.memory_space<hbm>> -> memref<1x320000xi32, #tpu.memory_space<hbm>>
    %dma_wait3A_126 = tpu.memref_squeeze %dma_wait3A_125 : memref<1x320000xi32, #tpu.memory_space<hbm>> -> memref<320000xi32, #tpu.memory_space<hbm>>
    %dma_wait3A_127 = arith.constant 0 : i32
    %dma_wait3A_128 = tpu.memref_slice %dma_wait3A_126[%dma_wait3A_127] : memref<320000xi32, #tpu.memory_space<hbm>> -> memref<128xi32, #tpu.memory_space<hbm>>
    tpu.wait_dma2 semaphore(%arg16 : memref<!tpu.dma_semaphore, #tpu.memory_space<semaphore_mem>>) src(%dma_wait3A_128 : memref<128xi32, #tpu.memory_space<hbm>>) dst(%arg6 : memref<128xi32, #tpu.memory_space<vmem>>)
    %dma_wait3A_129 = arith.constant 1 : i32
    %dma_wait3A_130 = arith.constant 0 : i32
    %dma_wait3A_131 = tpu.memref_slice %arg3[%dma_wait3A_129, %dma_wait3A_130] : memref<2x320000xi32, #tpu.memory_space<hbm>> -> memref<1x320000xi32, #tpu.memory_space<hbm>>
    %dma_wait3A_132 = tpu.memref_squeeze %dma_wait3A_131 : memref<1x320000xi32, #tpu.memory_space<hbm>> -> memref<320000xi32, #tpu.memory_space<hbm>>
    %dma_wait3A_133 = arith.constant 0 : i32
    %dma_wait3A_134 = tpu.memref_slice %dma_wait3A_132[%dma_wait3A_133] : memref<320000xi32, #tpu.memory_space<hbm>> -> memref<128xi32, #tpu.memory_space<hbm>>
    %dma_wait3A_135 = arith.constant 0 : i32
    %dma_wait3A_136 = tpu.memref_slice %arg3[%dma_wait3A_129, %dma_wait3A_135] : memref<2x320000xi32, #tpu.memory_space<hbm>> -> memref<1x320000xi32, #tpu.memory_space<hbm>>
    %dma_wait3A_137 = tpu.memref_squeeze %dma_wait3A_136 : memref<1x320000xi32, #tpu.memory_space<hbm>> -> memref<320000xi32, #tpu.memory_space<hbm>>
    %dma_wait3A_138 = arith.constant 0 : i32
    %dma_wait3A_139 = tpu.memref_slice %dma_wait3A_137[%dma_wait3A_138] : memref<320000xi32, #tpu.memory_space<hbm>> -> memref<128xi32, #tpu.memory_space<hbm>>
    tpu.wait_dma2 semaphore(%arg20 : memref<!tpu.dma_semaphore, #tpu.memory_space<semaphore_mem>>) src(%dma_wait3A_139 : memref<128xi32, #tpu.memory_space<hbm>>) dst(%arg10 : memref<128xi32, #tpu.memory_space<vmem>>)
    %dma_start3A_140 = arith.constant 0 : i32
    %dma_start3A_141 = arith.constant 0 : i32
    %dma_start3A_142 = tpu.memref_slice %arg2[%dma_start3A_140, %dma_start3A_141] : memref<10000x16xf32, #tpu.memory_space<hbm>> -> memref<10000x16xf32, #tpu.memory_space<hbm>>
    tpu.enqueue_indirect_dma source(%dma_start3A_142 : memref<10000x16xf32, #tpu.memory_space<hbm>>) target(%arg14 : memref<128x16xf32, #tpu.memory_space<vmem>>) offsets(%arg6 : memref<128xi32, #tpu.memory_space<vmem>>) semaphore(%arg24 : memref<!tpu.dma_semaphore, #tpu.memory_space<semaphore_mem>>)
    %dma_wait3A_143 = arith.constant 0 : i32
    %dma_wait3A_144 = arith.constant 0 : i32
    %dma_wait3A_145 = tpu.memref_slice %arg2[%dma_wait3A_143, %dma_wait3A_144] : memref<10000x16xf32, #tpu.memory_space<hbm>> -> memref<10000x16xf32, #tpu.memory_space<hbm>>
    tpu.wait_indirect_dma semaphore(%arg23 : memref<!tpu.dma_semaphore, #tpu.memory_space<semaphore_mem>>) src(%dma_wait3A_145 : memref<10000x16xf32, #tpu.memory_space<hbm>>) dst(%arg13 : memref<128x16xf32, #tpu.memory_space<vmem>>)
    %dma_start3A_146 = arith.constant 0 : i32
    %dma_start3A_147 = arith.constant 0 : i32
    %dma_start3A_148 = tpu.memref_slice %arg28[%dma_start3A_146, %dma_start3A_147] : memref<10000x16xf32, #tpu.memory_space<vmem_shared>> -> memref<10000x16xf32, #tpu.memory_space<vmem_shared>>
    tpu.enqueue_indirect_dma source(%arg13 : memref<128x16xf32, #tpu.memory_space<vmem>>) target(%dma_start3A_148 : memref<10000x16xf32, #tpu.memory_space<vmem_shared>>) offsets(%arg9 : memref<128xi32, #tpu.memory_space<vmem>>) semaphore(%arg25 : memref<!tpu.dma_semaphore, #tpu.memory_space<semaphore_mem>>) {add = true}
    %dma_wait3A_149 = arith.constant 0 : i32
    %dma_wait3A_150 = arith.constant 0 : i32
    %dma_wait3A_151 = tpu.memref_slice %arg28[%dma_wait3A_149, %dma_wait3A_150] : memref<10000x16xf32, #tpu.memory_space<vmem_shared>> -> memref<10000x16xf32, #tpu.memory_space<vmem_shared>>
    tpu.wait_indirect_dma semaphore(%arg25 : memref<!tpu.dma_semaphore, #tpu.memory_space<semaphore_mem>>) src(%arg13 : memref<128x16xf32, #tpu.memory_space<vmem>>) dst(%dma_wait3A_151 : memref<10000x16xf32, #tpu.memory_space<vmem_shared>>)
    %dma_wait3A_152 = arith.constant 0 : i32
    %dma_wait3A_153 = arith.constant 0 : i32
    %dma_wait3A_154 = tpu.memref_slice %arg2[%dma_wait3A_152, %dma_wait3A_153] : memref<10000x16xf32, #tpu.memory_space<hbm>> -> memref<10000x16xf32, #tpu.memory_space<hbm>>
    tpu.wait_indirect_dma semaphore(%arg24 : memref<!tpu.dma_semaphore, #tpu.memory_space<semaphore_mem>>) src(%dma_wait3A_154 : memref<10000x16xf32, #tpu.memory_space<hbm>>) dst(%arg14 : memref<128x16xf32, #tpu.memory_space<vmem>>)
    %dma_start3A_155 = arith.constant 0 : i32
    %dma_start3A_156 = arith.constant 0 : i32
    %dma_start3A_157 = tpu.memref_slice %arg28[%dma_start3A_155, %dma_start3A_156] : memref<10000x16xf32, #tpu.memory_space<vmem_shared>> -> memref<10000x16xf32, #tpu.memory_space<vmem_shared>>
    tpu.enqueue_indirect_dma source(%arg14 : memref<128x16xf32, #tpu.memory_space<vmem>>) target(%dma_start3A_157 : memref<10000x16xf32, #tpu.memory_space<vmem_shared>>) offsets(%arg10 : memref<128xi32, #tpu.memory_space<vmem>>) semaphore(%arg26 : memref<!tpu.dma_semaphore, #tpu.memory_space<semaphore_mem>>) {add = true}
    %dma_wait3A_158 = arith.constant 0 : i32
    %dma_wait3A_159 = arith.constant 0 : i32
    %dma_wait3A_160 = tpu.memref_slice %arg28[%dma_wait3A_158, %dma_wait3A_159] : memref<10000x16xf32, #tpu.memory_space<vmem_shared>> -> memref<10000x16xf32, #tpu.memory_space<vmem_shared>>
    tpu.wait_indirect_dma semaphore(%arg26 : memref<!tpu.dma_semaphore, #tpu.memory_space<semaphore_mem>>) src(%arg14 : memref<128x16xf32, #tpu.memory_space<vmem>>) dst(%dma_wait3A_160 : memref<10000x16xf32, #tpu.memory_space<vmem_shared>>)
    %lt3A = arith.constant 4 : i32
    %lt3A_161 = arith.cmpi slt, %add3A, %lt3A : i32
    %convert_element_type3A = arith.extui %lt3A_161 : i1 to i32
    %cond3A = arith.constant 0 : i32
    %cond3A_162 = arith.cmpi ne, %convert_element_type3A, %cond3A : i32
    scf.if %cond3A_162 {
      %add3A_182 = arith.constant 2496 : i32
      %add3A_183 = arith.addi %add3A_182, %add3A : i32
      %mul3A_184 = arith.constant 128 : i32
      %mul3A_185 = arith.muli %add3A_183, %mul3A_184 : i32
      %dma_start3A_186 = arith.constant 0 : i32
      %dma_start3A_187 = arith.constant 0 : i32
      %dma_start3A_188 = tpu.memref_slice %arg3[%dma_start3A_186, %dma_start3A_187] : memref<2x320000xi32, #tpu.memory_space<hbm>> -> memref<1x320000xi32, #tpu.memory_space<hbm>>
      %dma_start3A_189 = tpu.memref_squeeze %dma_start3A_188 : memref<1x320000xi32, #tpu.memory_space<hbm>> -> memref<320000xi32, #tpu.memory_space<hbm>>
      %dma_start3A_190 = tpu.memref_slice %dma_start3A_189[%mul3A_185] : memref<320000xi32, #tpu.memory_space<hbm>> -> memref<128xi32, #tpu.memory_space<hbm>>
      %dma_start3A_191 = arith.constant 0 : i32
      %dma_start3A_192 = tpu.memref_slice %arg3[%dma_start3A_186, %dma_start3A_191] : memref<2x320000xi32, #tpu.memory_space<hbm>> -> memref<1x320000xi32, #tpu.memory_space<hbm>>
      %dma_start3A_193 = tpu.memref_squeeze %dma_start3A_192 : memref<1x320000xi32, #tpu.memory_space<hbm>> -> memref<320000xi32, #tpu.memory_space<hbm>>
      %dma_start3A_194 = tpu.memref_slice %dma_start3A_193[%mul3A_185] : memref<320000xi32, #tpu.memory_space<hbm>> -> memref<128xi32, #tpu.memory_space<hbm>>
      tpu.enqueue_dma source(%dma_start3A_194 : memref<128xi32, #tpu.memory_space<hbm>>) target(%arg5 : memref<128xi32, #tpu.memory_space<vmem>>) target_semaphore(%arg15 : memref<!tpu.dma_semaphore, #tpu.memory_space<semaphore_mem>>)
      %dma_start3A_195 = arith.constant 1 : i32
      %dma_start3A_196 = arith.constant 0 : i32
      %dma_start3A_197 = tpu.memref_slice %arg3[%dma_start3A_195, %dma_start3A_196] : memref<2x320000xi32, #tpu.memory_space<hbm>> -> memref<1x320000xi32, #tpu.memory_space<hbm>>
      %dma_start3A_198 = tpu.memref_squeeze %dma_start3A_197 : memref<1x320000xi32, #tpu.memory_space<hbm>> -> memref<320000xi32, #tpu.memory_space<hbm>>
      %dma_start3A_199 = tpu.memref_slice %dma_start3A_198[%mul3A_185] : memref<320000xi32, #tpu.memory_space<hbm>> -> memref<128xi32, #tpu.memory_space<hbm>>
      %dma_start3A_200 = arith.constant 0 : i32
      %dma_start3A_201 = tpu.memref_slice %arg3[%dma_start3A_195, %dma_start3A_200] : memref<2x320000xi32, #tpu.memory_space<hbm>> -> memref<1x320000xi32, #tpu.memory_space<hbm>>
      %dma_start3A_202 = tpu.memref_squeeze %dma_start3A_201 : memref<1x320000xi32, #tpu.memory_space<hbm>> -> memref<320000xi32, #tpu.memory_space<hbm>>
      %dma_start3A_203 = tpu.memref_slice %dma_start3A_202[%mul3A_185] : memref<320000xi32, #tpu.memory_space<hbm>> -> memref<128xi32, #tpu.memory_space<hbm>>
      tpu.enqueue_dma source(%dma_start3A_203 : memref<128xi32, #tpu.memory_space<hbm>>) target(%arg9 : memref<128xi32, #tpu.memory_space<vmem>>) target_semaphore(%arg19 : memref<!tpu.dma_semaphore, #tpu.memory_space<semaphore_mem>>)
      %dma_wait3A_204 = arith.constant 0 : i32
      %dma_wait3A_205 = arith.constant 0 : i32
      %dma_wait3A_206 = tpu.memref_slice %arg3[%dma_wait3A_204, %dma_wait3A_205] : memref<2x320000xi32, #tpu.memory_space<hbm>> -> memref<1x320000xi32, #tpu.memory_space<hbm>>
      %dma_wait3A_207 = tpu.memref_squeeze %dma_wait3A_206 : memref<1x320000xi32, #tpu.memory_space<hbm>> -> memref<320000xi32, #tpu.memory_space<hbm>>
      %dma_wait3A_208 = arith.constant 0 : i32
      %dma_wait3A_209 = tpu.memref_slice %dma_wait3A_207[%dma_wait3A_208] : memref<320000xi32, #tpu.memory_space<hbm>> -> memref<128xi32, #tpu.memory_space<hbm>>
      %dma_wait3A_210 = arith.constant 0 : i32
      %dma_wait3A_211 = tpu.memref_slice %arg3[%dma_wait3A_204, %dma_wait3A_210] : memref<2x320000xi32, #tpu.memory_space<hbm>> -> memref<1x320000xi32, #tpu.memory_space<hbm>>
      %dma_wait3A_212 = tpu.memref_squeeze %dma_wait3A_211 : memref<1x320000xi32, #tpu.memory_space<hbm>> -> memref<320000xi32, #tpu.memory_space<hbm>>
      %dma_wait3A_213 = arith.constant 0 : i32
      %dma_wait3A_214 = tpu.memref_slice %dma_wait3A_212[%dma_wait3A_213] : memref<320000xi32, #tpu.memory_space<hbm>> -> memref<128xi32, #tpu.memory_space<hbm>>
      tpu.wait_dma2 semaphore(%arg15 : memref<!tpu.dma_semaphore, #tpu.memory_space<semaphore_mem>>) src(%dma_wait3A_214 : memref<128xi32, #tpu.memory_space<hbm>>) dst(%arg5 : memref<128xi32, #tpu.memory_space<vmem>>)
      %dma_wait3A_215 = arith.constant 1 : i32
      %dma_wait3A_216 = arith.constant 0 : i32
      %dma_wait3A_217 = tpu.memref_slice %arg3[%dma_wait3A_215, %dma_wait3A_216] : memref<2x320000xi32, #tpu.memory_space<hbm>> -> memref<1x320000xi32, #tpu.memory_space<hbm>>
      %dma_wait3A_218 = tpu.memref_squeeze %dma_wait3A_217 : memref<1x320000xi32, #tpu.memory_space<hbm>> -> memref<320000xi32, #tpu.memory_space<hbm>>
      %dma_wait3A_219 = arith.constant 0 : i32
      %dma_wait3A_220 = tpu.memref_slice %dma_wait3A_218[%dma_wait3A_219] : memref<320000xi32, #tpu.memory_space<hbm>> -> memref<128xi32, #tpu.memory_space<hbm>>
      %dma_wait3A_221 = arith.constant 0 : i32
      %dma_wait3A_222 = tpu.memref_slice %arg3[%dma_wait3A_215, %dma_wait3A_221] : memref<2x320000xi32, #tpu.memory_space<hbm>> -> memref<1x320000xi32, #tpu.memory_space<hbm>>
      %dma_wait3A_223 = tpu.memref_squeeze %dma_wait3A_222 : memref<1x320000xi32, #tpu.memory_space<hbm>> -> memref<320000xi32, #tpu.memory_space<hbm>>
      %dma_wait3A_224 = arith.constant 0 : i32
      %dma_wait3A_225 = tpu.memref_slice %dma_wait3A_223[%dma_wait3A_224] : memref<320000xi32, #tpu.memory_space<hbm>> -> memref<128xi32, #tpu.memory_space<hbm>>
      tpu.wait_dma2 semaphore(%arg19 : memref<!tpu.dma_semaphore, #tpu.memory_space<semaphore_mem>>) src(%dma_wait3A_225 : memref<128xi32, #tpu.memory_space<hbm>>) dst(%arg9 : memref<128xi32, #tpu.memory_space<vmem>>)
      %dma_start3A_226 = arith.constant 0 : i32
      %dma_start3A_227 = arith.constant 0 : i32
      %dma_start3A_228 = tpu.memref_slice %arg2[%dma_start3A_226, %dma_start3A_227] : memref<10000x16xf32, #tpu.memory_space<hbm>> -> memref<10000x16xf32, #tpu.memory_space<hbm>>
      tpu.enqueue_indirect_dma source(%dma_start3A_228 : memref<10000x16xf32, #tpu.memory_space<hbm>>) target(%arg13 : memref<128x16xf32, #tpu.memory_space<vmem>>) offsets(%arg5 : memref<128xi32, #tpu.memory_space<vmem>>) semaphore(%arg23 : memref<!tpu.dma_semaphore, #tpu.memory_space<semaphore_mem>>)
      %dma_wait3A_229 = arith.constant 0 : i32
      %dma_wait3A_230 = arith.constant 0 : i32
      %dma_wait3A_231 = tpu.memref_slice %arg2[%dma_wait3A_229, %dma_wait3A_230] : memref<10000x16xf32, #tpu.memory_space<hbm>> -> memref<10000x16xf32, #tpu.memory_space<hbm>>
      tpu.wait_indirect_dma semaphore(%arg23 : memref<!tpu.dma_semaphore, #tpu.memory_space<semaphore_mem>>) src(%dma_wait3A_231 : memref<10000x16xf32, #tpu.memory_space<hbm>>) dst(%arg13 : memref<128x16xf32, #tpu.memory_space<vmem>>)
      %dma_start3A_232 = arith.constant 0 : i32
      %dma_start3A_233 = arith.constant 0 : i32
      %dma_start3A_234 = tpu.memref_slice %arg28[%dma_start3A_232, %dma_start3A_233] : memref<10000x16xf32, #tpu.memory_space<vmem_shared>> -> memref<10000x16xf32, #tpu.memory_space<vmem_shared>>
      tpu.enqueue_indirect_dma source(%arg13 : memref<128x16xf32, #tpu.memory_space<vmem>>) target(%dma_start3A_234 : memref<10000x16xf32, #tpu.memory_space<vmem_shared>>) offsets(%arg9 : memref<128xi32, #tpu.memory_space<vmem>>) semaphore(%arg25 : memref<!tpu.dma_semaphore, #tpu.memory_space<semaphore_mem>>) {add = true}
      %dma_wait3A_235 = arith.constant 0 : i32
      %dma_wait3A_236 = arith.constant 0 : i32
      %dma_wait3A_237 = tpu.memref_slice %arg28[%dma_wait3A_235, %dma_wait3A_236] : memref<10000x16xf32, #tpu.memory_space<vmem_shared>> -> memref<10000x16xf32, #tpu.memory_space<vmem_shared>>
      tpu.wait_indirect_dma semaphore(%arg25 : memref<!tpu.dma_semaphore, #tpu.memory_space<semaphore_mem>>) src(%arg13 : memref<128x16xf32, #tpu.memory_space<vmem>>) dst(%dma_wait3A_237 : memref<10000x16xf32, #tpu.memory_space<vmem_shared>>)
    } else {
    }
    %barrier3A_163 = arith.constant 0 : index
    tpu.barrier barrier_id(%barrier3A_163)
    %sub3A_164 = arith.constant 125 : i32
    %sub3A_165 = arith.subi %sub3A_164, %arg1 : i32
    %sub3A_166 = arith.constant 16 : i32
    %sub3A_167 = arith.constant 1 : i32
    %sub3A_168 = arith.subi %sub3A_166, %sub3A_167 : i32
    %add3A_169 = arith.addi %sub3A_165, %sub3A_168 : i32
    %div3A_170 = arith.constant 16 : i32
    %div3A_171 = arith.divsi %add3A_169, %div3A_170 : i32
    %while3A_172 = arith.constant 16 : i32
    %while3A_173 = arith.constant 0 : i32
    %while3A_174 = arith.subi %div3A_171, %while3A_173 : i32
    %while3A_175 = arith.addi %while3A_173, %while3A_174 : i32
    %while3A_176 = arith.constant 1 : i32
    %while3A_177 = arith.divsi %while3A_174, %while3A_176 : i32
    %while3A_178 = arith.muli %while3A_177, %while3A_176 : i32
    %while3A_179 = arith.addi %while3A_173, %while3A_178 : i32
    %while3A_180 = arith.constant 1 : i32
    scf.for %while3A_182 = %while3A_173 to %while3A_179 step %while3A_180  : i32 {
      %mul3A_183 = arith.muli %while3A_182, %while3A_172 : i32
      %add3A_184 = arith.addi %arg1, %mul3A_183 : i32
      %mul3A_185 = arith.constant 80 : i32
      %mul3A_186 = arith.muli %add3A_184, %mul3A_185 : i32
      "tpu.region"() ({
        %run_scoped3A = tpu.sem_alloc : memref<!tpu.dma_semaphore, #tpu.memory_space<semaphore_mem>>
        %dma_start3A_187 = arith.constant 0 : i32
        %dma_start3A_188 = tpu.memref_slice %arg28[%mul3A_186, %dma_start3A_187] : memref<10000x16xf32, #tpu.memory_space<vmem_shared>> -> memref<80x16xf32, #tpu.memory_space<vmem_shared>>
        %dma_start3A_189 = arith.constant 0 : i32
        %dma_start3A_190 = tpu.memref_slice %arg28[%mul3A_186, %dma_start3A_189] : memref<10000x16xf32, #tpu.memory_space<vmem_shared>> -> memref<80x16xf32, #tpu.memory_space<vmem_shared>>
        tpu.enqueue_dma source(%dma_start3A_190 : memref<80x16xf32, #tpu.memory_space<vmem_shared>>) target(%arg27 : memref<80x16xf32, #tpu.memory_space<vmem>>) target_semaphore(%run_scoped3A : memref<!tpu.dma_semaphore, #tpu.memory_space<semaphore_mem>>)
        %dma_wait3A_191 = arith.constant 0 : i32
        %dma_wait3A_192 = tpu.memref_slice %arg28[%mul3A_186, %dma_wait3A_191] : memref<10000x16xf32, #tpu.memory_space<vmem_shared>> -> memref<80x16xf32, #tpu.memory_space<vmem_shared>>
        %dma_wait3A_193 = arith.constant 0 : i32
        %dma_wait3A_194 = tpu.memref_slice %arg28[%mul3A_186, %dma_wait3A_193] : memref<10000x16xf32, #tpu.memory_space<vmem_shared>> -> memref<80x16xf32, #tpu.memory_space<vmem_shared>>
        tpu.wait_dma2 semaphore(%run_scoped3A : memref<!tpu.dma_semaphore, #tpu.memory_space<semaphore_mem>>) src(%dma_wait3A_194 : memref<80x16xf32, #tpu.memory_space<vmem_shared>>) dst(%arg27 : memref<80x16xf32, #tpu.memory_space<vmem>>)
        tpu.yield
      }) : () -> ()
      "tpu.region"() ({
        %run_scoped3A = tpu.sem_alloc : memref<!tpu.dma_semaphore, #tpu.memory_space<semaphore_mem>>
        %dma_start3A_187 = arith.constant 0 : i32
        %dma_start3A_188 = arith.constant 0 : i32
        %dma_start3A_189 = tpu.memref_slice %arg4[%arg0, %dma_start3A_187, %dma_start3A_188] : memref<2x10000x16xf32, #tpu.memory_space<hbm>> -> memref<1x10000x16xf32, #tpu.memory_space<hbm>>
        %dma_start3A_190 = tpu.memref_squeeze %dma_start3A_189 : memref<1x10000x16xf32, #tpu.memory_space<hbm>> -> memref<10000x16xf32, #tpu.memory_space<hbm>>
        %dma_start3A_191 = arith.constant 0 : i32
        %dma_start3A_192 = tpu.memref_slice %dma_start3A_190[%mul3A_186, %dma_start3A_191] : memref<10000x16xf32, #tpu.memory_space<hbm>> -> memref<80x16xf32, #tpu.memory_space<hbm>>
        %dma_start3A_193 = arith.constant 0 : i32
        %dma_start3A_194 = arith.constant 0 : i32
        %dma_start3A_195 = tpu.memref_slice %arg4[%arg0, %dma_start3A_193, %dma_start3A_194] : memref<2x10000x16xf32, #tpu.memory_space<hbm>> -> memref<1x10000x16xf32, #tpu.memory_space<hbm>>
        %dma_start3A_196 = tpu.memref_squeeze %dma_start3A_195 : memref<1x10000x16xf32, #tpu.memory_space<hbm>> -> memref<10000x16xf32, #tpu.memory_space<hbm>>
        %dma_start3A_197 = arith.constant 0 : i32
        %dma_start3A_198 = tpu.memref_slice %dma_start3A_196[%mul3A_186, %dma_start3A_197] : memref<10000x16xf32, #tpu.memory_space<hbm>> -> memref<80x16xf32, #tpu.memory_space<hbm>>
        tpu.enqueue_dma source(%arg27 : memref<80x16xf32, #tpu.memory_space<vmem>>) target(%dma_start3A_198 : memref<80x16xf32, #tpu.memory_space<hbm>>) target_semaphore(%run_scoped3A : memref<!tpu.dma_semaphore, #tpu.memory_space<semaphore_mem>>)
        %dma_wait3A_199 = arith.constant 0 : i32
        %dma_wait3A_200 = arith.constant 0 : i32
        %dma_wait3A_201 = tpu.memref_slice %arg4[%arg0, %dma_wait3A_199, %dma_wait3A_200] : memref<2x10000x16xf32, #tpu.memory_space<hbm>> -> memref<1x10000x16xf32, #tpu.memory_space<hbm>>
        %dma_wait3A_202 = tpu.memref_squeeze %dma_wait3A_201 : memref<1x10000x16xf32, #tpu.memory_space<hbm>> -> memref<10000x16xf32, #tpu.memory_space<hbm>>
        %dma_wait3A_203 = arith.constant 0 : i32
        %dma_wait3A_204 = tpu.memref_slice %dma_wait3A_202[%mul3A_186, %dma_wait3A_203] : memref<10000x16xf32, #tpu.memory_space<hbm>> -> memref<80x16xf32, #tpu.memory_space<hbm>>
        %dma_wait3A_205 = arith.constant 0 : i32
        %dma_wait3A_206 = arith.constant 0 : i32
        %dma_wait3A_207 = tpu.memref_slice %arg4[%arg0, %dma_wait3A_205, %dma_wait3A_206] : memref<2x10000x16xf32, #tpu.memory_space<hbm>> -> memref<1x10000x16xf32, #tpu.memory_space<hbm>>
        %dma_wait3A_208 = tpu.memref_squeeze %dma_wait3A_207 : memref<1x10000x16xf32, #tpu.memory_space<hbm>> -> memref<10000x16xf32, #tpu.memory_space<hbm>>
        %dma_wait3A_209 = arith.constant 0 : i32
        %dma_wait3A_210 = tpu.memref_slice %dma_wait3A_208[%mul3A_186, %dma_wait3A_209] : memref<10000x16xf32, #tpu.memory_space<hbm>> -> memref<80x16xf32, #tpu.memory_space<hbm>>
        tpu.wait_dma2 semaphore(%run_scoped3A : memref<!tpu.dma_semaphore, #tpu.memory_space<semaphore_mem>>) src(%arg27 : memref<80x16xf32, #tpu.memory_space<vmem>>) dst(%dma_wait3A_210 : memref<80x16xf32, #tpu.memory_space<hbm>>)
        tpu.yield
      }) : () -> ()
    }
    %while3A_181 = arith.constant 1 : i32
    scf.for %while3A_182 = %while3A_179 to %while3A_175 step %while3A_181  : i32 {
      %mul3A_183 = arith.muli %while3A_182, %while3A_172 : i32
      %add3A_184 = arith.addi %arg1, %mul3A_183 : i32
      %mul3A_185 = arith.constant 80 : i32
      %mul3A_186 = arith.muli %add3A_184, %mul3A_185 : i32
      "tpu.region"() ({
        %run_scoped3A = tpu.sem_alloc : memref<!tpu.dma_semaphore, #tpu.memory_space<semaphore_mem>>
        %dma_start3A_187 = arith.constant 0 : i32
        %dma_start3A_188 = tpu.memref_slice %arg28[%mul3A_186, %dma_start3A_187] : memref<10000x16xf32, #tpu.memory_space<vmem_shared>> -> memref<80x16xf32, #tpu.memory_space<vmem_shared>>
        %dma_start3A_189 = arith.constant 0 : i32
        %dma_start3A_190 = tpu.memref_slice %arg28[%mul3A_186, %dma_start3A_189] : memref<10000x16xf32, #tpu.memory_space<vmem_shared>> -> memref<80x16xf32, #tpu.memory_space<vmem_shared>>
        tpu.enqueue_dma source(%dma_start3A_190 : memref<80x16xf32, #tpu.memory_space<vmem_shared>>) target(%arg27 : memref<80x16xf32, #tpu.memory_space<vmem>>) target_semaphore(%run_scoped3A : memref<!tpu.dma_semaphore, #tpu.memory_space<semaphore_mem>>)
        %dma_wait3A_191 = arith.constant 0 : i32
        %dma_wait3A_192 = tpu.memref_slice %arg28[%mul3A_186, %dma_wait3A_191] : memref<10000x16xf32, #tpu.memory_space<vmem_shared>> -> memref<80x16xf32, #tpu.memory_space<vmem_shared>>
        %dma_wait3A_193 = arith.constant 0 : i32
        %dma_wait3A_194 = tpu.memref_slice %arg28[%mul3A_186, %dma_wait3A_193] : memref<10000x16xf32, #tpu.memory_space<vmem_shared>> -> memref<80x16xf32, #tpu.memory_space<vmem_shared>>
        tpu.wait_dma2 semaphore(%run_scoped3A : memref<!tpu.dma_semaphore, #tpu.memory_space<semaphore_mem>>) src(%dma_wait3A_194 : memref<80x16xf32, #tpu.memory_space<vmem_shared>>) dst(%arg27 : memref<80x16xf32, #tpu.memory_space<vmem>>)
        tpu.yield
      }) : () -> ()
      "tpu.region"() ({
        %run_scoped3A = tpu.sem_alloc : memref<!tpu.dma_semaphore, #tpu.memory_space<semaphore_mem>>
        %dma_start3A_187 = arith.constant 0 : i32
        %dma_start3A_188 = arith.constant 0 : i32
        %dma_start3A_189 = tpu.memref_slice %arg4[%arg0, %dma_start3A_187, %dma_start3A_188] : memref<2x10000x16xf32, #tpu.memory_space<hbm>> -> memref<1x10000x16xf32, #tpu.memory_space<hbm>>
        %dma_start3A_190 = tpu.memref_squeeze %dma_start3A_189 : memref<1x10000x16xf32, #tpu.memory_space<hbm>> -> memref<10000x16xf32, #tpu.memory_space<hbm>>
        %dma_start3A_191 = arith.constant 0 : i32
        %dma_start3A_192 = tpu.memref_slice %dma_start3A_190[%mul3A_186, %dma_start3A_191] : memref<10000x16xf32, #tpu.memory_space<hbm>> -> memref<80x16xf32, #tpu.memory_space<hbm>>
        %dma_start3A_193 = arith.constant 0 : i32
        %dma_start3A_194 = arith.constant 0 : i32
        %dma_start3A_195 = tpu.memref_slice %arg4[%arg0, %dma_start3A_193, %dma_start3A_194] : memref<2x10000x16xf32, #tpu.memory_space<hbm>> -> memref<1x10000x16xf32, #tpu.memory_space<hbm>>
        %dma_start3A_196 = tpu.memref_squeeze %dma_start3A_195 : memref<1x10000x16xf32, #tpu.memory_space<hbm>> -> memref<10000x16xf32, #tpu.memory_space<hbm>>
        %dma_start3A_197 = arith.constant 0 : i32
        %dma_start3A_198 = tpu.memref_slice %dma_start3A_196[%mul3A_186, %dma_start3A_197] : memref<10000x16xf32, #tpu.memory_space<hbm>> -> memref<80x16xf32, #tpu.memory_space<hbm>>
        tpu.enqueue_dma source(%arg27 : memref<80x16xf32, #tpu.memory_space<vmem>>) target(%dma_start3A_198 : memref<80x16xf32, #tpu.memory_space<hbm>>) target_semaphore(%run_scoped3A : memref<!tpu.dma_semaphore, #tpu.memory_space<semaphore_mem>>)
        %dma_wait3A_199 = arith.constant 0 : i32
        %dma_wait3A_200 = arith.constant 0 : i32
        %dma_wait3A_201 = tpu.memref_slice %arg4[%arg0, %dma_wait3A_199, %dma_wait3A_200] : memref<2x10000x16xf32, #tpu.memory_space<hbm>> -> memref<1x10000x16xf32, #tpu.memory_space<hbm>>
        %dma_wait3A_202 = tpu.memref_squeeze %dma_wait3A_201 : memref<1x10000x16xf32, #tpu.memory_space<hbm>> -> memref<10000x16xf32, #tpu.memory_space<hbm>>
        %dma_wait3A_203 = arith.constant 0 : i32
        %dma_wait3A_204 = tpu.memref_slice %dma_wait3A_202[%mul3A_186, %dma_wait3A_203] : memref<10000x16xf32, #tpu.memory_space<hbm>> -> memref<80x16xf32, #tpu.memory_space<hbm>>
        %dma_wait3A_205 = arith.constant 0 : i32
        %dma_wait3A_206 = arith.constant 0 : i32
        %dma_wait3A_207 = tpu.memref_slice %arg4[%arg0, %dma_wait3A_205, %dma_wait3A_206] : memref<2x10000x16xf32, #tpu.memory_space<hbm>> -> memref<1x10000x16xf32, #tpu.memory_space<hbm>>
        %dma_wait3A_208 = tpu.memref_squeeze %dma_wait3A_207 : memref<1x10000x16xf32, #tpu.memory_space<hbm>> -> memref<10000x16xf32, #tpu.memory_space<hbm>>
        %dma_wait3A_209 = arith.constant 0 : i32
        %dma_wait3A_210 = tpu.memref_slice %dma_wait3A_208[%mul3A_186, %dma_wait3A_209] : memref<10000x16xf32, #tpu.memory_space<hbm>> -> memref<80x16xf32, #tpu.memory_space<hbm>>
        tpu.wait_dma2 semaphore(%run_scoped3A : memref<!tpu.dma_semaphore, #tpu.memory_space<semaphore_mem>>) src(%arg27 : memref<80x16xf32, #tpu.memory_space<vmem>>) dst(%dma_wait3A_210 : memref<80x16xf32, #tpu.memory_space<hbm>>)
        tpu.yield
      }) : () -> ()
    }
    return
  }
}

module attributes {stable_mosaic.version = 14 : i64} {
  func.func @_fused_body(%arg0: i32, %arg1: memref<2x1000x16xf32, #tpu.memory_space<vmem>>, %arg2: memref<128x6xf32, #tpu.memory_space<vmem>>, %arg3: memref<1x128xf32, #tpu.memory_space<vmem>>, %arg4: memref<128x128xf32, #tpu.memory_space<vmem>>, %arg5: memref<128x64xf32, #tpu.memory_space<vmem>>, %arg6: memref<1000x64xf32, #tpu.memory_space<vmem>>) attributes {dimension_semantics = [#tpu.dimension_semantics<arbitrary>], iteration_bounds = array<i64: 10>, scalar_prefetch = 0 : i64, scratch_operands = 0 : i64, tpu.core_type = #tpu.core_type<tc>, window_params = [{transform_indices = @transform_0, window_bounds = array<i64: 2, 1000, 16>}, {pipeline_mode = #tpu.pipeline_mode<synchronous>, transform_indices = @transform_1, window_bounds = array<i64: 128, 6>}, {pipeline_mode = #tpu.pipeline_mode<synchronous>, transform_indices = @transform_2, window_bounds = array<i64: 1, 128>}, {pipeline_mode = #tpu.pipeline_mode<synchronous>, transform_indices = @transform_3, window_bounds = array<i64: 128, 128>}, {pipeline_mode = #tpu.pipeline_mode<synchronous>, transform_indices = @transform_4, window_bounds = array<i64: 128, 64>}, {transform_indices = @transform_5, window_bounds = array<i64: 1000, 64>}]} {
    %get3A = arith.constant 0 : index
    %get3A_0 = arith.constant 0 : index
    %get3A_1 = vector.load %arg2[%get3A, %get3A_0] : memref<128x6xf32, #tpu.memory_space<vmem>>, vector<128x6xf32>
    %get3A_2 = arith.constant 0 : index
    %get3A_3 = arith.constant 0 : index
    %get3A_4 = vector.load %arg4[%get3A_2, %get3A_3] : memref<128x128xf32, #tpu.memory_space<vmem>>, vector<128x128xf32>
    %dot_general3A = arith.constant dense<0.000000e+00> : vector<6x128xf32>
    %dot_general3A_5 = tpu.matmul %get3A_1, %get3A_4, %dot_general3A {dimension_numbers = #tpu.dot_dimension_numbers<[0], [0], [1], [1], [0, 1, 1, 1], [], []>, transpose_lhs_hint = false} : vector<128x6xf32>, vector<128x128xf32>, vector<6x128xf32> -> vector<6x128xf32>
    %get3A_6 = arith.constant 0 : index
    %get3A_7 = arith.constant 0 : index
    %get3A_8 = vector.load %arg3[%get3A_6, %get3A_7] : memref<1x128xf32, #tpu.memory_space<vmem>>, vector<1x128xf32>
    %get3A_9 = arith.constant 0 : index
    %get3A_10 = arith.constant 0 : index
    %get3A_11 = vector.load %arg4[%get3A_9, %get3A_10] : memref<128x128xf32, #tpu.memory_space<vmem>>, vector<128x128xf32>
    %dot_general3A_12 = arith.constant dense<0.000000e+00> : vector<1x128xf32>
    %dot_general3A_13 = tpu.matmul %get3A_8, %get3A_11, %dot_general3A_12 {dimension_numbers = #tpu.dot_dimension_numbers<[1], [0], [0], [1], [0, 0, 1, 1], [], []>, transpose_lhs_hint = false} : vector<1x128xf32>, vector<128x128xf32>, vector<1x128xf32> -> vector<1x128xf32>
    %get3A_14 = arith.constant 0 : index
    %get3A_15 = arith.constant 0 : index
    %get3A_16 = arith.constant 0 : index
    %get3A_17 = vector.load %arg1[%get3A_14, %get3A_15, %get3A_16] : memref<2x1000x16xf32, #tpu.memory_space<vmem>>, vector<1x1000x16xf32>
    %get3A_18 = vector.shape_cast %get3A_17 : vector<1x1000x16xf32> to vector<1000x16xf32>
    %get3A_19 = arith.constant 1 : index
    %get3A_20 = arith.constant 0 : index
    %get3A_21 = arith.constant 0 : index
    %get3A_22 = vector.load %arg1[%get3A_19, %get3A_20, %get3A_21] : memref<2x1000x16xf32, #tpu.memory_space<vmem>>, vector<1x1000x16xf32>
    %get3A_23 = vector.shape_cast %get3A_22 : vector<1x1000x16xf32> to vector<1000x16xf32>
    %add3A = arith.addf %get3A_18, %get3A_23 : vector<1000x16xf32>
    %slice3A = vector.extract_strided_slice %add3A {offsets = [0, 0], sizes = [1000, 6], strides = [1, 1]} : vector<1000x16xf32> to vector<1000x6xf32>
    %dot_general3A_24 = arith.constant dense<0.000000e+00> : vector<1000x128xf32>
    %dot_general3A_25 = tpu.matmul %slice3A, %dot_general3A_5, %dot_general3A_24 {dimension_numbers = #tpu.dot_dimension_numbers<[1], [0], [0], [1], [0, 0, 1, 1], [], []>, transpose_lhs_hint = false} : vector<1000x6xf32>, vector<6x128xf32>, vector<1000x128xf32> -> vector<1000x128xf32>
    %slice3A_26 = vector.extract_strided_slice %add3A {offsets = [0, 6], sizes = [1000, 1], strides = [1, 1]} : vector<1000x16xf32> to vector<1000x1xf32>
    %mul3A = vector.broadcast %slice3A_26 : vector<1000x1xf32> to vector<1000x128xf32>
    %mul3A_27 = vector.broadcast %dot_general3A_13 : vector<1x128xf32> to vector<1000x128xf32>
    %mul3A_28 = arith.mulf %mul3A, %mul3A_27 : vector<1000x128xf32>
    %add3A_29 = arith.addf %dot_general3A_25, %mul3A_28 : vector<1000x128xf32>
    %max3A = arith.constant 0.000000e+00 : f32
    %max3A_30 = vector.broadcast %max3A : f32 to vector<1000x128xf32>
    %max3A_31 = arith.maximumf %add3A_29, %max3A_30 : vector<1000x128xf32>
    %get3A_32 = arith.constant 0 : index
    %get3A_33 = arith.constant 0 : index
    %get3A_34 = vector.load %arg5[%get3A_32, %get3A_33] : memref<128x64xf32, #tpu.memory_space<vmem>>, vector<128x64xf32>
    %dot_general3A_35 = arith.constant dense<0.000000e+00> : vector<1000x64xf32>
    %dot_general3A_36 = tpu.matmul %max3A_31, %get3A_34, %dot_general3A_35 {dimension_numbers = #tpu.dot_dimension_numbers<[1], [0], [0], [1], [0, 0, 1, 1], [], []>, transpose_lhs_hint = false} : vector<1000x128xf32>, vector<128x64xf32>, vector<1000x64xf32> -> vector<1000x64xf32>
    %swap3A = arith.constant 0 : index
    %swap3A_37 = arith.constant 0 : index
    %swap3A_38 = vector.load %arg6[%swap3A, %swap3A_37] : memref<1000x64xf32, #tpu.memory_space<vmem>>, vector<1000x64xf32>
    tpu.vector_store %arg6[%swap3A, %swap3A_37], %dot_general3A_36 {strides = array<i32>} : memref<1000x64xf32, #tpu.memory_space<vmem>>, vector<1000x64xf32>,
    return
  }
  func.func @transform_0(%arg0: i32) -> (i32, i32, i32) {
    %c0_i32 = arith.constant 0 : i32
    %c0_i32_0 = arith.constant 0 : i32
    %c0_i32_1 = arith.constant 0 : i32
    return %c0_i32, %arg0, %c0_i32_0 : i32, i32, i32
  }
  func.func @transform_1(%arg0: i32) -> (i32, i32) {
    %c0_i32 = arith.constant 0 : i32
    %c0_i32_0 = arith.constant 0 : i32
    %c0_i32_1 = arith.constant 0 : i32
    return %c0_i32, %c0_i32_0 : i32, i32
  }
  func.func @transform_2(%arg0: i32) -> (i32, i32) {
    %c0_i32 = arith.constant 0 : i32
    %c0_i32_0 = arith.constant 0 : i32
    %c0_i32_1 = arith.constant 0 : i32
    return %c0_i32, %c0_i32_0 : i32, i32
  }
  func.func @transform_3(%arg0: i32) -> (i32, i32) {
    %c0_i32 = arith.constant 0 : i32
    %c0_i32_0 = arith.constant 0 : i32
    %c0_i32_1 = arith.constant 0 : i32
    return %c0_i32, %c0_i32_0 : i32, i32
  }
  func.func @transform_4(%arg0: i32) -> (i32, i32) {
    %c0_i32 = arith.constant 0 : i32
    %c0_i32_0 = arith.constant 0 : i32
    %c0_i32_1 = arith.constant 0 : i32
    return %c0_i32, %c0_i32_0 : i32, i32
  }
  func.func @transform_5(%arg0: i32) -> (i32, i32) {
    %c0_i32 = arith.constant 0 : i32
    %c0_i32_0 = arith.constant 0 : i32
    return %arg0, %c0_i32 : i32, i32
  }
}

module attributes {stable_mosaic.version = 14 : i64} {
  func.func @_sum_body(%arg0: memref<2x10000x64xf32, #tpu.memory_space<vmem>>, %arg1: memref<10000x64xf32, #tpu.memory_space<vmem>>) attributes {dimension_semantics = [], scalar_prefetch = 0 : i64, scratch_operands = 0 : i64, tpu.core_type = #tpu.core_type<tc>} {
    %get3A = arith.constant 0 : index
    %get3A_0 = arith.constant 0 : index
    %get3A_1 = arith.constant 0 : index
    %get3A_2 = vector.load %arg0[%get3A, %get3A_0, %get3A_1] : memref<2x10000x64xf32, #tpu.memory_space<vmem>>, vector<1x10000x64xf32>
    %get3A_3 = vector.shape_cast %get3A_2 : vector<1x10000x64xf32> to vector<10000x64xf32>
    %get3A_4 = arith.constant 1 : index
    %get3A_5 = arith.constant 0 : index
    %get3A_6 = arith.constant 0 : index
    %get3A_7 = vector.load %arg0[%get3A_4, %get3A_5, %get3A_6] : memref<2x10000x64xf32, #tpu.memory_space<vmem>>, vector<1x10000x64xf32>
    %get3A_8 = vector.shape_cast %get3A_7 : vector<1x10000x64xf32> to vector<10000x64xf32>
    %add3A = arith.addf %get3A_3, %get3A_8 : vector<10000x64xf32>
    %swap3A = arith.constant 0 : index
    %swap3A_9 = arith.constant 0 : index
    %swap3A_10 = vector.load %arg1[%swap3A, %swap3A_9] : memref<10000x64xf32, #tpu.memory_space<vmem>>, vector<10000x64xf32>
    tpu.vector_store %arg1[%swap3A, %swap3A_9], %add3A {strides = array<i32>} : memref<10000x64xf32, #tpu.memory_space<vmem>>, vector<10000x64xf32>,
    return
  }
}

</mosaic_0001>

<sc_bundles>
// kernel: kernel.6.cloned.1.call-start
scs
__scs_entry_jumppad:
0x0: {  	(pc) =	sbr.rel $0x88, $3  }
0x1: {  	(tag) =	ssettag $0x0;
	lr =	simm.s32 $0x1  }
0x2: {  	[smem:$0x3F9B] =	sst lr;
	_ =	strace $0xD0000000  }
0x3: {  	_ = 	snop  }
0x4: {  	_ = 	snop  }
0x5: {  	_ = 	snop  }
0x6: {  	_ = 	snop  }
0x7: {  	_ = 	snop  }
__scs_overlays_trampoline_lowered:
0x8: {  	[smem:$0x3FAA] =	sst s0  }
0x9: {  	[smem:$0x3FAB] =	sst s1  }
0xa: {  	[smem:$0x3FAC] =	sst s2  }
0xb: {  	[smem:$0x3FAD] =	sst s3  }
0xc: {  	[smem:$0x3FAE] =	sst s4  }
0xd: {  	[smem:$0x3FAF] =	sst s5  }
0xe: {  	[smem:$0x3FB0] =	sst s6  }
0xf: {  	[smem:$0x3FB1] =	sst s7  }
0x10: {  	[smem:$0x3FB2] =	sst s8  }
0x11: {  	[smem:$0x3FB3] =	sst s9;
	s0 =	simm.s32 @!p0 $0x0  }
0x12: {  	s1 =	sld [smem:$0x3F99];
	s0 =	simm.s32 @p0 $0x1  }
0x13: {  	[smem:$0x3FB4] =	sst s0;
	s0 =	simm.s32 @!p1 $0x0  }
0x14: {  	s2 =	sld [smem:$0x3F98];
	s0 =	simm.s32 @p1 $0x1  }
0x15: {  	[smem:$0x3FB5] =	sst s0;
	s0 =	simm.s32 @!p2 $0x0  }
0x16: {  	s3 =	sld [smem:$0x3FDB];
	s0 =	simm.s32 @p2 $0x1  }
0x17: {  	s4 =	simm.s32 $0x1BF5;
	[smem:$0x3FB7] =	sst s0  }
0x18: {  	s0 =	sld [smem:$0x3F9A];
	_ =	swait.ge [sflag:s4], $0x0  }
0x19: {  	s7 =	sld [smem:$0x3F9B]  }
0x1a: {  	s8 =	sadd.s32 $0xFFFFE003, lr  }
0x1b: {  	s9 =	sadd.s32 $0xFFFFFEF7, lr;
	s5 =	simm.s32 $0xFFFFFFFF;
	p2 =	slt.u32 s8, $0xFFFFF086  }
0x1c: {  	p1 =	slt.u32 s9, $0xF7A;
	s5 =	simm.s32 @!p2 $0x0  }
0x1d: {  	s5 =	simm.s32 @p1 $0x1;
	p0 =	seq.s32 s7, s2  }
0x1e: {  	s7 =	smul.u32 @!p0 $0xF7A, s2;
	p2 =	seq.s32 @!p0 s5, $0x0  }
0x1f: {  	s9 =	smul.u32 $0xF7A, s1;
	s8 =	simm.s32 @!p0 $0x1BF5;
	p2 =	por !p2, p0  }
0x20: {  	[sflag:s8] =	ssyncset.s32 @!p0 $0xFFFFF086;
	s6 =	sadd.s32 @!p0 s3, s7;
	s7 =	simm.s32 @!p0 $0x108  }
0x21: {  	s3 =	sadd.s32 s3, s9;
	s6 =	sadd.s32 @!p0 $0x88, s6;
	s7 =	simm.s32 @p2 $0x1082  }
0x22: {  	[simem:s7], [sflag:s8] =	dma.local @!p0 [hbm:s6], $0xF7A  }
0x23: {  	s9 =	sor.u32 $0xD0000000, s2;
	s6 =	simm.s32 $0x108;
	_ =	swait.ge @!p0 [sflag:s8], $0x0  }
0x24: {  	s3 =	sadd.s32 $0x88, s3;
	s6 =	simm.s32 @!p1 $0x1082;
	[sflag:s4] =	ssyncset.s32 $0xFFFFF086  }
0x25: {  	[simem:s6], [sflag:s4] =	dma.local [hbm:s3], $0xF7A  }
0x26: {  	[smem:$0x3F9B] =	sst s1;
	(tag) =	ssettag s2;
	_ =	strace s9  }
0x27: {  	s1 =	sld [smem:$0x3FAB]  }
0x28: {  	s2 =	sld [smem:$0x3FAC]  }
0x29: {  	s4 =	sld [smem:$0x3FAE]  }
0x2a: {  	p0 =	seq.s32 s5, $0x0;
	s5 =	sld [smem:$0x3FAF]  }
0x2b: {  	s6 =	sld [smem:$0x3FB0]  }
0x2c: {  	s7 =	sld [smem:$0x3FB1]  }
0x2d: {  	s3 =	simm.s32 $0x108;
	s8 =	sld [smem:$0x3FB2]  }
0x2e: {  	s3 =	simm.s32 @!p0 $0x1082;
	s9 =	sld [smem:$0x3FB3]  }
0x2f: {  	lr =	sadd.s32 s0, s3;
	s0 =	sld [smem:$0x3FAA]  }
0x30: {  	s3 =	sld [smem:$0x3FAD]  }
0x31: {  	[smem:$0x3FB6] =	sst s10  }
0x32: {  	s10 =	sld [smem:$0x3FB4];
	_ =	sdelay $0x3  }
0x33: {  	p0 =	seq.s32 s10, $0x1;
	s10 =	sld [smem:$0x3FB6];
	_ =	sdelay $0x3  }
0x34: {  	[smem:$0x3FB6] =	sst s10  }
0x35: {  	s10 =	sld [smem:$0x3FB5];
	_ =	sdelay $0x3  }
0x36: {  	p1 =	seq.s32 s10, $0x1;
	s10 =	sld [smem:$0x3FB6];
	_ =	sdelay $0x3  }
0x37: {  	[smem:$0x3FB6] =	sst s10  }
0x38: {  	s10 =	sld [smem:$0x3FB7]  }
0x39: {  	_ = 	snop;
	(pc) =	sbr.ind lr, $3  }
0x3a: {  	_ = 	snop  }
0x3b: {  	_ = 	snop  }
0x3c: {  	p2 =	seq.s32 s10, $0x1;
	s10 =	sld [smem:$0x3FB6]  }
0x3d: {  	_ =	shalt  }
0x3e: {  	_ =	shalt  }
0x3f: {  	_ =	shalt  }
0x40: {  	_ =	shalt  }
0x41: {  	_ =	shalt  }
0x42: {  	_ =	shalt  }
0x43: {  	_ =	shalt  }
0x44: {  	_ =	shalt  }
0x45: {  	_ =	shalt  }
0x46: {  	_ =	shalt  }
0x47: {  	_ =	shalt  }
0x48: {  	_ =	shalt  }
0x49: {  	_ =	shalt  }
0x4a: {  	_ =	shalt  }
0x4b: {  	_ =	shalt  }
0x4c: {  	_ =	shalt  }
0x4d: {  	_ =	shalt  }
0x4e: {  	_ =	shalt  }
0x4f: {  	_ =	shalt  }
0x50: {  	_ =	shalt  }
0x51: {  	_ =	shalt  }
0x52: {  	_ =	shalt  }
0x53: {  	_ =	shalt  }
0x54: {  	_ =	shalt  }
0x55: {  	_ =	shalt  }
0x56: {  	_ =	shalt  }
0x57: {  	_ =	shalt  }
0x58: {  	_ =	shalt  }
0x59: {  	_ =	shalt  }
0x5a: {  	_ =	shalt  }
0x5b: {  	_ =	shalt  }
0x5c: {  	_ =	shalt  }
0x5d: {  	_ =	shalt  }
0x5e: {  	_ =	shalt  }
0x5f: {  	_ =	shalt  }
0x60: {  	_ =	shalt  }
0x61: {  	_ =	shalt  }
0x62: {  	_ =	shalt  }
0x63: {  	_ =	shalt  }
0x64: {  	_ =	shalt  }
0x65: {  	_ =	shalt  }
0x66: {  	_ =	shalt  }
0x67: {  	_ =	shalt  }
0x68: {  	_ =	shalt  }
0x69: {  	_ =	shalt  }
0x6a: {  	_ =	shalt  }
0x6b: {  	_ =	shalt  }
0x6c: {  	_ =	shalt  }
0x6d: {  	_ =	shalt  }
0x6e: {  	_ =	shalt  }
0x6f: {  	_ =	shalt  }
0x70: {  	_ =	shalt  }
0x71: {  	_ =	shalt  }
0x72: {  	_ =	shalt  }
0x73: {  	_ =	shalt  }
0x74: {  	_ =	shalt  }
0x75: {  	_ =	shalt  }
0x76: {  	_ =	shalt  }
0x77: {  	_ =	shalt  }
0x78: {  	_ =	shalt  }
0x79: {  	_ =	shalt  }
0x7a: {  	_ =	shalt  }
0x7b: {  	_ =	shalt  }
0x7c: {  	_ =	shalt  }
0x7d: {  	_ =	shalt  }
0x7e: {  	_ =	shalt  }
0x7f: {  	_ =	shalt  }
0x80: {  	_ =	shalt  }
0x81: {  	_ =	shalt  }
0x82: {  	_ =	shalt  }
0x83: {  	_ =	shalt  }
0x84: {  	_ =	shalt  }
0x85: {  	_ =	shalt  }
0x86: {  	_ =	shalt  }
0x87: {  	_ =	shalt  }
.Lfunc_end0:
.L_simem_size_0:
called_computation_lowered:
.L_overlay_start_0:
0x88: {  	s2 =	sld [smem:$0x3FD9]  }
0x89: {  	s3 =	sld [smem:$0x3FFE];
	_ =	sdelay $0x1  }
0x8a: {  	s1 =	srdreg.scid  }
0x8b: {  	s0 =	sand.u32 $0x1, s1  }
0x8c: {  	s17 =	sshll.u32 s0, $0xA;
	s2 =	sadd.s32 s3, s2  }
0x8d: {  	s2 =	sadd.s32 s2, s17  }
0x8e: {  	[smem:$0x3FC2] =	sst s2  }
0x8f: {  	_ = 	snop  }
0x90: {  	s2 =	sld [smem:$0x3FD0];
	(tm) =	ssettm $0x1  }
0x91: {  	s18 =	sld [smem:$0x3FFB];
	_ =	sdelay $0x3  }
0x92: {  	_ =	strace s18  }
0x93: {  	s3 =	sld [smem:$0x3FFC];
	_ =	sdelay $0x3  }
0x94: {  	_ =	strace s3  }
0x95: {  	s3 =	sld [smem:$0x3FFD];
	_ =	sdelay $0x3  }
0x96: {  	_ =	strace s3  }
0x97: {  	_ =	strace $0x8FFFFFFF  }
0x98: {  	s19 =	sld [smem:$0x3FDB];
	_ =	sdelay $0x1  }
0x99: {  	s4 =	simm.s32 $_scs_section_size  }
0x9a: {  	s5 =	simm.s32 $_size__tile_overlayer_lowered;
	s6 =	simm.s32 $_tile_overlayer_lowered  }
0x9b: {  	s22 =	simm.s32 $0x1BFF;
	s21 =	sshll.u32 s6, $0x1;
	s3 =	sadd.s32 s4, s19  }
0x9c: {  	s7 =	simm.s32 $0x0;
	s20 =	sshll.u32 s5, $0x1;
	s5 =	sadd.s32 s21, s3  }
0x9d: {  	[timem:s7], [sflag:s22] =	dma.local [hbm:s5], s20  }
0x9e: {  	_ =	swait.ge [sflag:s22], s20  }
0x9f: {  	s4 =	ssub.s32 $0x0, s20;
	[sflag:s22] =	ssyncset.done $0x0  }
0xa0: {  	[sflag:s22] =	ssyncadd.s32 s4;
	_ =	sdelay $0x1  }
0xa1: {  	s23 =	simm.s32 $0x1B8B  }
0xa2: {  	_ =	swait.ge [sflag:s23], $0x1  }
0xa3: {  	[sflag:s23] =	ssyncset.done $0x0  }
0xa4: {  	s25 =	simm.s32 $0x1B8E;
	s24 =	sld [smem:$0x3FFE];
	[sflag:s23] =	ssyncadd.s32 $0xFFFFFFFF  }
0xa5: {  	s26 =	simm.s32 $execute0_lowered;
	[smem:$0x3FD2] =	sst s25  }
0xa6: {  	s5 =	sshll.u32 s26, $0x1;
	_ =	strace $0x80000046;
	[dreg:$0x1] =	wrdreg $0xFFFFFFFF  }
0xa7: {  	s28 =	simm.s32 $_size_execute0_lowered;
	s3 =	sadd.s32 s3, s5;
	[dreg:$0x0] =	wrdreg $0x0  }
0xa8: {  	s5 =	sshll.u32 s28, $0x1;
	[dreg:$0x2] =	wrdreg s3  }
0xa9: {  	[dreg:$0x3] =	wrdreg s5  }
0xaa: {  	[dreg:$0x4] =	wrdreg $0xC0  }
0xab: {  	_ =	task [dreg:s7], $0x5FFFF  }
0xac: {  	[dreg:$0x1] =	wrdreg $0xFFFFFFFF  }
0xad: {  	[dreg:$0x0] =	wrdreg $0x60  }
0xae: {  	[dreg:$0x2] =	wrdreg s24  }
0xaf: {  	[dreg:$0x3] =	wrdreg s2  }
0xb0: {  	[dreg:$0x4] =	wrdreg $0x19000  }
0xb1: {  	[dreg:$0x5] =	wrdreg $0x9  }
0xb2: {  	_ =	task.clear_ibuf [dreg:s7], $0x6FFFF;
	_ =	strace $0x90000046  }
0xb3: {  	s29 =	simm.s32 $0x9;
	_ =	strace $0x80000048  }
0xb4: {  	_ =	swait.ge [sflag:s29], $0x1  }
0xb5: {  	[sflag:s29] =	ssyncadd.s32 $0xFFFFFFFF  }
0xb6: {  	_ =	strace $0x90000048  }
0xb7: {  	_ =	sfence  }
0xb8: {  	s30 =	sld [smem:$0x0];
	_ =	sdelay $0x2  }
0xb9: {  	s31 =	sshll.u32 s1, $0xD;
	s1 =	sshrl.u32 s1, $0x2  }
0xba: {  	s3 =	sand.u32 $0x4000, s31;
	s1 =	sadd.s32 s1, s30  }
0xbb: {  	s0 =	sor.u32 s3, s0;
	s1 =	sshll.u32 s1, $0x11  }
0xbc: {  	s0 =	sor.u32 s1, s0  }
0xbd: {  	s0 =	sadd.s32 $0x8F2B, s0  }
0xbe: {  	[sflag:s0] =	ssyncadd.remote.s32 $0x1  }
0xbf: {  	_ =	sfence.sel $0xFFFF  }
0xc0: {  	[dreg:$0x0] =	wrdreg $0xFFFFFFFF;
	(pc) =	sbr.abs _section_cstart, $3  }
0xc1: {  	[dreg:$0x1] =	wrdreg $0xFFFFFFFF  }
0xc2: {  	_ =	task.clear_ibuf [dreg:s7], $0x2FFFF;
	_ =	strace $0x9FFFFFFF  }
0xc3: {  	(tm) =	ssettm $0x7FFFFFFF  }
tec
execute0_lowered:
.L_overlay_start_1:
0x0: {  	(tag) =	ssettag $0x1  }
0x1: {  	s0 =	rddreg [dreg:$0x0]  }
0x2: {  	s3 =	rddreg [dreg:$0x1];
	s2 =	srdreg.scid  }
0x3: {  	s1 =	rddreg [dreg:$0x2];
	s10 =	stileid.u32  }
0x4: {  	s28 =	simm.s32 $0x300;
	s29 =	simm.s32 $0x1;
	s30 =	simm.s32 $0x5  }
0x5: {  	s31 =	simm.s32 $0x400;
	s14 =	simm.s32 $0x380;
	s13 =	simm.s32 $0xA  }
0x6: {  	s5 =	sand.u32 $0x1, s2;
	s2 =	simm.s32 $0x0;
	s22 =	smul.u32 $0x1400, s10  }
0x7: {  	s4 =	sadd.s32 $0x1200, s0;
	s9 =	ssub.s32 $0x8C, s10;
	s26 =	smul.u32 $0xA0, s10  }
0x8: {  	s11 =	sadd.s32 $0x9C40, s3;
	s20 =	sshll.u32 s10, $0x4;
	s6 =	smul.u32 $0x4E20, s5  }
0x9: {  	[smem:$0x7FF] =	sst s2;
	s16 =	ssub.s32 $0x2, s5;
	s17 =	sshrl.u32 s9, $0x4  }
0xa: {  	s21 =	sor.u32 $0x9C00, s20;
	_ =	strace $0x80000047;
	[dreg:$0x4] =	wrdreg s17  }
0xb: {  	s7 =	sshll.u32 s5, $0x4;
	s23 =	sshll.u32 s5, $0x8;
	[dreg:$0xc] =	wrdreg s21  }
0xc: {  	s8 =	sshrl.u32 s16, $0x1;
	s7 =	sor.u32 s10, s7;
	[dreg:$0x11] =	wrdreg s26  }
0xd: {  	s25 =	sshrl.u32 s22, $0x2;
	s22 =	simm.s32 $0x200;
	[dreg:$0x7] =	wrdreg s11  }
0xe: {  	s26 =	simm.s32 $0x100;
	s10 =	simm.s32 $0x9;
	s17 =	simm.s32 $0x0  }
0xf: {  	s0 =	sadd.s32 s6, s0;
	s6 =	ssub.s32 s16, s8;
	s18 =	sshll.u32 s7, $0x4  }
0x10: {  	s5 =	sadd.s32 s25, s1;
	p0 =	sgt.u32 s7, $0x3;
	s7 =	simm.s32 $0xC00  }
0x11: {  	s16 =	simm.s32 $0x3;
	s19 =	sadd.s32 s3, s18;
	[dreg:$0x5] =	wrdreg s18  }
0x12: {  	s12 =	sor.u32 $0x200, s18;
	s9 =	sor.u32 $0x400, s18;
	[dreg:$0xf] =	wrdreg s5  }
0x13: {  	s15 =	sadd.s32 $0x6200, s0;
	s24 =	smax.u32 s6, $0x1;
	[dreg:$0x6] =	wrdreg s19  }
0x14: {  	s0 =	sor.u32 s20, s23;
	s6 =	simm.s32 $0xC;
	[dreg:$0x8] =	wrdreg s12  }
0x15: {  	s5 =	simm.s32 $0x8;
	s12 =	sadd.s32 s3, s12;
	[dreg:$0xa] =	wrdreg s9  }
0x16: {  	s9 =	sadd.s32 s3, s9;
	[dreg:$0xe] =	wrdreg s24;
	s24 =	simm.s32 $0x280  }
0x17: {  	s0 =	sadd.s32 s11, s0;
	s11 =	simm.s32 $0x7;
	[dreg:$0x9] =	wrdreg s12  }
0x18: {  	s19 =	simm.s32 $0x4;
	[dreg:$0xb] =	wrdreg s9;
	s12 =	sadd.s32 s3, s21  }
0x19: {  	s3 =	sadd.s32 s23, s3;
	s21 =	simm.s32 $0xD;
	s23 =	simm.s32 $0x80  }
0x1a: {  	[dreg:$0x12] =	wrdreg s0;
	s0 =	simm.s32 $0x2;
	s9 =	simm.s32 $0xB  }
0x1b: {  	[dreg:$0xd] =	wrdreg s12;
	s3 =	sadd.s32 s20, s3;
	s20 =	simm.s32 $0x1400  }
0x1c: {  	v0 =	vimm.f32 $0.0e+00;
	s12 =	simm.s32 $0x180;
	[dreg:$0x10] =	wrdreg s3;
	s3 =	simm.s32 $0x6  }
.LBB2_1:
0x1d: {  	[dreg:$0x13] =	wrdreg s17;
	s8 =	simm.s32 $0x40;
	s17 =	simm.s32 $0x0  }
.LBB2_2:
0x1e: {  	p1 =	sne.s32 s8, $0x13C0;
	[tilespmem:s17+$0x1400] =	vst v0;
	s17 =	smov.u32 s8;
	s8 =	sadd.s32 $0x40, s8  }
.Ltmp0:
0x1f: {  	(pc) =	sbr.rel @p1 .LBB2_2-.Ltmp0, $2  }
0x20: {  	_ =	sdelay $0x2  }
0x21: {  	s17 =	sshra.s32 s17, $0x2  }
0x22: {  	s8 =	rddreg [dreg:$0x4]  }
0x23: {  	p1 =	sne.s32 s8, $0x1  }
.Ltmp1:
0x24: {  	_ = 	snop;
	(pc) =	sbr.rel @!p1 .LBB2_5-.Ltmp1, $4  }
0x25: {  	[tilespmem:s17+$0x1400] =	vst v0;
	s17 =	rddreg [dreg:$0xf]  }
0x26: {  	[spmem:s17] =	stream.linear.scatter [tilespmem:s20], [sflag:$0xD], $0x500, $0x38;
	[tilespmem:$0x4010] =	vst v63  }
0x27: {  	_ =	swait.ge [sflag:s21], $0x500  }
0x28: {  	s8 =	sadd.s32 $0xFFFFFFFF, s8;
	[sflag:s21] =	ssyncset.done $0x0  }
.LBB2_4:
0x29: {  	p2 =	sne.s32 s8, $0x1;
	[sflag:s21] =	ssyncadd.s32 $0xFFFFFB00;
	s17 =	sadd.s32 $0x5000, s17  }
.Ltmp2:
0x2a: {  	s8 =	sadd.s32 $0xFFFFFFFF, s8;
	(pc) =	sbr.rel @p2 .LBB2_4-.Ltmp2, $4  }
0x2b: {  	_ = 	snop  }
0x2c: {  	[spmem:s17] =	stream.linear.scatter [tilespmem:s20], [sflag:$0xD], $0x500, $0x38;
	[tilespmem:$0x4010] =	vst v63  }
0x2d: {  	_ =	swait.ge [sflag:s21], $0x500  }
0x2e: {  	[sflag:s21] =	ssyncset.done $0x0  }
.LBB2_5:
0x2f: {  	[sflag:s21] =	ssyncadd.s32 $0xFFFFFB00  }
0x30: {  	[bflag:$0x0] =	sbarrier.arrive $0xFFFF  }
0x31: {  	s8 =	rddreg [dreg:$0x6]  }
0x32: {  	s25 =	rddreg [dreg:$0x5]  }
0x33: {  	s17 =	simm.s32 $0x0;
	s18 =	rddreg [dreg:$0x7]  }
0x34: {  	[tilespmem:s17], [sflag:$0x1] =	stream.linear.gather [hbm4b:s8+s17], $0x80, $0x38;
	[tilespmem:$0x4010] =	vst v63  }
0x35: {  	s8 =	sadd.s32 s25, s18  }
0x36: {  	[tilespmem:s22], [sflag:$0x5] =	stream.linear.gather [hbm4b:s8+s17], $0x80, $0x38;
	[tilespmem:$0x4010] =	vst v63  }
0x37: {  	s25 =	rddreg [dreg:$0x9]  }
0x38: {  	[tilespmem:s23], [sflag:$0x2] =	stream.linear.gather [hbm4b:s25+s17], $0x80, $0x38;
	[tilespmem:$0x4010] =	vst v63  }
0x39: {  	s25 =	rddreg [dreg:$0x8]  }
0x3a: {  	s8 =	sadd.s32 s25, s18  }
0x3b: {  	[tilespmem:s24], [sflag:$0x6] =	stream.linear.gather [hbm4b:s8+s17], $0x80, $0x38;
	[tilespmem:$0x4010] =	vst v63  }
0x3c: {  	s25 =	rddreg [dreg:$0xb]  }
0x3d: {  	[tilespmem:s26], [sflag:$0x3] =	stream.linear.gather [hbm4b:s25+s17], $0x80, $0x38;
	[tilespmem:$0x4010] =	vst v63  }
0x3e: {  	s25 =	rddreg [dreg:$0xa]  }
0x3f: {  	s8 =	sadd.s32 s25, s18  }
0x40: {  	[tilespmem:s28], [sflag:$0x7] =	stream.linear.gather [hbm4b:s8+s17], $0x80, $0x38;
	[tilespmem:$0x4010] =	vst v63  }
0x41: {  	_ =	swait.ge [sflag:s29], $0x80  }
0x42: {  	[sflag:s29] =	ssyncset.done $0x0  }
0x43: {  	[sflag:s29] =	ssyncadd.s32 $0xFFFFFF80  }
0x44: {  	_ =	swait.ge [sflag:s30], $0x80  }
0x45: {  	[sflag:s30] =	ssyncset.done $0x0  }
0x46: {  	[sflag:s30] =	ssyncadd.s32 $0xFFFFFF80  }
0x47: {  	[tilespmem:s31], [sflag:$0x9] =	stream.indirect.gather [hbm4b:s4+s23], $0x10, s17, s23, $0xb8;
	[tilespmem:$0x4010] =	vst v63  }
.LBB2_6:
0x48: {  	p2 =	seq.s32 s17, $0x0  }
0x49: {  	s8 =	simm.s32 @!p2 $0xC  }
0x4a: {  	_ =	swait.ge @!p2 [sflag:s8], $0x800  }
0x4b: {  	[sflag:s8] =	ssyncset.done @!p2 $0x0  }
0x4c: {  	[sflag:s8] =	ssyncadd.s32 @!p2 $0xFFFFF800  }
0x4d: {  	_ =	swait.ge [sflag:s0], $0x80  }
0x4e: {  	[sflag:s0] =	ssyncset.done $0x0  }
0x4f: {  	[sflag:s0] =	ssyncadd.s32 $0xFFFFFF80  }
0x50: {  	_ =	swait.ge [sflag:s3], $0x80  }
0x51: {  	[sflag:s3] =	ssyncset.done $0x0  }
0x52: {  	[sflag:s3] =	ssyncadd.s32 $0xFFFFFF80  }
0x53: {  	[tilespmem:s7], [sflag:$0xA] =	stream.indirect.gather [hbm4b:s4+s23], $0x10, s23, s23, $0xb8;
	[tilespmem:$0x4010] =	vst v63  }
0x54: {  	_ =	swait.ge [sflag:s10], $0x800  }
0x55: {  	s18 =	rddreg [dreg:$0x10]  }
0x56: {  	[sflag:s10] =	ssyncset.done $0x0;
	s8 =	sadd.s32 s17, s18  }
0x57: {  	s25 =	rddreg [dreg:$0x12];
	[sflag:s10] =	ssyncadd.s32 $0xFFFFF800;
	s18 =	sadd.s32 $0x600, s8  }
0x58: {  	[tilespmem:s12], [sflag:$0x4] =	stream.linear.gather [hbm4b:s18+s2], $0x80, $0x38;
	[tilespmem:$0x4010] =	vst v63  }
0x59: {  	s18 =	sadd.s32 s17, s25  }
0x5a: {  	s25 =	sadd.s32 $0x600, s18  }
0x5b: {  	[tilespmem:s14], [sflag:$0x8] =	stream.linear.gather [hbm4b:s25+s2], $0x80, $0x38;
	[tilespmem:$0x4010] =	vst v63  }
0x5c: {  	_ = 	snop  }
0x5d: {  	[spmem:s1] =	stream.indirect.scatter.add.f32 [tilespmem:s31], [sflag:$0xB], $0x10, s22, s23, $0xb8;
	[tilespmem:$0x4010] =	vst v63  }
0x5e: {  	_ =	swait.ge [sflag:s9], $0x800  }
0x5f: {  	[sflag:s9] =	ssyncset.done $0x0  }
0x60: {  	[sflag:s9] =	ssyncadd.s32 $0xFFFFF800  }
0x61: {  	_ =	swait.ge [sflag:s16], $0x80  }
0x62: {  	[sflag:s16] =	ssyncset.done $0x0  }
0x63: {  	[sflag:s16] =	ssyncadd.s32 $0xFFFFFF80  }
0x64: {  	_ =	swait.ge [sflag:s11], $0x80  }
0x65: {  	[sflag:s11] =	ssyncset.done $0x0  }
0x66: {  	[sflag:s11] =	ssyncadd.s32 $0xFFFFFF80  }
0x67: {  	[tilespmem:s31], [sflag:$0x9] =	stream.indirect.gather [hbm4b:s4+s23], $0x10, s26, s23, $0xb8;
	[tilespmem:$0x4010] =	vst v63  }
0x68: {  	_ =	swait.ge [sflag:s13], $0x800  }
0x69: {  	[sflag:s13] =	ssyncset.done $0x0  }
0x6a: {  	s25 =	sadd.s32 $0x800, s8;
	[sflag:s13] =	ssyncadd.s32 $0xFFFFF800  }
0x6b: {  	[tilespmem:s2], [sflag:$0x1] =	stream.linear.gather [hbm4b:s25+s2], $0x80, $0x38;
	[tilespmem:$0x4010] =	vst v63  }
0x6c: {  	s25 =	sadd.s32 $0x800, s18  }
0x6d: {  	[tilespmem:s22], [sflag:$0x5] =	stream.linear.gather [hbm4b:s25+s2], $0x80, $0x38;
	[tilespmem:$0x4010] =	vst v63  }
0x6e: {  	_ = 	snop  }
0x6f: {  	[spmem:s1] =	stream.indirect.scatter.add.f32 [tilespmem:s7], [sflag:$0xC], $0x10, s24, s23, $0xb8;
	[tilespmem:$0x4010] =	vst v63  }
0x70: {  	_ =	swait.ge [sflag:s6], $0x800  }
0x71: {  	[sflag:s6] =	ssyncset.done $0x0  }
0x72: {  	[sflag:s6] =	ssyncadd.s32 $0xFFFFF800  }
0x73: {  	_ =	swait.ge [sflag:s19], $0x80  }
0x74: {  	[sflag:s19] =	ssyncset.done $0x0  }
0x75: {  	[sflag:s19] =	ssyncadd.s32 $0xFFFFFF80  }
0x76: {  	_ =	swait.ge [sflag:s5], $0x80  }
0x77: {  	[sflag:s5] =	ssyncset.done $0x0  }
0x78: {  	[sflag:s5] =	ssyncadd.s32 $0xFFFFFF80  }
0x79: {  	[tilespmem:s7], [sflag:$0xA] =	stream.indirect.gather [hbm4b:s4+s23], $0x10, s12, s23, $0xb8;
	[tilespmem:$0x4010] =	vst v63  }
0x7a: {  	_ =	swait.ge [sflag:s10], $0x800  }
0x7b: {  	[sflag:s10] =	ssyncset.done $0x0  }
0x7c: {  	s25 =	sadd.s32 $0xA00, s8;
	[sflag:s10] =	ssyncadd.s32 $0xFFFFF800  }
0x7d: {  	[tilespmem:s23], [sflag:$0x2] =	stream.linear.gather [hbm4b:s25+s2], $0x80, $0x38;
	[tilespmem:$0x4010] =	vst v63  }
0x7e: {  	s25 =	sadd.s32 $0xA00, s18  }
0x7f: {  	[tilespmem:s24], [sflag:$0x6] =	stream.linear.gather [hbm4b:s25+s2], $0x80, $0x38;
	[tilespmem:$0x4010] =	vst v63  }
0x80: {  	_ = 	snop  }
0x81: {  	[spmem:s1] =	stream.indirect.scatter.add.f32 [tilespmem:s31], [sflag:$0xB], $0x10, s28, s23, $0xb8;
	[tilespmem:$0x4010] =	vst v63  }
0x82: {  	_ =	swait.ge [sflag:s9], $0x800  }
0x83: {  	[sflag:s9] =	ssyncset.done $0x0  }
0x84: {  	[sflag:s9] =	ssyncadd.s32 $0xFFFFF800  }
0x85: {  	_ =	swait.ge [sflag:s29], $0x80  }
0x86: {  	[sflag:s29] =	ssyncset.done $0x0  }
0x87: {  	[sflag:s29] =	ssyncadd.s32 $0xFFFFFF80  }
0x88: {  	_ =	swait.ge [sflag:s30], $0x80  }
0x89: {  	p2 =	seq.s32 s17, $0x9000;
	[sflag:s30] =	ssyncset.done $0x0  }
.Ltmp3:
0x8a: {  	[sflag:s30] =	ssyncadd.s32 $0xFFFFFF80;
	(pc) =	sbr.rel @p2 .LBB2_8-.Ltmp3, $4  }
0x8b: {  	[tilespmem:s31], [sflag:$0x9] =	stream.indirect.gather [hbm4b:s4+s23], $0x10, s2, s23, $0xb8;
	[tilespmem:$0x4010] =	vst v63  }
0x8c: {  	_ =	swait.ge [sflag:s13], $0x800  }
0x8d: {  	[sflag:s13] =	ssyncset.done $0x0  }
0x8e: {  	[sflag:s13] =	ssyncadd.s32 $0xFFFFF800  }
0x8f: {  	s8 =	sadd.s32 $0xC00, s8  }
0x90: {  	[tilespmem:s26], [sflag:$0x3] =	stream.linear.gather [hbm4b:s8+s2], $0x80, $0x38;
	[tilespmem:$0x4010] =	vst v63  }
.Ltmp4:
0x91: {  	_ = 	snop;
	(pc) =	sbr.rel .LBB2_6-.Ltmp4, $4  }
0x92: {  	s25 =	sadd.s32 $0xC00, s18  }
0x93: {  	[tilespmem:s28], [sflag:$0x7] =	stream.linear.gather [hbm4b:s25+s2], $0x80, $0x38;
	[tilespmem:$0x4010] =	vst v63  }
0x94: {  	s17 =	sadd.s32 $0x800, s17  }
0x95: {  	[spmem:s1] =	stream.indirect.scatter.add.f32 [tilespmem:s7], [sflag:$0xC], $0x10, s14, s23, $0xb8;
	[tilespmem:$0x4010] =	vst v63  }
.LBB2_8:
0x96: {  	[spmem:s1] =	stream.indirect.scatter.add.f32 [tilespmem:s7], [sflag:$0xC], $0x10, s14, s23, $0xb8;
	[tilespmem:$0x4010] =	vst v63  }
0x97: {  	_ =	swait.ge [sflag:s6], $0x800  }
0x98: {  	[sflag:s6] =	ssyncset.done $0x0  }
0x99: {  	[sflag:s6] =	ssyncadd.s32 $0xFFFFF800  }
0x9a: {  	_ =	swait.ge [sflag:s0], $0x80  }
0x9b: {  	[sflag:s0] =	ssyncset.done $0x0  }
0x9c: {  	[sflag:s0] =	ssyncadd.s32 $0xFFFFFF80  }
0x9d: {  	_ =	swait.ge [sflag:s3], $0x80  }
0x9e: {  	[sflag:s3] =	ssyncset.done $0x0  }
0x9f: {  	[sflag:s3] =	ssyncadd.s32 $0xFFFFFF80  }
0xa0: {  	[tilespmem:s7], [sflag:$0xA] =	stream.indirect.gather [hbm4b:s4+s23], $0x10, s23, s23, $0xb8;
	[tilespmem:$0x4010] =	vst v63  }
0xa1: {  	_ =	swait.ge [sflag:s10], $0x800  }
0xa2: {  	[sflag:s10] =	ssyncset.done $0x0  }
0xa3: {  	[sflag:s10] =	ssyncadd.s32 $0xFFFFF800  }
0xa4: {  	[spmem:s1] =	stream.indirect.scatter.add.f32 [tilespmem:s31], [sflag:$0xB], $0x10, s22, s23, $0xb8;
	[tilespmem:$0x4010] =	vst v63  }
0xa5: {  	_ =	swait.ge [sflag:s9], $0x800  }
0xa6: {  	[sflag:s9] =	ssyncset.done $0x0  }
0xa7: {  	[sflag:s9] =	ssyncadd.s32 $0xFFFFF800  }
0xa8: {  	_ =	swait.ge [sflag:s13], $0x800  }
0xa9: {  	[sflag:s13] =	ssyncset.done $0x0  }
0xaa: {  	[sflag:s13] =	ssyncadd.s32 $0xFFFFF800  }
0xab: {  	[spmem:s1] =	stream.indirect.scatter.add.f32 [tilespmem:s7], [sflag:$0xC], $0x10, s24, s23, $0xb8;
	[tilespmem:$0x4010] =	vst v63  }
0xac: {  	_ =	swait.ge [sflag:s6], $0x800  }
0xad: {  	[sflag:s6] =	ssyncset.done $0x0;
	s17 =	rddreg [dreg:$0xd]  }
0xae: {  	s8 =	simm.s32 @!p0 $0x0;
	s18 =	rddreg [dreg:$0xc];
	[sflag:s6] =	ssyncadd.s32 $0xFFFFF800  }
0xaf: {  	[tilespmem:s8], [sflag:$0x1] =	stream.linear.gather @!p0 [hbm4b:s17+s8], $0x80, $0x38;
	[tilespmem:$0x4010] =	vst v63  }
0xb0: {  	s17 =	rddreg [dreg:$0x7]  }
0xb1: {  	s17 =	sadd.s32 @!p0 s18, s17;
	s18 =	simm.s32 @!p0 $0x200  }
0xb2: {  	[tilespmem:s18], [sflag:$0x5] =	stream.linear.gather @!p0 [hbm4b:s17+s8], $0x80, $0x38;
	[tilespmem:$0x4010] =	vst v63  }
0xb3: {  	s17 =	simm.s32 @!p0 $0x1  }
0xb4: {  	_ =	swait.ge @!p0 [sflag:s17], $0x80  }
0xb5: {  	[sflag:s17] =	ssyncset.done @!p0 $0x0  }
0xb6: {  	[sflag:s17] =	ssyncadd.s32 @!p0 $0xFFFFFF80;
	s17 =	simm.s32 @!p0 $0x5  }
0xb7: {  	_ =	swait.ge @!p0 [sflag:s17], $0x80  }
0xb8: {  	[sflag:s17] =	ssyncset.done @!p0 $0x0  }
0xb9: {  	s25 =	simm.s32 @!p0 $0x400;
	[sflag:s17] =	ssyncadd.s32 @!p0 $0xFFFFFF80;
	s17 =	simm.s32 @!p0 $0x80  }
0xba: {  	[tilespmem:s25], [sflag:$0x9] =	stream.indirect.gather @!p0 [hbm4b:s4+s17], $0x10, s8, s17, $0xb8;
	[tilespmem:$0x4010] =	vst v63  }
0xbb: {  	s8 =	simm.s32 @!p0 $0x9  }
0xbc: {  	_ =	swait.ge @!p0 [sflag:s8], $0x800  }
0xbd: {  	[sflag:s8] =	ssyncset.done @!p0 $0x0  }
0xbe: {  	[sflag:s8] =	ssyncadd.s32 @!p0 $0xFFFFF800;
	s8 =	simm.s32 @!p0 $0xB  }
0xbf: {  	[spmem:s1] =	stream.indirect.scatter.add.f32 @!p0 [tilespmem:s25], [sflag:$0xB], $0x10, s18, s17, $0xb8;
	[tilespmem:$0x4010] =	vst v63  }
0xc0: {  	_ =	swait.ge @!p0 [sflag:s8], $0x800  }
0xc1: {  	[sflag:s8] =	ssyncset.done @!p0 $0x0  }
0xc2: {  	[sflag:s8] =	ssyncadd.s32 @!p0 $0xFFFFF800  }
0xc3: {  	[bflag:$0x0] =	sbarrier.arrive $0xFFFF  }
0xc4: {  	s18 =	rddreg [dreg:$0xf]  }
0xc5: {  	[tilespmem:s20], [sflag:$0xD] =	stream.linear.gather [spmem:s18], $0x500, $0x38;
	[tilespmem:$0x4010] =	vst v63  }
0xc6: {  	_ =	swait.ge [sflag:s21], $0x500  }
0xc7: {  	[sflag:s21] =	ssyncset.done $0x0;
	s17 =	rddreg [dreg:$0x11]  }
.Ltmp5:
0xc8: {  	[sflag:s21] =	ssyncadd.s32 $0xFFFFFB00;
	s25 =	sadd.s32 s17, s15;
	(pc) =	sbr.rel @!p1 .LBB2_10-.Ltmp5, $4  }
0xc9: {  	[hbm4b:s25+s2] =	stream.linear.scatter [tilespmem:s20], [sflag:$0xD], $0x500, $0x38;
	[tilespmem:$0x4010] =	vst v63  }
0xca: {  	_ =	swait.ge [sflag:s21], $0x500  }
0xcb: {  	s25 =	rddreg [dreg:$0x4]  }
0xcc: {  	[sflag:s21] =	ssyncset.done $0x0;
	s8 =	sadd.s32 $0xFFFFFFFF, s25  }
.LBB2_9:
0xcd: {  	[sflag:s21] =	ssyncadd.s32 $0xFFFFFB00;
	s17 =	sadd.s32 $0xA00, s17;
	s18 =	sadd.s32 $0x5000, s18  }
0xce: {  	[tilespmem:s20], [sflag:$0xD] =	stream.linear.gather [spmem:s18], $0x500, $0x38;
	[tilespmem:$0x4010] =	vst v63  }
0xcf: {  	p1 =	sne.s32 s8, $0x1;
	s8 =	sadd.s32 $0xFFFFFFFF, s8;
	_ =	swait.ge [sflag:s21], $0x500  }
.Ltmp6:
0xd0: {  	[sflag:s21] =	ssyncset.done $0x0;
	(pc) =	sbr.rel @p1 .LBB2_9-.Ltmp6, $4  }
0xd1: {  	s25 =	sadd.s32 s17, s15;
	[sflag:s21] =	ssyncadd.s32 $0xFFFFFB00  }
0xd2: {  	[hbm4b:s25+s2] =	stream.linear.scatter [tilespmem:s20], [sflag:$0xD], $0x500, $0x38;
	[tilespmem:$0x4010] =	vst v63  }
0xd3: {  	_ =	swait.ge [sflag:s21], $0x500  }
0xd4: {  	[sflag:s21] =	ssyncset.done $0x0  }
.LBB2_10:
0xd5: {  	s17 =	rddreg [dreg:$0x13]  }
0xd6: {  	s8 =	rddreg [dreg:$0xe];
	s17 =	sadd.s32 $0x1, s17  }
0xd7: {  	p1 =	sne.s32 s17, s8  }
.Ltmp7:
0xd8: {  	_ = 	snop;
	(pc) =	sbr.rel @p1 .LBB2_1-.Ltmp7, $2  }
0xd9: {  	_ =	sdelay $0x2  }
0xda: {  	[sflag:s21] =	ssyncadd.s32 $0xFFFFFB00  }
0xdb: {  	_ =	sfence.sel $0x180000  }
0xdc: {  	[bflag:$0x0] =	sbarrier.arrive $0xFFFF  }
0xdd: {  	_ =	strace $0x90000047  }
0xde: {  	s0 =	stileid.u32;
	[bflag:$0x2] =	sbarrier.arrive $0xFFFF  }
0xdf: {  	p0 =	sne.s32 s0, $0x0;
	s0 =	rddreg [dreg:$0x3]  }
0xe0: {  	s0 =	sadd.s32 @!p0 $0x100000, s0  }
0xe1: {  	[sflag:s0] =	ssyncadd.tile.s32 @!p0 $0x1;
	_ =	shalt  }
.Lfunc_end2:
_tile_overlayer_lowered:
.L_overlay_start_2:
0xe2: {  	(tag) =	ssettag $0x2  }
0xe3: {  	s0 =	rddreg [dreg:$0x0];
	s2 =	stileid.u32  }
0xe4: {  	s1 =	rddreg [dreg:$0x1];
	p0 =	sne.s32 s2, $0x0  }
0xe5: {  	s3 =	rddreg [dreg:$0x2];
	[bflag:$0x3] =	sbarrier.arrive $0xFFFF;
	s2 =	simm.s32 @!p0 $0x1C0D  }
0xe6: {  	[timem:s3], [sflag:s2] =	dma.local @!p0 [hbm:s0], s1  }
0xe7: {  	s0 =	simm.s32 @!p0 $0xD  }
0xe8: {  	_ =	swait.ge @!p0 [sflag:s0], s1  }
0xe9: {  	s1 =	ssub.s32 @!p0 $0x0, s1;
	[sflag:s0] =	ssyncset.done @!p0 $0x0  }
0xea: {  	[sflag:s0] =	ssyncadd.s32 @!p0 s1  }
0xeb: {  	[bflag:$0x3] =	sbarrier.arrive $0xFFFF  }
0xec: {  	_ =	shalt  }

// kernel: kernel.9.cloned.1.call-start
scs
__scs_entry_jumppad:
0x0: {  	(pc) =	sbr.rel $0x88, $3  }
0x1: {  	(tag) =	ssettag $0x0;
	lr =	simm.s32 $0x1  }
0x2: {  	[smem:$0x3F9B] =	sst lr;
	_ =	strace $0xD0000000  }
0x3: {  	_ = 	snop  }
0x4: {  	_ = 	snop  }
0x5: {  	_ = 	snop  }
0x6: {  	_ = 	snop  }
0x7: {  	_ = 	snop  }
__scs_overlays_trampoline_lowered:
0x8: {  	[smem:$0x3FAA] =	sst s0  }
0x9: {  	[smem:$0x3FAB] =	sst s1  }
0xa: {  	[smem:$0x3FAC] =	sst s2  }
0xb: {  	[smem:$0x3FAD] =	sst s3  }
0xc: {  	[smem:$0x3FAE] =	sst s4  }
0xd: {  	[smem:$0x3FAF] =	sst s5  }
0xe: {  	[smem:$0x3FB0] =	sst s6  }
0xf: {  	[smem:$0x3FB1] =	sst s7  }
0x10: {  	[smem:$0x3FB2] =	sst s8  }
0x11: {  	[smem:$0x3FB3] =	sst s9;
	s0 =	simm.s32 @!p0 $0x0  }
0x12: {  	s1 =	sld [smem:$0x3F99];
	s0 =	simm.s32 @p0 $0x1  }
0x13: {  	[smem:$0x3FB4] =	sst s0;
	s0 =	simm.s32 @!p1 $0x0  }
0x14: {  	s2 =	sld [smem:$0x3F98];
	s0 =	simm.s32 @p1 $0x1  }
0x15: {  	[smem:$0x3FB5] =	sst s0;
	s0 =	simm.s32 @!p2 $0x0  }
0x16: {  	s3 =	sld [smem:$0x3FDB];
	s0 =	simm.s32 @p2 $0x1  }
0x17: {  	s4 =	simm.s32 $0x1BF5;
	[smem:$0x3FB7] =	sst s0  }
0x18: {  	s0 =	sld [smem:$0x3F9A];
	_ =	swait.ge [sflag:s4], $0x0  }
0x19: {  	s7 =	sld [smem:$0x3F9B]  }
0x1a: {  	s8 =	sadd.s32 $0xFFFFE003, lr  }
0x1b: {  	s9 =	sadd.s32 $0xFFFFFEF7, lr;
	s5 =	simm.s32 $0xFFFFFFFF;
	p2 =	slt.u32 s8, $0xFFFFF086  }
0x1c: {  	p1 =	slt.u32 s9, $0xF7A;
	s5 =	simm.s32 @!p2 $0x0  }
0x1d: {  	s5 =	simm.s32 @p1 $0x1;
	p0 =	seq.s32 s7, s2  }
0x1e: {  	s7 =	smul.u32 @!p0 $0xF7A, s2;
	p2 =	seq.s32 @!p0 s5, $0x0  }
0x1f: {  	s9 =	smul.u32 $0xF7A, s1;
	s8 =	simm.s32 @!p0 $0x1BF5;
	p2 =	por !p2, p0  }
0x20: {  	[sflag:s8] =	ssyncset.s32 @!p0 $0xFFFFF086;
	s6 =	sadd.s32 @!p0 s3, s7;
	s7 =	simm.s32 @!p0 $0x108  }
0x21: {  	s3 =	sadd.s32 s3, s9;
	s6 =	sadd.s32 @!p0 $0x88, s6;
	s7 =	simm.s32 @p2 $0x1082  }
0x22: {  	[simem:s7], [sflag:s8] =	dma.local @!p0 [hbm:s6], $0xF7A  }
0x23: {  	s9 =	sor.u32 $0xD0000000, s2;
	s6 =	simm.s32 $0x108;
	_ =	swait.ge @!p0 [sflag:s8], $0x0  }
0x24: {  	s3 =	sadd.s32 $0x88, s3;
	s6 =	simm.s32 @!p1 $0x1082;
	[sflag:s4] =	ssyncset.s32 $0xFFFFF086  }
0x25: {  	[simem:s6], [sflag:s4] =	dma.local [hbm:s3], $0xF7A  }
0x26: {  	[smem:$0x3F9B] =	sst s1;
	(tag) =	ssettag s2;
	_ =	strace s9  }
0x27: {  	s1 =	sld [smem:$0x3FAB]  }
0x28: {  	s2 =	sld [smem:$0x3FAC]  }
0x29: {  	s4 =	sld [smem:$0x3FAE]  }
0x2a: {  	p0 =	seq.s32 s5, $0x0;
	s5 =	sld [smem:$0x3FAF]  }
0x2b: {  	s6 =	sld [smem:$0x3FB0]  }
0x2c: {  	s7 =	sld [smem:$0x3FB1]  }
0x2d: {  	s3 =	simm.s32 $0x108;
	s8 =	sld [smem:$0x3FB2]  }
0x2e: {  	s3 =	simm.s32 @!p0 $0x1082;
	s9 =	sld [smem:$0x3FB3]  }
0x2f: {  	lr =	sadd.s32 s0, s3;
	s0 =	sld [smem:$0x3FAA]  }
0x30: {  	s3 =	sld [smem:$0x3FAD]  }
0x31: {  	[smem:$0x3FB6] =	sst s10  }
0x32: {  	s10 =	sld [smem:$0x3FB4];
	_ =	sdelay $0x3  }
0x33: {  	p0 =	seq.s32 s10, $0x1;
	s10 =	sld [smem:$0x3FB6];
	_ =	sdelay $0x3  }
0x34: {  	[smem:$0x3FB6] =	sst s10  }
0x35: {  	s10 =	sld [smem:$0x3FB5];
	_ =	sdelay $0x3  }
0x36: {  	p1 =	seq.s32 s10, $0x1;
	s10 =	sld [smem:$0x3FB6];
	_ =	sdelay $0x3  }
0x37: {  	[smem:$0x3FB6] =	sst s10  }
0x38: {  	s10 =	sld [smem:$0x3FB7]  }
0x39: {  	_ = 	snop;
	(pc) =	sbr.ind lr, $3  }
0x3a: {  	_ = 	snop  }
0x3b: {  	_ = 	snop  }
0x3c: {  	p2 =	seq.s32 s10, $0x1;
	s10 =	sld [smem:$0x3FB6]  }
0x3d: {  	_ =	shalt  }
0x3e: {  	_ =	shalt  }
0x3f: {  	_ =	shalt  }
0x40: {  	_ =	shalt  }
0x41: {  	_ =	shalt  }
0x42: {  	_ =	shalt  }
0x43: {  	_ =	shalt  }
0x44: {  	_ =	shalt  }
0x45: {  	_ =	shalt  }
0x46: {  	_ =	shalt  }
0x47: {  	_ =	shalt  }
0x48: {  	_ =	shalt  }
0x49: {  	_ =	shalt  }
0x4a: {  	_ =	shalt  }
0x4b: {  	_ =	shalt  }
0x4c: {  	_ =	shalt  }
0x4d: {  	_ =	shalt  }
0x4e: {  	_ =	shalt  }
0x4f: {  	_ =	shalt  }
0x50: {  	_ =	shalt  }
0x51: {  	_ =	shalt  }
0x52: {  	_ =	shalt  }
0x53: {  	_ =	shalt  }
0x54: {  	_ =	shalt  }
0x55: {  	_ =	shalt  }
0x56: {  	_ =	shalt  }
0x57: {  	_ =	shalt  }
0x58: {  	_ =	shalt  }
0x59: {  	_ =	shalt  }
0x5a: {  	_ =	shalt  }
0x5b: {  	_ =	shalt  }
0x5c: {  	_ =	shalt  }
0x5d: {  	_ =	shalt  }
0x5e: {  	_ =	shalt  }
0x5f: {  	_ =	shalt  }
0x60: {  	_ =	shalt  }
0x61: {  	_ =	shalt  }
0x62: {  	_ =	shalt  }
0x63: {  	_ =	shalt  }
0x64: {  	_ =	shalt  }
0x65: {  	_ =	shalt  }
0x66: {  	_ =	shalt  }
0x67: {  	_ =	shalt  }
0x68: {  	_ =	shalt  }
0x69: {  	_ =	shalt  }
0x6a: {  	_ =	shalt  }
0x6b: {  	_ =	shalt  }
0x6c: {  	_ =	shalt  }
0x6d: {  	_ =	shalt  }
0x6e: {  	_ =	shalt  }
0x6f: {  	_ =	shalt  }
0x70: {  	_ =	shalt  }
0x71: {  	_ =	shalt  }
0x72: {  	_ =	shalt  }
0x73: {  	_ =	shalt  }
0x74: {  	_ =	shalt  }
0x75: {  	_ =	shalt  }
0x76: {  	_ =	shalt  }
0x77: {  	_ =	shalt  }
0x78: {  	_ =	shalt  }
0x79: {  	_ =	shalt  }
0x7a: {  	_ =	shalt  }
0x7b: {  	_ =	shalt  }
0x7c: {  	_ =	shalt  }
0x7d: {  	_ =	shalt  }
0x7e: {  	_ =	shalt  }
0x7f: {  	_ =	shalt  }
0x80: {  	_ =	shalt  }
0x81: {  	_ =	shalt  }
0x82: {  	_ =	shalt  }
0x83: {  	_ =	shalt  }
0x84: {  	_ =	shalt  }
0x85: {  	_ =	shalt  }
0x86: {  	_ =	shalt  }
0x87: {  	_ =	shalt  }
.Lfunc_end0:
.L_simem_size_0:
called_computation.1_lowered:
.L_overlay_start_0:
0x88: {  	s2 =	sld [smem:$0x3FD9]  }
0x89: {  	s3 =	sld [smem:$0x3FFE];
	_ =	sdelay $0x1  }
0x8a: {  	s1 =	srdreg.scid  }
0x8b: {  	s0 =	sand.u32 $0x1, s1  }
0x8c: {  	s17 =	sshll.u32 s0, $0xA;
	s2 =	sadd.s32 s3, s2  }
0x8d: {  	s2 =	sadd.s32 s2, s17  }
0x8e: {  	[smem:$0x3FC2] =	sst s2  }
0x8f: {  	_ = 	snop  }
0x90: {  	s2 =	sld [smem:$0x3FD0];
	(tm) =	ssettm $0x1  }
0x91: {  	s18 =	sld [smem:$0x3FFB];
	_ =	sdelay $0x3  }
0x92: {  	_ =	strace s18  }
0x93: {  	s3 =	sld [smem:$0x3FFC];
	_ =	sdelay $0x3  }
0x94: {  	_ =	strace s3  }
0x95: {  	s3 =	sld [smem:$0x3FFD];
	_ =	sdelay $0x3  }
0x96: {  	_ =	strace s3  }
0x97: {  	_ =	strace $0x8FFFFFFF  }
0x98: {  	s19 =	sld [smem:$0x3FDB];
	_ =	sdelay $0x1  }
0x99: {  	s4 =	simm.s32 $_scs_section_size  }
0x9a: {  	s5 =	simm.s32 $_size__tile_overlayer_lowered;
	s6 =	simm.s32 $_tile_overlayer_lowered  }
0x9b: {  	s22 =	simm.s32 $0x1BFF;
	s21 =	sshll.u32 s6, $0x1;
	s3 =	sadd.s32 s4, s19  }
0x9c: {  	s7 =	simm.s32 $0x0;
	s20 =	sshll.u32 s5, $0x1;
	s5 =	sadd.s32 s21, s3  }
0x9d: {  	[timem:s7], [sflag:s22] =	dma.local [hbm:s5], s20  }
0x9e: {  	_ =	swait.ge [sflag:s22], s20  }
0x9f: {  	s4 =	ssub.s32 $0x0, s20;
	[sflag:s22] =	ssyncset.done $0x0  }
0xa0: {  	[sflag:s22] =	ssyncadd.s32 s4;
	_ =	sdelay $0x1  }
0xa1: {  	s23 =	simm.s32 $0x1B8B  }
0xa2: {  	_ =	swait.ge [sflag:s23], $0x1  }
0xa3: {  	[sflag:s23] =	ssyncset.done $0x0  }
0xa4: {  	s25 =	simm.s32 $0x1B8E;
	s24 =	sld [smem:$0x3FFE];
	[sflag:s23] =	ssyncadd.s32 $0xFFFFFFFF  }
0xa5: {  	s26 =	simm.s32 $execute0_lowered;
	[smem:$0x3FD2] =	sst s25  }
0xa6: {  	s5 =	sshll.u32 s26, $0x1;
	_ =	strace $0x80000049;
	[dreg:$0x1] =	wrdreg $0xFFFFFFFF  }
0xa7: {  	s28 =	simm.s32 $_size_execute0_lowered;
	s3 =	sadd.s32 s3, s5;
	[dreg:$0x0] =	wrdreg $0x0  }
0xa8: {  	s5 =	sshll.u32 s28, $0x1;
	[dreg:$0x2] =	wrdreg s3  }
0xa9: {  	[dreg:$0x3] =	wrdreg s5  }
0xaa: {  	[dreg:$0x4] =	wrdreg $0xC0  }
0xab: {  	_ =	task [dreg:s7], $0x5FFFF  }
0xac: {  	[dreg:$0x1] =	wrdreg $0xFFFFFFFF  }
0xad: {  	[dreg:$0x0] =	wrdreg $0x60  }
0xae: {  	[dreg:$0x2] =	wrdreg s24  }
0xaf: {  	[dreg:$0x3] =	wrdreg s2  }
0xb0: {  	[dreg:$0x4] =	wrdreg $0x58000  }
0xb1: {  	[dreg:$0x5] =	wrdreg $0x9  }
0xb2: {  	_ =	task.clear_ibuf [dreg:s7], $0x6FFFF;
	_ =	strace $0x90000049  }
0xb3: {  	s29 =	simm.s32 $0x9;
	_ =	strace $0x8000004B  }
0xb4: {  	_ =	swait.ge [sflag:s29], $0x1  }
0xb5: {  	[sflag:s29] =	ssyncadd.s32 $0xFFFFFFFF  }
0xb6: {  	_ =	strace $0x9000004B  }
0xb7: {  	_ =	sfence  }
0xb8: {  	s30 =	sld [smem:$0x0];
	_ =	sdelay $0x2  }
0xb9: {  	s31 =	sshll.u32 s1, $0xD;
	s1 =	sshrl.u32 s1, $0x2  }
0xba: {  	s3 =	sand.u32 $0x4000, s31;
	s1 =	sadd.s32 s1, s30  }
0xbb: {  	s0 =	sor.u32 s3, s0;
	s1 =	sshll.u32 s1, $0x11  }
0xbc: {  	s0 =	sor.u32 s1, s0  }
0xbd: {  	s0 =	sadd.s32 $0x8F2B, s0  }
0xbe: {  	[sflag:s0] =	ssyncadd.remote.s32 $0x1  }
0xbf: {  	_ =	sfence.sel $0xFFFF  }
0xc0: {  	[dreg:$0x0] =	wrdreg $0xFFFFFFFF;
	(pc) =	sbr.abs _section_cstart, $3  }
0xc1: {  	[dreg:$0x1] =	wrdreg $0xFFFFFFFF  }
0xc2: {  	_ =	task.clear_ibuf [dreg:s7], $0x2FFFF;
	_ =	strace $0x9FFFFFFF  }
0xc3: {  	(tm) =	ssettm $0x7FFFFFFF  }
tec
execute0_lowered:
.L_overlay_start_1:
0x0: {  	(tag) =	ssettag $0x1  }
0x1: {  	s0 =	rddreg [dreg:$0x0]  }
0x2: {  	s3 =	rddreg [dreg:$0x1];
	s2 =	srdreg.scid  }
0x3: {  	s1 =	rddreg [dreg:$0x2];
	s10 =	stileid.u32  }
0x4: {  	s28 =	simm.s32 $0x300;
	s29 =	simm.s32 $0x1;
	s30 =	simm.s32 $0x5  }
0x5: {  	s31 =	simm.s32 $0x400;
	s14 =	simm.s32 $0x380;
	s13 =	simm.s32 $0xA  }
0x6: {  	s5 =	sand.u32 $0x1, s2;
	s2 =	simm.s32 $0x0;
	s22 =	smul.u32 $0x5000, s10  }
0x7: {  	s4 =	sadd.s32 $0x1200, s0;
	s9 =	ssub.s32 $0x8C, s10;
	s26 =	smul.u32 $0x280, s10  }
0x8: {  	s11 =	sadd.s32 $0x9C40, s3;
	s20 =	sshll.u32 s10, $0x4;
	s6 =	smul.u32 $0x13880, s5  }
0x9: {  	[smem:$0x7FF] =	sst s2;
	s16 =	ssub.s32 $0x2, s5;
	s17 =	sshrl.u32 s9, $0x4  }
0xa: {  	s21 =	sor.u32 $0x9C00, s20;
	_ =	strace $0x8000004A;
	[dreg:$0x4] =	wrdreg s17  }
0xb: {  	s7 =	sshll.u32 s5, $0x4;
	s23 =	sshll.u32 s5, $0x8;
	[dreg:$0xc] =	wrdreg s21  }
0xc: {  	s8 =	sshrl.u32 s16, $0x1;
	s7 =	sor.u32 s10, s7;
	[dreg:$0x11] =	wrdreg s26  }
0xd: {  	s25 =	sshrl.u32 s22, $0x2;
	s22 =	simm.s32 $0x200;
	[dreg:$0x7] =	wrdreg s11  }
0xe: {  	s26 =	simm.s32 $0x100;
	s10 =	simm.s32 $0x9;
	s17 =	simm.s32 $0x0  }
0xf: {  	s0 =	sadd.s32 s6, s0;
	s6 =	ssub.s32 s16, s8;
	s18 =	sshll.u32 s7, $0x4  }
0x10: {  	s5 =	sadd.s32 s25, s1;
	p0 =	sgt.u32 s7, $0x3;
	s7 =	simm.s32 $0x2400  }
0x11: {  	s16 =	simm.s32 $0x3;
	s19 =	sadd.s32 s3, s18;
	[dreg:$0x5] =	wrdreg s18  }
0x12: {  	s12 =	sor.u32 $0x200, s18;
	s9 =	sor.u32 $0x400, s18;
	[dreg:$0xf] =	wrdreg s5  }
0x13: {  	s15 =	sadd.s32 $0x14C00, s0;
	s24 =	smax.u32 s6, $0x1;
	[dreg:$0x6] =	wrdreg s19  }
0x14: {  	s0 =	sor.u32 s20, s23;
	s6 =	simm.s32 $0xC;
	[dreg:$0x8] =	wrdreg s12  }
0x15: {  	s5 =	simm.s32 $0x8;
	s12 =	sadd.s32 s3, s12;
	[dreg:$0xa] =	wrdreg s9  }
0x16: {  	s9 =	sadd.s32 s3, s9;
	[dreg:$0xe] =	wrdreg s24;
	s24 =	simm.s32 $0x280  }
0x17: {  	s0 =	sadd.s32 s11, s0;
	s11 =	simm.s32 $0x7;
	[dreg:$0x9] =	wrdreg s12  }
0x18: {  	s19 =	simm.s32 $0x4;
	[dreg:$0xb] =	wrdreg s9;
	s12 =	sadd.s32 s3, s21  }
0x19: {  	s3 =	sadd.s32 s23, s3;
	s21 =	simm.s32 $0xD;
	s23 =	simm.s32 $0x80  }
0x1a: {  	[dreg:$0x12] =	wrdreg s0;
	s0 =	simm.s32 $0x2;
	s9 =	simm.s32 $0xB  }
0x1b: {  	[dreg:$0xd] =	wrdreg s12;
	s3 =	sadd.s32 s20, s3;
	s20 =	simm.s32 $0x4400  }
0x1c: {  	v0 =	vimm.f32 $0.0e+00;
	s12 =	simm.s32 $0x180;
	[dreg:$0x10] =	wrdreg s3;
	s3 =	simm.s32 $0x6  }
.LBB2_1:
0x1d: {  	[dreg:$0x13] =	wrdreg s17;
	s17 =	simm.s32 $0x100;
	s8 =	simm.s32 $0x0  }
.LBB2_2:
0x1e: {  	p1 =	sne.s32 s17, $0x4F00;
	[tilespmem:s8+$0x4430] =	vst v0;
	s18 =	smov.u32 s17;
	s17 =	sadd.s32 $0x100, s17  }
.Ltmp0:
0x1f: {  	[tilespmem:s8+$0x4420] =	vst v0;
	(pc) =	sbr.rel @p1 .LBB2_2-.Ltmp0, $3  }
0x20: {  	[tilespmem:s8+$0x4400] =	vst v0  }
0x21: {  	[tilespmem:s8+$0x4410] =	vst v0;
	_ =	sdelay $0x1  }
0x22: {  	s8 =	sshra.s32 s18, $0x2  }
0x23: {  	[tilespmem:s8+$0x4430] =	vst v0;
	s25 =	rddreg [dreg:$0x4]  }
0x24: {  	[tilespmem:s8+$0x4420] =	vst v0;
	p1 =	sne.s32 s25, $0x1  }
.Ltmp1:
0x25: {  	[tilespmem:s8+$0x4400] =	vst v0;
	(pc) =	sbr.rel @!p1 .LBB2_5-.Ltmp1, $4  }
0x26: {  	[tilespmem:s8+$0x4410] =	vst v0;
	s17 =	rddreg [dreg:$0xf]  }
0x27: {  	[spmem:s17] =	stream.linear.scatter [tilespmem:s20], [sflag:$0xD], $0x1400, $0x38;
	[tilespmem:$0xF440] =	vst v63  }
0x28: {  	_ =	swait.ge [sflag:s21], $0x1400  }
0x29: {  	s8 =	sadd.s32 $0xFFFFFFFF, s25;
	[sflag:s21] =	ssyncset.done $0x0  }
.LBB2_4:
0x2a: {  	p2 =	sne.s32 s8, $0x1;
	[sflag:s21] =	ssyncadd.s32 $0xFFFFEC00;
	s17 =	sadd.s32 $0x14000, s17  }
.Ltmp2:
0x2b: {  	s8 =	sadd.s32 $0xFFFFFFFF, s8;
	(pc) =	sbr.rel @p2 .LBB2_4-.Ltmp2, $4  }
0x2c: {  	_ = 	snop  }
0x2d: {  	[spmem:s17] =	stream.linear.scatter [tilespmem:s20], [sflag:$0xD], $0x1400, $0x38;
	[tilespmem:$0xF440] =	vst v63  }
0x2e: {  	_ =	swait.ge [sflag:s21], $0x1400  }
0x2f: {  	[sflag:s21] =	ssyncset.done $0x0  }
.LBB2_5:
0x30: {  	[sflag:s21] =	ssyncadd.s32 $0xFFFFEC00  }
0x31: {  	[bflag:$0x0] =	sbarrier.arrive $0xFFFF  }
0x32: {  	s8 =	rddreg [dreg:$0x6]  }
0x33: {  	s25 =	rddreg [dreg:$0x5]  }
0x34: {  	s17 =	simm.s32 $0x0;
	s18 =	rddreg [dreg:$0x7]  }
0x35: {  	[tilespmem:s17], [sflag:$0x1] =	stream.linear.gather [hbm4b:s8+s17], $0x80, $0x38;
	[tilespmem:$0xF440] =	vst v63  }
0x36: {  	s8 =	sadd.s32 s25, s18  }
0x37: {  	[tilespmem:s22], [sflag:$0x5] =	stream.linear.gather [hbm4b:s8+s17], $0x80, $0x38;
	[tilespmem:$0xF440] =	vst v63  }
0x38: {  	s25 =	rddreg [dreg:$0x9]  }
0x39: {  	[tilespmem:s23], [sflag:$0x2] =	stream.linear.gather [hbm4b:s25+s17], $0x80, $0x38;
	[tilespmem:$0xF440] =	vst v63  }
0x3a: {  	s25 =	rddreg [dreg:$0x8]  }
0x3b: {  	s8 =	sadd.s32 s25, s18  }
0x3c: {  	[tilespmem:s24], [sflag:$0x6] =	stream.linear.gather [hbm4b:s8+s17], $0x80, $0x38;
	[tilespmem:$0xF440] =	vst v63  }
0x3d: {  	s25 =	rddreg [dreg:$0xb]  }
0x3e: {  	[tilespmem:s26], [sflag:$0x3] =	stream.linear.gather [hbm4b:s25+s17], $0x80, $0x38;
	[tilespmem:$0xF440] =	vst v63  }
0x3f: {  	s25 =	rddreg [dreg:$0xa]  }
0x40: {  	s8 =	sadd.s32 s25, s18  }
0x41: {  	[tilespmem:s28], [sflag:$0x7] =	stream.linear.gather [hbm4b:s8+s17], $0x80, $0x38;
	[tilespmem:$0xF440] =	vst v63  }
0x42: {  	_ =	swait.ge [sflag:s29], $0x80  }
0x43: {  	[sflag:s29] =	ssyncset.done $0x0  }
0x44: {  	[sflag:s29] =	ssyncadd.s32 $0xFFFFFF80  }
0x45: {  	_ =	swait.ge [sflag:s30], $0x80  }
0x46: {  	[sflag:s30] =	ssyncset.done $0x0  }
0x47: {  	[sflag:s30] =	ssyncadd.s32 $0xFFFFFF80  }
0x48: {  	[tilespmem:s31], [sflag:$0x9] =	stream.indirect.gather [hbm4b:s4+s23], $0x40, s17, s23, $0xb8;
	[tilespmem:$0xF440] =	vst v63  }
.LBB2_6:
0x49: {  	p2 =	seq.s32 s17, $0x0  }
0x4a: {  	s8 =	simm.s32 @!p2 $0xC  }
0x4b: {  	_ =	swait.ge @!p2 [sflag:s8], $0x2000  }
0x4c: {  	[sflag:s8] =	ssyncset.done @!p2 $0x0  }
0x4d: {  	[sflag:s8] =	ssyncadd.s32 @!p2 $0xFFFFE000  }
0x4e: {  	_ =	swait.ge [sflag:s0], $0x80  }
0x4f: {  	[sflag:s0] =	ssyncset.done $0x0  }
0x50: {  	[sflag:s0] =	ssyncadd.s32 $0xFFFFFF80  }
0x51: {  	_ =	swait.ge [sflag:s3], $0x80  }
0x52: {  	[sflag:s3] =	ssyncset.done $0x0  }
0x53: {  	[sflag:s3] =	ssyncadd.s32 $0xFFFFFF80  }
0x54: {  	[tilespmem:s7], [sflag:$0xA] =	stream.indirect.gather [hbm4b:s4+s23], $0x40, s23, s23, $0xb8;
	[tilespmem:$0xF440] =	vst v63  }
0x55: {  	_ =	swait.ge [sflag:s10], $0x2000  }
0x56: {  	s18 =	rddreg [dreg:$0x10]  }
0x57: {  	[sflag:s10] =	ssyncset.done $0x0;
	s8 =	sadd.s32 s17, s18  }
0x58: {  	s25 =	rddreg [dreg:$0x12];
	[sflag:s10] =	ssyncadd.s32 $0xFFFFE000;
	s18 =	sadd.s32 $0x600, s8  }
0x59: {  	[tilespmem:s12], [sflag:$0x4] =	stream.linear.gather [hbm4b:s18+s2], $0x80, $0x38;
	[tilespmem:$0xF440] =	vst v63  }
0x5a: {  	s18 =	sadd.s32 s17, s25  }
0x5b: {  	s25 =	sadd.s32 $0x600, s18  }
0x5c: {  	[tilespmem:s14], [sflag:$0x8] =	stream.linear.gather [hbm4b:s25+s2], $0x80, $0x38;
	[tilespmem:$0xF440] =	vst v63  }
0x5d: {  	_ = 	snop  }
0x5e: {  	[spmem:s1] =	stream.indirect.scatter.add.f32 [tilespmem:s31], [sflag:$0xB], $0x40, s22, s23, $0xb8;
	[tilespmem:$0xF440] =	vst v63  }
0x5f: {  	_ =	swait.ge [sflag:s9], $0x2000  }
0x60: {  	[sflag:s9] =	ssyncset.done $0x0  }
0x61: {  	[sflag:s9] =	ssyncadd.s32 $0xFFFFE000  }
0x62: {  	_ =	swait.ge [sflag:s16], $0x80  }
0x63: {  	[sflag:s16] =	ssyncset.done $0x0  }
0x64: {  	[sflag:s16] =	ssyncadd.s32 $0xFFFFFF80  }
0x65: {  	_ =	swait.ge [sflag:s11], $0x80  }
0x66: {  	[sflag:s11] =	ssyncset.done $0x0  }
0x67: {  	[sflag:s11] =	ssyncadd.s32 $0xFFFFFF80  }
0x68: {  	[tilespmem:s31], [sflag:$0x9] =	stream.indirect.gather [hbm4b:s4+s23], $0x40, s26, s23, $0xb8;
	[tilespmem:$0xF440] =	vst v63  }
0x69: {  	_ =	swait.ge [sflag:s13], $0x2000  }
0x6a: {  	[sflag:s13] =	ssyncset.done $0x0  }
0x6b: {  	s25 =	sadd.s32 $0x800, s8;
	[sflag:s13] =	ssyncadd.s32 $0xFFFFE000  }
0x6c: {  	[tilespmem:s2], [sflag:$0x1] =	stream.linear.gather [hbm4b:s25+s2], $0x80, $0x38;
	[tilespmem:$0xF440] =	vst v63  }
0x6d: {  	s25 =	sadd.s32 $0x800, s18  }
0x6e: {  	[tilespmem:s22], [sflag:$0x5] =	stream.linear.gather [hbm4b:s25+s2], $0x80, $0x38;
	[tilespmem:$0xF440] =	vst v63  }
0x6f: {  	_ = 	snop  }
0x70: {  	[spmem:s1] =	stream.indirect.scatter.add.f32 [tilespmem:s7], [sflag:$0xC], $0x40, s24, s23, $0xb8;
	[tilespmem:$0xF440] =	vst v63  }
0x71: {  	_ =	swait.ge [sflag:s6], $0x2000  }
0x72: {  	[sflag:s6] =	ssyncset.done $0x0  }
0x73: {  	[sflag:s6] =	ssyncadd.s32 $0xFFFFE000  }
0x74: {  	_ =	swait.ge [sflag:s19], $0x80  }
0x75: {  	[sflag:s19] =	ssyncset.done $0x0  }
0x76: {  	[sflag:s19] =	ssyncadd.s32 $0xFFFFFF80  }
0x77: {  	_ =	swait.ge [sflag:s5], $0x80  }
0x78: {  	[sflag:s5] =	ssyncset.done $0x0  }
0x79: {  	[sflag:s5] =	ssyncadd.s32 $0xFFFFFF80  }
0x7a: {  	[tilespmem:s7], [sflag:$0xA] =	stream.indirect.gather [hbm4b:s4+s23], $0x40, s12, s23, $0xb8;
	[tilespmem:$0xF440] =	vst v63  }
0x7b: {  	_ =	swait.ge [sflag:s10], $0x2000  }
0x7c: {  	[sflag:s10] =	ssyncset.done $0x0  }
0x7d: {  	s25 =	sadd.s32 $0xA00, s8;
	[sflag:s10] =	ssyncadd.s32 $0xFFFFE000  }
0x7e: {  	[tilespmem:s23], [sflag:$0x2] =	stream.linear.gather [hbm4b:s25+s2], $0x80, $0x38;
	[tilespmem:$0xF440] =	vst v63  }
0x7f: {  	s25 =	sadd.s32 $0xA00, s18  }
0x80: {  	[tilespmem:s24], [sflag:$0x6] =	stream.linear.gather [hbm4b:s25+s2], $0x80, $0x38;
	[tilespmem:$0xF440] =	vst v63  }
0x81: {  	_ = 	snop  }
0x82: {  	[spmem:s1] =	stream.indirect.scatter.add.f32 [tilespmem:s31], [sflag:$0xB], $0x40, s28, s23, $0xb8;
	[tilespmem:$0xF440] =	vst v63  }
0x83: {  	_ =	swait.ge [sflag:s9], $0x2000  }
0x84: {  	[sflag:s9] =	ssyncset.done $0x0  }
0x85: {  	[sflag:s9] =	ssyncadd.s32 $0xFFFFE000  }
0x86: {  	_ =	swait.ge [sflag:s29], $0x80  }
0x87: {  	[sflag:s29] =	ssyncset.done $0x0  }
0x88: {  	[sflag:s29] =	ssyncadd.s32 $0xFFFFFF80  }
0x89: {  	_ =	swait.ge [sflag:s30], $0x80  }
0x8a: {  	p2 =	seq.s32 s17, $0x9000;
	[sflag:s30] =	ssyncset.done $0x0  }
.Ltmp3:
0x8b: {  	[sflag:s30] =	ssyncadd.s32 $0xFFFFFF80;
	(pc) =	sbr.rel @p2 .LBB2_8-.Ltmp3, $4  }
0x8c: {  	[tilespmem:s31], [sflag:$0x9] =	stream.indirect.gather [hbm4b:s4+s23], $0x40, s2, s23, $0xb8;
	[tilespmem:$0xF440] =	vst v63  }
0x8d: {  	_ =	swait.ge [sflag:s13], $0x2000  }
0x8e: {  	[sflag:s13] =	ssyncset.done $0x0  }
0x8f: {  	[sflag:s13] =	ssyncadd.s32 $0xFFFFE000  }
0x90: {  	s8 =	sadd.s32 $0xC00, s8  }
0x91: {  	[tilespmem:s26], [sflag:$0x3] =	stream.linear.gather [hbm4b:s8+s2], $0x80, $0x38;
	[tilespmem:$0xF440] =	vst v63  }
.Ltmp4:
0x92: {  	_ = 	snop;
	(pc) =	sbr.rel .LBB2_6-.Ltmp4, $4  }
0x93: {  	s25 =	sadd.s32 $0xC00, s18  }
0x94: {  	[tilespmem:s28], [sflag:$0x7] =	stream.linear.gather [hbm4b:s25+s2], $0x80, $0x38;
	[tilespmem:$0xF440] =	vst v63  }
0x95: {  	s17 =	sadd.s32 $0x800, s17  }
0x96: {  	[spmem:s1] =	stream.indirect.scatter.add.f32 [tilespmem:s7], [sflag:$0xC], $0x40, s14, s23, $0xb8;
	[tilespmem:$0xF440] =	vst v63  }
.LBB2_8:
0x97: {  	[spmem:s1] =	stream.indirect.scatter.add.f32 [tilespmem:s7], [sflag:$0xC], $0x40, s14, s23, $0xb8;
	[tilespmem:$0xF440] =	vst v63  }
0x98: {  	_ =	swait.ge [sflag:s6], $0x2000  }
0x99: {  	[sflag:s6] =	ssyncset.done $0x0  }
0x9a: {  	[sflag:s6] =	ssyncadd.s32 $0xFFFFE000  }
0x9b: {  	_ =	swait.ge [sflag:s0], $0x80  }
0x9c: {  	[sflag:s0] =	ssyncset.done $0x0  }
0x9d: {  	[sflag:s0] =	ssyncadd.s32 $0xFFFFFF80  }
0x9e: {  	_ =	swait.ge [sflag:s3], $0x80  }
0x9f: {  	[sflag:s3] =	ssyncset.done $0x0  }
0xa0: {  	[sflag:s3] =	ssyncadd.s32 $0xFFFFFF80  }
0xa1: {  	[tilespmem:s7], [sflag:$0xA] =	stream.indirect.gather [hbm4b:s4+s23], $0x40, s23, s23, $0xb8;
	[tilespmem:$0xF440] =	vst v63  }
0xa2: {  	_ =	swait.ge [sflag:s10], $0x2000  }
0xa3: {  	[sflag:s10] =	ssyncset.done $0x0  }
0xa4: {  	[sflag:s10] =	ssyncadd.s32 $0xFFFFE000  }
0xa5: {  	[spmem:s1] =	stream.indirect.scatter.add.f32 [tilespmem:s31], [sflag:$0xB], $0x40, s22, s23, $0xb8;
	[tilespmem:$0xF440] =	vst v63  }
0xa6: {  	_ =	swait.ge [sflag:s9], $0x2000  }
0xa7: {  	[sflag:s9] =	ssyncset.done $0x0  }
0xa8: {  	[sflag:s9] =	ssyncadd.s32 $0xFFFFE000  }
0xa9: {  	_ =	swait.ge [sflag:s13], $0x2000  }
0xaa: {  	[sflag:s13] =	ssyncset.done $0x0  }
0xab: {  	[sflag:s13] =	ssyncadd.s32 $0xFFFFE000  }
0xac: {  	[spmem:s1] =	stream.indirect.scatter.add.f32 [tilespmem:s7], [sflag:$0xC], $0x40, s24, s23, $0xb8;
	[tilespmem:$0xF440] =	vst v63  }
0xad: {  	_ =	swait.ge [sflag:s6], $0x2000  }
0xae: {  	[sflag:s6] =	ssyncset.done $0x0;
	s17 =	rddreg [dreg:$0xd]  }
0xaf: {  	s8 =	simm.s32 @!p0 $0x0;
	s18 =	rddreg [dreg:$0xc];
	[sflag:s6] =	ssyncadd.s32 $0xFFFFE000  }
0xb0: {  	[tilespmem:s8], [sflag:$0x1] =	stream.linear.gather @!p0 [hbm4b:s17+s8], $0x80, $0x38;
	[tilespmem:$0xF440] =	vst v63  }
0xb1: {  	s17 =	rddreg [dreg:$0x7]  }
0xb2: {  	s17 =	sadd.s32 @!p0 s18, s17;
	s18 =	simm.s32 @!p0 $0x200  }
0xb3: {  	[tilespmem:s18], [sflag:$0x5] =	stream.linear.gather @!p0 [hbm4b:s17+s8], $0x80, $0x38;
	[tilespmem:$0xF440] =	vst v63  }
0xb4: {  	s17 =	simm.s32 @!p0 $0x1  }
0xb5: {  	_ =	swait.ge @!p0 [sflag:s17], $0x80  }
0xb6: {  	[sflag:s17] =	ssyncset.done @!p0 $0x0  }
0xb7: {  	[sflag:s17] =	ssyncadd.s32 @!p0 $0xFFFFFF80;
	s17 =	simm.s32 @!p0 $0x5  }
0xb8: {  	_ =	swait.ge @!p0 [sflag:s17], $0x80  }
0xb9: {  	[sflag:s17] =	ssyncset.done @!p0 $0x0  }
0xba: {  	s25 =	simm.s32 @!p0 $0x400;
	[sflag:s17] =	ssyncadd.s32 @!p0 $0xFFFFFF80;
	s17 =	simm.s32 @!p0 $0x80  }
0xbb: {  	[tilespmem:s25], [sflag:$0x9] =	stream.indirect.gather @!p0 [hbm4b:s4+s17], $0x40, s8, s17, $0xb8;
	[tilespmem:$0xF440] =	vst v63  }
0xbc: {  	s8 =	simm.s32 @!p0 $0x9  }
0xbd: {  	_ =	swait.ge @!p0 [sflag:s8], $0x2000  }
0xbe: {  	[sflag:s8] =	ssyncset.done @!p0 $0x0  }
0xbf: {  	[sflag:s8] =	ssyncadd.s32 @!p0 $0xFFFFE000;
	s8 =	simm.s32 @!p0 $0xB  }
0xc0: {  	[spmem:s1] =	stream.indirect.scatter.add.f32 @!p0 [tilespmem:s25], [sflag:$0xB], $0x40, s18, s17, $0xb8;
	[tilespmem:$0xF440] =	vst v63  }
0xc1: {  	_ =	swait.ge @!p0 [sflag:s8], $0x2000  }
0xc2: {  	[sflag:s8] =	ssyncset.done @!p0 $0x0  }
0xc3: {  	[sflag:s8] =	ssyncadd.s32 @!p0 $0xFFFFE000  }
0xc4: {  	[bflag:$0x0] =	sbarrier.arrive $0xFFFF  }
0xc5: {  	s18 =	rddreg [dreg:$0xf]  }
0xc6: {  	[tilespmem:s20], [sflag:$0xD] =	stream.linear.gather [spmem:s18], $0x1400, $0x38;
	[tilespmem:$0xF440] =	vst v63  }
0xc7: {  	_ =	swait.ge [sflag:s21], $0x1400  }
0xc8: {  	[sflag:s21] =	ssyncset.done $0x0;
	s17 =	rddreg [dreg:$0x11]  }
.Ltmp5:
0xc9: {  	[sflag:s21] =	ssyncadd.s32 $0xFFFFEC00;
	s25 =	sadd.s32 s17, s15;
	(pc) =	sbr.rel @!p1 .LBB2_10-.Ltmp5, $4  }
0xca: {  	[hbm4b:s25+s2] =	stream.linear.scatter [tilespmem:s20], [sflag:$0xD], $0x1400, $0x38;
	[tilespmem:$0xF440] =	vst v63  }
0xcb: {  	_ =	swait.ge [sflag:s21], $0x1400  }
0xcc: {  	s25 =	rddreg [dreg:$0x4]  }
0xcd: {  	[sflag:s21] =	ssyncset.done $0x0;
	s8 =	sadd.s32 $0xFFFFFFFF, s25  }
.LBB2_9:
0xce: {  	[sflag:s21] =	ssyncadd.s32 $0xFFFFEC00;
	s17 =	sadd.s32 $0x2800, s17;
	s18 =	sadd.s32 $0x14000, s18  }
0xcf: {  	[tilespmem:s20], [sflag:$0xD] =	stream.linear.gather [spmem:s18], $0x1400, $0x38;
	[tilespmem:$0xF440] =	vst v63  }
0xd0: {  	p1 =	sne.s32 s8, $0x1;
	s8 =	sadd.s32 $0xFFFFFFFF, s8;
	_ =	swait.ge [sflag:s21], $0x1400  }
.Ltmp6:
0xd1: {  	[sflag:s21] =	ssyncset.done $0x0;
	(pc) =	sbr.rel @p1 .LBB2_9-.Ltmp6, $4  }
0xd2: {  	s25 =	sadd.s32 s17, s15;
	[sflag:s21] =	ssyncadd.s32 $0xFFFFEC00  }
0xd3: {  	[hbm4b:s25+s2] =	stream.linear.scatter [tilespmem:s20], [sflag:$0xD], $0x1400, $0x38;
	[tilespmem:$0xF440] =	vst v63  }
0xd4: {  	_ =	swait.ge [sflag:s21], $0x1400  }
0xd5: {  	[sflag:s21] =	ssyncset.done $0x0  }
.LBB2_10:
0xd6: {  	s17 =	rddreg [dreg:$0x13]  }
0xd7: {  	s8 =	rddreg [dreg:$0xe];
	s17 =	sadd.s32 $0x1, s17  }
0xd8: {  	p1 =	sne.s32 s17, s8  }
.Ltmp7:
0xd9: {  	_ = 	snop;
	(pc) =	sbr.rel @p1 .LBB2_1-.Ltmp7, $2  }
0xda: {  	_ =	sdelay $0x2  }
0xdb: {  	[sflag:s21] =	ssyncadd.s32 $0xFFFFEC00  }
0xdc: {  	_ =	sfence.sel $0x180000  }
0xdd: {  	[bflag:$0x0] =	sbarrier.arrive $0xFFFF  }
0xde: {  	_ =	strace $0x9000004A  }
0xdf: {  	s0 =	stileid.u32;
	[bflag:$0x2] =	sbarrier.arrive $0xFFFF  }
0xe0: {  	p0 =	sne.s32 s0, $0x0;
	s0 =	rddreg [dreg:$0x3]  }
0xe1: {  	s0 =	sadd.s32 @!p0 $0x100000, s0  }
0xe2: {  	[sflag:s0] =	ssyncadd.tile.s32 @!p0 $0x1;
	_ =	shalt  }
.Lfunc_end2:
_tile_overlayer_lowered:
.L_overlay_start_2:
0xe3: {  	(tag) =	ssettag $0x2  }
0xe4: {  	s0 =	rddreg [dreg:$0x0];
	s2 =	stileid.u32  }
0xe5: {  	s1 =	rddreg [dreg:$0x1];
	p0 =	sne.s32 s2, $0x0  }
0xe6: {  	s3 =	rddreg [dreg:$0x2];
	[bflag:$0x3] =	sbarrier.arrive $0xFFFF;
	s2 =	simm.s32 @!p0 $0x1C0D  }
0xe7: {  	[timem:s3], [sflag:s2] =	dma.local @!p0 [hbm:s0], s1  }
0xe8: {  	s0 =	simm.s32 @!p0 $0xD  }
0xe9: {  	_ =	swait.ge @!p0 [sflag:s0], s1  }
0xea: {  	s1 =	ssub.s32 @!p0 $0x0, s1;
	[sflag:s0] =	ssyncset.done @!p0 $0x0  }
0xeb: {  	[sflag:s0] =	ssyncadd.s32 @!p0 s1  }
0xec: {  	[bflag:$0x3] =	sbarrier.arrive $0xFFFF  }
0xed: {  	_ =	shalt  }

</sc_bundles>
